<compile_context>
chip_gen: v7x
topology: tpu7x:2x2x1
jax: 0.10.2.dev20260603
libtpu: 0.0.44.dev20260713+nightly
codegen_flags: <defaults>
</compile_context>

<pallas_src>
import functools

import jax
import jax.numpy as jnp
from jax import lax
from jax.experimental import pallas as pl
from jax.experimental.pallas import tpu as pltpu
from jax.experimental.pallas import tpu_sc as plsc

B = 16384
E = 64
V = 100000
L = 16
NC = 2
NS = 16
NW = NC * NS
VMAIN = 99968
VTAIL = V - VMAIN
VPAD = VMAIN + 128
S0 = 50048
S1 = VMAIN - S0
IQ = B // 4
T_U, T_M, T_UB, T_MB, T_LEN = 0, 2048, 4096, 4128, 5120


def _sc_main(idx_t, uembt, membt, ubt, mbt, tails):
    @functools.partial(
        pl.kernel,
        out_type=[
            jax.ShapeDtypeStruct((NW, 128), jnp.float32),
            jax.ShapeDtypeStruct((B,), jnp.float32),
            jax.ShapeDtypeStruct((B,), jnp.float32),
        ],
        mesh=plsc.VectorSubcoreMesh(core_axis_name="c", subcore_axis_name="s"),
        compiler_params=pltpu.CompilerParams(needs_layout_passes=False),
        scratch_types=[
            pltpu.VMEM((VPAD,), jnp.float32),
            pltpu.VMEM((B,), jnp.float32),
            pltpu.VMEM((IQ,), jnp.int32),
            pltpu.VMEM((IQ,), jnp.int32),
            pltpu.VMEM((T_LEN,), jnp.float32),
            pltpu.SemaphoreType.DMA,
            pltpu.SemaphoreType.DMA,
            pltpu.SemaphoreType.DMA,
        ],
    )
    def k(idx_hbm, uembt_hbm, membt_hbm, ubt_hbm, mbt_hbm, tails_hbm,
          partials_out, bu_out, bm_out,
          rowv, uvec, idxa, idxb, tails_v, sem0, sem1, semi):
        wid = lax.axis_index("s") * NC + lax.axis_index("c")
        lanes = jnp.arange(L, dtype=jnp.int32)
        pltpu.sync_copy(tails_hbm, tails_v)
        ibufs = (idxa, idxb)

        def stage_row(src2d, row, tbase, is_bias):
            cp0 = pltpu.async_copy(src2d.at[row, pl.ds(0, S0)],
                                   rowv.at[pl.ds(0, S0)], sem0)
            cp1 = pltpu.async_copy(src2d.at[row, pl.ds(S0, S1)],
                                   rowv.at[pl.ds(S0, S1)], sem1)
            cp0.wait()
            cp1.wait()
            for c in range(VTAIL // L):
                rel = lanes + c * L
                fidx = tbase + (rel if is_bias else rel * E + row)
                rowv[pl.ds(VMAIN + c * L, L)] = plsc.load_gather(tails_v, [fidx])

        def quarter_loop(idx_row, mode, acc0):
            acc = acc0
            cp = pltpu.async_copy(idx_hbm.at[idx_row, pl.ds(0, IQ)], ibufs[0],
                                  semi)
            for q in range(4):
                cp.wait()
                if q < 3:
                    cp = pltpu.async_copy(
                        idx_hbm.at[idx_row, pl.ds((q + 1) * IQ, IQ)],
                        ibufs[(q + 1) % 2], semi)
                idxv = ibufs[q % 2]
                base = q * IQ

                if mode == 0:
                    @plsc.parallel_loop(0, IQ, step=L, unroll=16)
                    def _(off):
                        ic = idxv[pl.ds(off, L)]
                        uvec[pl.ds(base + off, L)] = plsc.load_gather(rowv, [ic])
                else:
                    @plsc.parallel_loop(0, IQ, step=2 * L, unroll=8, carry=acc)
                    def acc(off, a):
                        a0, a1 = a
                        ic0 = idxv[pl.ds(off, L)]
                        g0 = plsc.load_gather(rowv, [ic0])
                        a0 = a0 + g0 * uvec[pl.ds(base + off, L)]
                        ic1 = idxv[pl.ds(off + L, L)]
                        g1 = plsc.load_gather(rowv, [ic1])
                        a1 = a1 + g1 * uvec[pl.ds(base + off + L, L)]
                        return (a0, a1)
            return acc

        def bias_job(bt_hbm, idx_row, tbase, q, out_hbm):
            stage_row(bt_hbm, 0, tbase, True)
            pltpu.sync_copy(idx_hbm.at[idx_row, pl.ds(q * IQ, IQ)], idxa)

            @plsc.parallel_loop(0, IQ, step=L, unroll=16)
            def _(off):
                ic = idxa[pl.ds(off, L)]
                uvec[pl.ds(off, L)] = plsc.load_gather(rowv, [ic])
            pltpu.sync_copy(uvec.at[pl.ds(0, IQ)], out_hbm.at[pl.ds(q * IQ, IQ)])

        @pl.when(wid < 4)
        def _():
            bias_job(ubt_hbm, 0, T_UB, wid, bu_out)

        @pl.when((wid >= 4) & (wid < 8))
        def _():
            bias_job(mbt_hbm, 1, T_MB, wid - 4, bm_out)

        acc = (jnp.zeros((L,), jnp.float32), jnp.zeros((L,), jnp.float32))
        for j in range(2):
            e = wid * 2 + j
            stage_row(uembt_hbm, e, T_U, False)
            quarter_loop(0, 0, None)
            stage_row(membt_hbm, e, T_M, False)
            acc = quarter_loop(1, 1, acc)

        o = uvec
        o[pl.ds(0, L)] = acc[0] + acc[1]
        zero = jnp.zeros((L,), jnp.float32)
        for c in range(1, 128 // L):
            o[pl.ds(c * L, L)] = zero
        pltpu.sync_copy(o.at[pl.ds(0, 128)], partials_out.at[wid])

    return k(idx_t, uembt, membt, ubt, mbt, tails)


def _tc_finish(partials, bu2d, bm2d):
    def body(p_ref, bu_ref, bm_ref, o_ref):
        s = jnp.sum(p_ref[...])
        o_ref[...] = jax.nn.sigmoid(bu_ref[...] + bm_ref[...] + s)

    return pl.pallas_call(
        body,
        out_shape=jax.ShapeDtypeStruct(bu2d.shape, jnp.float32),
    )(partials, bu2d, bm2d)


def kernel(inputs, user_emb, user_bias_tab, movie_emb, movie_bias_tab):
    tails = jnp.concatenate([
        user_emb[VMAIN:].reshape(-1),
        movie_emb[VMAIN:].reshape(-1),
        user_bias_tab[VMAIN:, 0],
        movie_bias_tab[VMAIN:, 0],
        jnp.zeros((T_LEN - T_MB - VTAIL,), jnp.float32),
    ])
    partials, bu, bm = _sc_main(inputs.T, user_emb.T, movie_emb.T,
                                user_bias_tab.T, movie_bias_tab.T, tails)
    out2d = _tc_finish(partials, bu.reshape(128, 128), bm.reshape(128, 128))
    return out2d.reshape(B, 1)

# --- scband reference (transcript-rebuilt; emitter-appended) ---
"""Pipeline reference for scband-recommender-net-82944408420862 (READ-ONLY COPY).

The authoritative reference and input builder live on the scoring server;
editing this copy changes nothing except your own understanding.
"""

import jax, jax.numpy as jnp
import numpy as np

NUM_USERS = 100000
NUM_MOVIES = 100000
EMBED = 64
BATCH = 16384

def setup_inputs(seed: int = 0) -> dict:
    key = jax.random.key(seed)
    k_idx, k_ue, k_ub, k_me, k_mb = jax.random.split(key, 5)
    inputs = jax.random.randint(k_idx, (BATCH, 2), 0, NUM_USERS, dtype=jnp.int64 if jax.config.read('jax_enable_x64') else jnp.int32)
    # he_normal init: stddev = sqrt(2 / fan_in)
    std = np.sqrt(2.0 / EMBED)
    user_emb = jax.random.normal(k_ue, (NUM_USERS, EMBED), dtype=jnp.float32) * std
    user_bias_tab = jax.random.normal(k_ub, (NUM_USERS, 1), dtype=jnp.float32) * 0.01
    movie_emb = jax.random.normal(k_me, (NUM_MOVIES, EMBED), dtype=jnp.float32) * std
    movie_bias_tab = jax.random.normal(k_mb, (NUM_MOVIES, 1), dtype=jnp.float32) * 0.01
    return {"inputs": inputs, "user_emb": user_emb, "user_bias_tab": user_bias_tab, "movie_emb": movie_emb, "movie_bias_tab": movie_bias_tab}


def reference(inputs, user_emb, user_bias_tab, movie_emb, movie_bias_tab):
    user_vector = jnp.take(user_emb, inputs[:, 0], axis=0)        # [B, E]
    user_bias = jnp.take(user_bias_tab, inputs[:, 0], axis=0)     # [B, 1]
    movie_vector = jnp.take(movie_emb, inputs[:, 1], axis=0)      # [B, E]
    movie_bias = jnp.take(movie_bias_tab, inputs[:, 1], axis=0)   # [B, 1]
    # tf.tensordot(user_vector, movie_vector, 2): contracts over both axes -> scalar
    dot_user_movie = jnp.tensordot(user_vector, movie_vector, axes=2)
    x = dot_user_movie + user_bias + movie_bias                   # [B, 1] via broadcast
    return jax.nn.sigmoid(x)

if __name__ == "__main__":
    import jax
    _d = setup_inputs()
    print(jax.jit(kernel)(*tuple(_d.values())))

</pallas_src>

<mosaic_0001>
#map = affine_map<(d0, d1) -> (0, 0)>
#map1 = affine_map<(d0, d1) -> (0)>
module attributes {stable_mosaic.version = 14 : i64} {
  func.func @k(%arg0: i32, %arg1: i32, %arg2: memref<2x16384xi32, #tpu.memory_space<hbm>>, %arg3: memref<64x100000xf32, #tpu.memory_space<hbm>>, %arg4: memref<64x100000xf32, #tpu.memory_space<hbm>>, %arg5: memref<1x100000xf32, #tpu.memory_space<hbm>>, %arg6: memref<1x100000xf32, #tpu.memory_space<hbm>>, %arg7: memref<5120xf32, #tpu.memory_space<hbm>>, %arg8: memref<32x128xf32, #tpu.memory_space<hbm>>, %arg9: memref<16384xf32, #tpu.memory_space<hbm>>, %arg10: memref<16384xf32, #tpu.memory_space<hbm>>, %arg11: memref<100096xf32, #tpu.memory_space<vmem>>, %arg12: memref<16384xf32, #tpu.memory_space<vmem>>, %arg13: memref<4096xi32, #tpu.memory_space<vmem>>, %arg14: memref<4096xi32, #tpu.memory_space<vmem>>, %arg15: memref<5120xf32, #tpu.memory_space<vmem>>, %arg16: memref<!tpu.dma_semaphore, #tpu.memory_space<semaphore_mem>>, %arg17: memref<!tpu.dma_semaphore, #tpu.memory_space<semaphore_mem>>, %arg18: memref<!tpu.dma_semaphore, #tpu.memory_space<semaphore_mem>>) attributes {dimension_semantics = [#tpu.dimension_semantics<core_parallel>, #tpu.dimension_semantics<subcore_parallel>], iteration_bounds = array<i64: 2, 16>, scalar_prefetch = 0 : i64, scratch_operands = 8 : i64, tpu.core_type = #tpu.core_type<sc_vector_subcore>, window_params = [{transform_indices = #map}, {transform_indices = #map}, {transform_indices = #map}, {transform_indices = #map}, {transform_indices = #map}, {transform_indices = #map1}, {transform_indices = #map}, {transform_indices = #map1}, {transform_indices = #map1}]} {
    %mul3A = arith.constant 2 : i32
    %mul3A_0 = arith.muli %arg1, %mul3A : i32
    %add3A = arith.addi %mul3A_0, %arg0 : i32
    %iota3A = tpu.iota {dimensions = array<i32: 0>} : vector<16xi32>
    "tpu.region"() ({
      %run_scoped3A = tpu.sem_alloc : memref<!tpu.dma_semaphore, #tpu.memory_space<semaphore_mem>>
      tpu.enqueue_dma source(%arg7 : memref<5120xf32, #tpu.memory_space<hbm>>) target(%arg15 : memref<5120xf32, #tpu.memory_space<vmem>>) target_semaphore(%run_scoped3A : memref<!tpu.dma_semaphore, #tpu.memory_space<semaphore_mem>>)
      tpu.wait_dma2 semaphore(%run_scoped3A : memref<!tpu.dma_semaphore, #tpu.memory_space<semaphore_mem>>) src(%arg7 : memref<5120xf32, #tpu.memory_space<hbm>>) dst(%arg15 : memref<5120xf32, #tpu.memory_space<vmem>>)
      tpu.yield
    }) : () -> ()
    %lt3A = arith.constant 4 : i32
    %lt3A_1 = arith.cmpi slt, %add3A, %lt3A : i32
    %convert_element_type3A = arith.extui %lt3A_1 : i1 to i32
    %cond3A = arith.constant 0 : i32
    %cond3A_2 = arith.cmpi ne, %convert_element_type3A, %cond3A : i32
    scf.if %cond3A_2 {
      %dma_start3A_586 = arith.constant 0 : i32
      %dma_start3A_587 = arith.constant 0 : i32
      %dma_start3A_588 = tpu.memref_slice %arg11[%dma_start3A_587] : memref<100096xf32, #tpu.memory_space<vmem>> -> memref<50048xf32, #tpu.memory_space<vmem>>
      %dma_start3A_589 = arith.constant 0 : i32
      %dma_start3A_590 = tpu.memref_slice %arg5[%dma_start3A_586, %dma_start3A_589] : memref<1x100000xf32, #tpu.memory_space<hbm>> -> memref<1x50048xf32, #tpu.memory_space<hbm>>
      %dma_start3A_591 = tpu.memref_squeeze %dma_start3A_590 : memref<1x50048xf32, #tpu.memory_space<hbm>> -> memref<50048xf32, #tpu.memory_space<hbm>>
      %dma_start3A_592 = arith.constant 0 : i32
      %dma_start3A_593 = tpu.memref_slice %arg11[%dma_start3A_592] : memref<100096xf32, #tpu.memory_space<vmem>> -> memref<50048xf32, #tpu.memory_space<vmem>>
      %dma_start3A_594 = arith.constant 0 : i32
      %dma_start3A_595 = tpu.memref_slice %arg5[%dma_start3A_586, %dma_start3A_594] : memref<1x100000xf32, #tpu.memory_space<hbm>> -> memref<1x50048xf32, #tpu.memory_space<hbm>>
      %dma_start3A_596 = tpu.memref_squeeze %dma_start3A_595 : memref<1x50048xf32, #tpu.memory_space<hbm>> -> memref<50048xf32, #tpu.memory_space<hbm>>
      tpu.enqueue_dma source(%dma_start3A_596 : memref<50048xf32, #tpu.memory_space<hbm>>) target(%dma_start3A_593 : memref<50048xf32, #tpu.memory_space<vmem>>) target_semaphore(%arg16 : memref<!tpu.dma_semaphore, #tpu.memory_space<semaphore_mem>>)
      %dma_start3A_597 = arith.constant 0 : i32
      %dma_start3A_598 = arith.constant 50048 : i32
      %dma_start3A_599 = tpu.memref_slice %arg11[%dma_start3A_598] : memref<100096xf32, #tpu.memory_space<vmem>> -> memref<49920xf32, #tpu.memory_space<vmem>>
      %dma_start3A_600 = arith.constant 50048 : i32
      %dma_start3A_601 = tpu.memref_slice %arg5[%dma_start3A_597, %dma_start3A_600] : memref<1x100000xf32, #tpu.memory_space<hbm>> -> memref<1x49920xf32, #tpu.memory_space<hbm>>
      %dma_start3A_602 = tpu.memref_squeeze %dma_start3A_601 : memref<1x49920xf32, #tpu.memory_space<hbm>> -> memref<49920xf32, #tpu.memory_space<hbm>>
      %dma_start3A_603 = arith.constant 50048 : i32
      %dma_start3A_604 = tpu.memref_slice %arg11[%dma_start3A_603] : memref<100096xf32, #tpu.memory_space<vmem>> -> memref<49920xf32, #tpu.memory_space<vmem>>
      %dma_start3A_605 = arith.constant 50048 : i32
      %dma_start3A_606 = tpu.memref_slice %arg5[%dma_start3A_597, %dma_start3A_605] : memref<1x100000xf32, #tpu.memory_space<hbm>> -> memref<1x49920xf32, #tpu.memory_space<hbm>>
      %dma_start3A_607 = tpu.memref_squeeze %dma_start3A_606 : memref<1x49920xf32, #tpu.memory_space<hbm>> -> memref<49920xf32, #tpu.memory_space<hbm>>
      tpu.enqueue_dma source(%dma_start3A_607 : memref<49920xf32, #tpu.memory_space<hbm>>) target(%dma_start3A_604 : memref<49920xf32, #tpu.memory_space<vmem>>) target_semaphore(%arg17 : memref<!tpu.dma_semaphore, #tpu.memory_space<semaphore_mem>>)
      %dma_wait3A_608 = arith.constant 0 : i32
      %dma_wait3A_609 = arith.constant 0 : i32
      %dma_wait3A_610 = tpu.memref_slice %arg11[%dma_wait3A_609] : memref<100096xf32, #tpu.memory_space<vmem>> -> memref<50048xf32, #tpu.memory_space<vmem>>
      %dma_wait3A_611 = arith.constant 0 : i32
      %dma_wait3A_612 = tpu.memref_slice %arg5[%dma_wait3A_608, %dma_wait3A_611] : memref<1x100000xf32, #tpu.memory_space<hbm>> -> memref<1x50048xf32, #tpu.memory_space<hbm>>
      %dma_wait3A_613 = tpu.memref_squeeze %dma_wait3A_612 : memref<1x50048xf32, #tpu.memory_space<hbm>> -> memref<50048xf32, #tpu.memory_space<hbm>>
      %dma_wait3A_614 = arith.constant 0 : i32
      %dma_wait3A_615 = tpu.memref_slice %arg11[%dma_wait3A_614] : memref<100096xf32, #tpu.memory_space<vmem>> -> memref<50048xf32, #tpu.memory_space<vmem>>
      %dma_wait3A_616 = arith.constant 0 : i32
      %dma_wait3A_617 = tpu.memref_slice %arg5[%dma_wait3A_608, %dma_wait3A_616] : memref<1x100000xf32, #tpu.memory_space<hbm>> -> memref<1x50048xf32, #tpu.memory_space<hbm>>
      %dma_wait3A_618 = tpu.memref_squeeze %dma_wait3A_617 : memref<1x50048xf32, #tpu.memory_space<hbm>> -> memref<50048xf32, #tpu.memory_space<hbm>>
      tpu.wait_dma2 semaphore(%arg16 : memref<!tpu.dma_semaphore, #tpu.memory_space<semaphore_mem>>) src(%dma_wait3A_618 : memref<50048xf32, #tpu.memory_space<hbm>>) dst(%dma_wait3A_615 : memref<50048xf32, #tpu.memory_space<vmem>>)
      %dma_wait3A_619 = arith.constant 0 : i32
      %dma_wait3A_620 = arith.constant 50048 : i32
      %dma_wait3A_621 = tpu.memref_slice %arg11[%dma_wait3A_620] : memref<100096xf32, #tpu.memory_space<vmem>> -> memref<49920xf32, #tpu.memory_space<vmem>>
      %dma_wait3A_622 = arith.constant 50048 : i32
      %dma_wait3A_623 = tpu.memref_slice %arg5[%dma_wait3A_619, %dma_wait3A_622] : memref<1x100000xf32, #tpu.memory_space<hbm>> -> memref<1x49920xf32, #tpu.memory_space<hbm>>
      %dma_wait3A_624 = tpu.memref_squeeze %dma_wait3A_623 : memref<1x49920xf32, #tpu.memory_space<hbm>> -> memref<49920xf32, #tpu.memory_space<hbm>>
      %dma_wait3A_625 = arith.constant 50048 : i32
      %dma_wait3A_626 = tpu.memref_slice %arg11[%dma_wait3A_625] : memref<100096xf32, #tpu.memory_space<vmem>> -> memref<49920xf32, #tpu.memory_space<vmem>>
      %dma_wait3A_627 = arith.constant 50048 : i32
      %dma_wait3A_628 = tpu.memref_slice %arg5[%dma_wait3A_619, %dma_wait3A_627] : memref<1x100000xf32, #tpu.memory_space<hbm>> -> memref<1x49920xf32, #tpu.memory_space<hbm>>
      %dma_wait3A_629 = tpu.memref_squeeze %dma_wait3A_628 : memref<1x49920xf32, #tpu.memory_space<hbm>> -> memref<49920xf32, #tpu.memory_space<hbm>>
      tpu.wait_dma2 semaphore(%arg17 : memref<!tpu.dma_semaphore, #tpu.memory_space<semaphore_mem>>) src(%dma_wait3A_629 : memref<49920xf32, #tpu.memory_space<hbm>>) dst(%dma_wait3A_626 : memref<49920xf32, #tpu.memory_space<vmem>>)
      %add3A_630 = arith.constant 0 : i32
      %add3A_631 = vector.broadcast %add3A_630 : i32 to vector<16xi32>
      %add3A_632 = arith.addi %iota3A, %add3A_631 : vector<16xi32>
      %add3A_633 = arith.constant 4096 : i32
      %add3A_634 = vector.broadcast %add3A_633 : i32 to vector<16xi32>
      %add3A_635 = arith.addi %add3A_634, %add3A_632 : vector<16xi32>
      %gather3A_636 = tpu.vector_load_idx %arg15[%add3A_635] : memref<5120xf32, #tpu.memory_space<vmem>>[vector<16xi32>], vector<16xf32>,
      %swap3A_637 = arith.constant 99968 : index
      %swap3A_638 = tpu.vector_load %arg11[%swap3A_637] {strides = array<i32>} : memref<100096xf32, #tpu.memory_space<vmem>>, vector<16xf32>,
      tpu.vector_store %arg11[%swap3A_637], %gather3A_636 {strides = array<i32>} : memref<100096xf32, #tpu.memory_space<vmem>>, vector<16xf32>,
      %add3A_639 = arith.constant 16 : i32
      %add3A_640 = vector.broadcast %add3A_639 : i32 to vector<16xi32>
      %add3A_641 = arith.addi %iota3A, %add3A_640 : vector<16xi32>
      %add3A_642 = arith.constant 4096 : i32
      %add3A_643 = vector.broadcast %add3A_642 : i32 to vector<16xi32>
      %add3A_644 = arith.addi %add3A_643, %add3A_641 : vector<16xi32>
      %gather3A_645 = tpu.vector_load_idx %arg15[%add3A_644] : memref<5120xf32, #tpu.memory_space<vmem>>[vector<16xi32>], vector<16xf32>,
      %swap3A_646 = arith.constant 99984 : index
      %swap3A_647 = tpu.vector_load %arg11[%swap3A_646] {strides = array<i32>} : memref<100096xf32, #tpu.memory_space<vmem>>, vector<16xf32>,
      tpu.vector_store %arg11[%swap3A_646], %gather3A_645 {strides = array<i32>} : memref<100096xf32, #tpu.memory_space<vmem>>, vector<16xf32>,
      %mul3A_648 = arith.constant 4096 : i32
      %mul3A_649 = arith.muli %add3A, %mul3A_648 : i32
      %run_scoped3A = arith.constant 0 : i32
      "tpu.region"() ({
        %run_scoped3A_655 = tpu.sem_alloc : memref<!tpu.dma_semaphore, #tpu.memory_space<semaphore_mem>>
        %dma_start3A_656 = tpu.memref_slice %arg2[%run_scoped3A, %mul3A_649] : memref<2x16384xi32, #tpu.memory_space<hbm>> -> memref<1x4096xi32, #tpu.memory_space<hbm>>
        %dma_start3A_657 = tpu.memref_squeeze %dma_start3A_656 : memref<1x4096xi32, #tpu.memory_space<hbm>> -> memref<4096xi32, #tpu.memory_space<hbm>>
        %dma_start3A_658 = tpu.memref_slice %arg2[%run_scoped3A, %mul3A_649] : memref<2x16384xi32, #tpu.memory_space<hbm>> -> memref<1x4096xi32, #tpu.memory_space<hbm>>
        %dma_start3A_659 = tpu.memref_squeeze %dma_start3A_658 : memref<1x4096xi32, #tpu.memory_space<hbm>> -> memref<4096xi32, #tpu.memory_space<hbm>>
        tpu.enqueue_dma source(%dma_start3A_659 : memref<4096xi32, #tpu.memory_space<hbm>>) target(%arg13 : memref<4096xi32, #tpu.memory_space<vmem>>) target_semaphore(%run_scoped3A_655 : memref<!tpu.dma_semaphore, #tpu.memory_space<semaphore_mem>>)
        %dma_wait3A_660 = tpu.memref_slice %arg2[%run_scoped3A, %mul3A_649] : memref<2x16384xi32, #tpu.memory_space<hbm>> -> memref<1x4096xi32, #tpu.memory_space<hbm>>
        %dma_wait3A_661 = tpu.memref_squeeze %dma_wait3A_660 : memref<1x4096xi32, #tpu.memory_space<hbm>> -> memref<4096xi32, #tpu.memory_space<hbm>>
        %dma_wait3A_662 = tpu.memref_slice %arg2[%run_scoped3A, %mul3A_649] : memref<2x16384xi32, #tpu.memory_space<hbm>> -> memref<1x4096xi32, #tpu.memory_space<hbm>>
        %dma_wait3A_663 = tpu.memref_squeeze %dma_wait3A_662 : memref<1x4096xi32, #tpu.memory_space<hbm>> -> memref<4096xi32, #tpu.memory_space<hbm>>
        tpu.wait_dma2 semaphore(%run_scoped3A_655 : memref<!tpu.dma_semaphore, #tpu.memory_space<semaphore_mem>>) src(%dma_wait3A_663 : memref<4096xi32, #tpu.memory_space<hbm>>) dst(%arg13 : memref<4096xi32, #tpu.memory_space<vmem>>)
        tpu.yield
      }) : () -> ()
      %parallel_loop3A_650 = arith.constant 0 : i32
      %parallel_loop3A_651 = arith.constant 4096 : i32
      %parallel_loop3A_652 = arith.constant 16 : i32
      scf.for %parallel_loop3A_655 = %parallel_loop3A_650 to %parallel_loop3A_651 step %parallel_loop3A_652  : i32 {
        %parallel_loop3A_656 = arith.index_cast %parallel_loop3A_655 : i32 to index
        %parallel_loop3A_657 = tpu.vector_load %arg13[%parallel_loop3A_656] {strides = array<i32>} : memref<4096xi32, #tpu.memory_space<vmem>>, vector<16xi32>,
        %parallel_loop3A_658 = tpu.vector_load_idx %arg11[%parallel_loop3A_657] : memref<100096xf32, #tpu.memory_space<vmem>>[vector<16xi32>], vector<16xf32>,
        %parallel_loop3A_659 = arith.index_cast %parallel_loop3A_655 : i32 to index
        %parallel_loop3A_660 = tpu.vector_load %arg12[%parallel_loop3A_659] {strides = array<i32>} : memref<16384xf32, #tpu.memory_space<vmem>>, vector<16xf32>,
        tpu.vector_store %arg12[%parallel_loop3A_659], %parallel_loop3A_658 {strides = array<i32>} : memref<16384xf32, #tpu.memory_space<vmem>>, vector<16xf32>,
      } {sc.loop_unroll_factor = 16 : i64, sc.parallel_access}
      %mul3A_653 = arith.constant 4096 : i32
      %mul3A_654 = arith.muli %add3A, %mul3A_653 : i32
      "tpu.region"() ({
        %run_scoped3A_655 = tpu.sem_alloc : memref<!tpu.dma_semaphore, #tpu.memory_space<semaphore_mem>>
        %dma_start3A_656 = arith.constant 0 : i32
        %dma_start3A_657 = tpu.memref_slice %arg12[%dma_start3A_656] : memref<16384xf32, #tpu.memory_space<vmem>> -> memref<4096xf32, #tpu.memory_space<vmem>>
        %dma_start3A_658 = tpu.memref_slice %arg9[%mul3A_654] : memref<16384xf32, #tpu.memory_space<hbm>> -> memref<4096xf32, #tpu.memory_space<hbm>>
        %dma_start3A_659 = tpu.memref_slice %arg9[%mul3A_654] : memref<16384xf32, #tpu.memory_space<hbm>> -> memref<4096xf32, #tpu.memory_space<hbm>>
        %dma_start3A_660 = arith.constant 0 : i32
        %dma_start3A_661 = tpu.memref_slice %arg12[%dma_start3A_660] : memref<16384xf32, #tpu.memory_space<vmem>> -> memref<4096xf32, #tpu.memory_space<vmem>>
        tpu.enqueue_dma source(%dma_start3A_661 : memref<4096xf32, #tpu.memory_space<vmem>>) target(%dma_start3A_659 : memref<4096xf32, #tpu.memory_space<hbm>>) target_semaphore(%run_scoped3A_655 : memref<!tpu.dma_semaphore, #tpu.memory_space<semaphore_mem>>)
        %dma_wait3A_662 = arith.constant 0 : i32
        %dma_wait3A_663 = tpu.memref_slice %arg12[%dma_wait3A_662] : memref<16384xf32, #tpu.memory_space<vmem>> -> memref<4096xf32, #tpu.memory_space<vmem>>
        %dma_wait3A_664 = tpu.memref_slice %arg9[%mul3A_654] : memref<16384xf32, #tpu.memory_space<hbm>> -> memref<4096xf32, #tpu.memory_space<hbm>>
        %dma_wait3A_665 = tpu.memref_slice %arg9[%mul3A_654] : memref<16384xf32, #tpu.memory_space<hbm>> -> memref<4096xf32, #tpu.memory_space<hbm>>
        %dma_wait3A_666 = arith.constant 0 : i32
        %dma_wait3A_667 = tpu.memref_slice %arg12[%dma_wait3A_666] : memref<16384xf32, #tpu.memory_space<vmem>> -> memref<4096xf32, #tpu.memory_space<vmem>>
        tpu.wait_dma2 semaphore(%run_scoped3A_655 : memref<!tpu.dma_semaphore, #tpu.memory_space<semaphore_mem>>) src(%dma_wait3A_667 : memref<4096xf32, #tpu.memory_space<vmem>>) dst(%dma_wait3A_665 : memref<4096xf32, #tpu.memory_space<hbm>>)
        tpu.yield
      }) : () -> ()
    } else {
    }
    %ge3A = arith.constant 4 : i32
    %ge3A_3 = arith.cmpi sge, %add3A, %ge3A : i32
    %lt3A_4 = arith.constant 8 : i32
    %lt3A_5 = arith.cmpi slt, %add3A, %lt3A_4 : i32
    %and3A = arith.andi %ge3A_3, %lt3A_5 : i1
    %convert_element_type3A_6 = arith.extui %and3A : i1 to i32
    %cond3A_7 = arith.constant 0 : i32
    %cond3A_8 = arith.cmpi ne, %convert_element_type3A_6, %cond3A_7 : i32
    scf.if %cond3A_8 {
      %sub3A = arith.constant 4 : i32
      %sub3A_586 = arith.subi %add3A, %sub3A : i32
      %dma_start3A_587 = arith.constant 0 : i32
      %dma_start3A_588 = arith.constant 0 : i32
      %dma_start3A_589 = tpu.memref_slice %arg11[%dma_start3A_588] : memref<100096xf32, #tpu.memory_space<vmem>> -> memref<50048xf32, #tpu.memory_space<vmem>>
      %dma_start3A_590 = arith.constant 0 : i32
      %dma_start3A_591 = tpu.memref_slice %arg6[%dma_start3A_587, %dma_start3A_590] : memref<1x100000xf32, #tpu.memory_space<hbm>> -> memref<1x50048xf32, #tpu.memory_space<hbm>>
      %dma_start3A_592 = tpu.memref_squeeze %dma_start3A_591 : memref<1x50048xf32, #tpu.memory_space<hbm>> -> memref<50048xf32, #tpu.memory_space<hbm>>
      %dma_start3A_593 = arith.constant 0 : i32
      %dma_start3A_594 = tpu.memref_slice %arg11[%dma_start3A_593] : memref<100096xf32, #tpu.memory_space<vmem>> -> memref<50048xf32, #tpu.memory_space<vmem>>
      %dma_start3A_595 = arith.constant 0 : i32
      %dma_start3A_596 = tpu.memref_slice %arg6[%dma_start3A_587, %dma_start3A_595] : memref<1x100000xf32, #tpu.memory_space<hbm>> -> memref<1x50048xf32, #tpu.memory_space<hbm>>
      %dma_start3A_597 = tpu.memref_squeeze %dma_start3A_596 : memref<1x50048xf32, #tpu.memory_space<hbm>> -> memref<50048xf32, #tpu.memory_space<hbm>>
      tpu.enqueue_dma source(%dma_start3A_597 : memref<50048xf32, #tpu.memory_space<hbm>>) target(%dma_start3A_594 : memref<50048xf32, #tpu.memory_space<vmem>>) target_semaphore(%arg16 : memref<!tpu.dma_semaphore, #tpu.memory_space<semaphore_mem>>)
      %dma_start3A_598 = arith.constant 0 : i32
      %dma_start3A_599 = arith.constant 50048 : i32
      %dma_start3A_600 = tpu.memref_slice %arg11[%dma_start3A_599] : memref<100096xf32, #tpu.memory_space<vmem>> -> memref<49920xf32, #tpu.memory_space<vmem>>
      %dma_start3A_601 = arith.constant 50048 : i32
      %dma_start3A_602 = tpu.memref_slice %arg6[%dma_start3A_598, %dma_start3A_601] : memref<1x100000xf32, #tpu.memory_space<hbm>> -> memref<1x49920xf32, #tpu.memory_space<hbm>>
      %dma_start3A_603 = tpu.memref_squeeze %dma_start3A_602 : memref<1x49920xf32, #tpu.memory_space<hbm>> -> memref<49920xf32, #tpu.memory_space<hbm>>
      %dma_start3A_604 = arith.constant 50048 : i32
      %dma_start3A_605 = tpu.memref_slice %arg11[%dma_start3A_604] : memref<100096xf32, #tpu.memory_space<vmem>> -> memref<49920xf32, #tpu.memory_space<vmem>>
      %dma_start3A_606 = arith.constant 50048 : i32
      %dma_start3A_607 = tpu.memref_slice %arg6[%dma_start3A_598, %dma_start3A_606] : memref<1x100000xf32, #tpu.memory_space<hbm>> -> memref<1x49920xf32, #tpu.memory_space<hbm>>
      %dma_start3A_608 = tpu.memref_squeeze %dma_start3A_607 : memref<1x49920xf32, #tpu.memory_space<hbm>> -> memref<49920xf32, #tpu.memory_space<hbm>>
      tpu.enqueue_dma source(%dma_start3A_608 : memref<49920xf32, #tpu.memory_space<hbm>>) target(%dma_start3A_605 : memref<49920xf32, #tpu.memory_space<vmem>>) target_semaphore(%arg17 : memref<!tpu.dma_semaphore, #tpu.memory_space<semaphore_mem>>)
      %dma_wait3A_609 = arith.constant 0 : i32
      %dma_wait3A_610 = arith.constant 0 : i32
      %dma_wait3A_611 = tpu.memref_slice %arg11[%dma_wait3A_610] : memref<100096xf32, #tpu.memory_space<vmem>> -> memref<50048xf32, #tpu.memory_space<vmem>>
      %dma_wait3A_612 = arith.constant 0 : i32
      %dma_wait3A_613 = tpu.memref_slice %arg6[%dma_wait3A_609, %dma_wait3A_612] : memref<1x100000xf32, #tpu.memory_space<hbm>> -> memref<1x50048xf32, #tpu.memory_space<hbm>>
      %dma_wait3A_614 = tpu.memref_squeeze %dma_wait3A_613 : memref<1x50048xf32, #tpu.memory_space<hbm>> -> memref<50048xf32, #tpu.memory_space<hbm>>
      %dma_wait3A_615 = arith.constant 0 : i32
      %dma_wait3A_616 = tpu.memref_slice %arg11[%dma_wait3A_615] : memref<100096xf32, #tpu.memory_space<vmem>> -> memref<50048xf32, #tpu.memory_space<vmem>>
      %dma_wait3A_617 = arith.constant 0 : i32
      %dma_wait3A_618 = tpu.memref_slice %arg6[%dma_wait3A_609, %dma_wait3A_617] : memref<1x100000xf32, #tpu.memory_space<hbm>> -> memref<1x50048xf32, #tpu.memory_space<hbm>>
      %dma_wait3A_619 = tpu.memref_squeeze %dma_wait3A_618 : memref<1x50048xf32, #tpu.memory_space<hbm>> -> memref<50048xf32, #tpu.memory_space<hbm>>
      tpu.wait_dma2 semaphore(%arg16 : memref<!tpu.dma_semaphore, #tpu.memory_space<semaphore_mem>>) src(%dma_wait3A_619 : memref<50048xf32, #tpu.memory_space<hbm>>) dst(%dma_wait3A_616 : memref<50048xf32, #tpu.memory_space<vmem>>)
      %dma_wait3A_620 = arith.constant 0 : i32
      %dma_wait3A_621 = arith.constant 50048 : i32
      %dma_wait3A_622 = tpu.memref_slice %arg11[%dma_wait3A_621] : memref<100096xf32, #tpu.memory_space<vmem>> -> memref<49920xf32, #tpu.memory_space<vmem>>
      %dma_wait3A_623 = arith.constant 50048 : i32
      %dma_wait3A_624 = tpu.memref_slice %arg6[%dma_wait3A_620, %dma_wait3A_623] : memref<1x100000xf32, #tpu.memory_space<hbm>> -> memref<1x49920xf32, #tpu.memory_space<hbm>>
      %dma_wait3A_625 = tpu.memref_squeeze %dma_wait3A_624 : memref<1x49920xf32, #tpu.memory_space<hbm>> -> memref<49920xf32, #tpu.memory_space<hbm>>
      %dma_wait3A_626 = arith.constant 50048 : i32
      %dma_wait3A_627 = tpu.memref_slice %arg11[%dma_wait3A_626] : memref<100096xf32, #tpu.memory_space<vmem>> -> memref<49920xf32, #tpu.memory_space<vmem>>
      %dma_wait3A_628 = arith.constant 50048 : i32
      %dma_wait3A_629 = tpu.memref_slice %arg6[%dma_wait3A_620, %dma_wait3A_628] : memref<1x100000xf32, #tpu.memory_space<hbm>> -> memref<1x49920xf32, #tpu.memory_space<hbm>>
      %dma_wait3A_630 = tpu.memref_squeeze %dma_wait3A_629 : memref<1x49920xf32, #tpu.memory_space<hbm>> -> memref<49920xf32, #tpu.memory_space<hbm>>
      tpu.wait_dma2 semaphore(%arg17 : memref<!tpu.dma_semaphore, #tpu.memory_space<semaphore_mem>>) src(%dma_wait3A_630 : memref<49920xf32, #tpu.memory_space<hbm>>) dst(%dma_wait3A_627 : memref<49920xf32, #tpu.memory_space<vmem>>)
      %add3A_631 = arith.constant 0 : i32
      %add3A_632 = vector.broadcast %add3A_631 : i32 to vector<16xi32>
      %add3A_633 = arith.addi %iota3A, %add3A_632 : vector<16xi32>
      %add3A_634 = arith.constant 4128 : i32
      %add3A_635 = vector.broadcast %add3A_634 : i32 to vector<16xi32>
      %add3A_636 = arith.addi %add3A_635, %add3A_633 : vector<16xi32>
      %gather3A_637 = tpu.vector_load_idx %arg15[%add3A_636] : memref<5120xf32, #tpu.memory_space<vmem>>[vector<16xi32>], vector<16xf32>,
      %swap3A_638 = arith.constant 99968 : index
      %swap3A_639 = tpu.vector_load %arg11[%swap3A_638] {strides = array<i32>} : memref<100096xf32, #tpu.memory_space<vmem>>, vector<16xf32>,
      tpu.vector_store %arg11[%swap3A_638], %gather3A_637 {strides = array<i32>} : memref<100096xf32, #tpu.memory_space<vmem>>, vector<16xf32>,
      %add3A_640 = arith.constant 16 : i32
      %add3A_641 = vector.broadcast %add3A_640 : i32 to vector<16xi32>
      %add3A_642 = arith.addi %iota3A, %add3A_641 : vector<16xi32>
      %add3A_643 = arith.constant 4128 : i32
      %add3A_644 = vector.broadcast %add3A_643 : i32 to vector<16xi32>
      %add3A_645 = arith.addi %add3A_644, %add3A_642 : vector<16xi32>
      %gather3A_646 = tpu.vector_load_idx %arg15[%add3A_645] : memref<5120xf32, #tpu.memory_space<vmem>>[vector<16xi32>], vector<16xf32>,
      %swap3A_647 = arith.constant 99984 : index
      %swap3A_648 = tpu.vector_load %arg11[%swap3A_647] {strides = array<i32>} : memref<100096xf32, #tpu.memory_space<vmem>>, vector<16xf32>,
      tpu.vector_store %arg11[%swap3A_647], %gather3A_646 {strides = array<i32>} : memref<100096xf32, #tpu.memory_space<vmem>>, vector<16xf32>,
      %mul3A_649 = arith.constant 4096 : i32
      %mul3A_650 = arith.muli %sub3A_586, %mul3A_649 : i32
      %run_scoped3A = arith.constant 1 : i32
      "tpu.region"() ({
        %run_scoped3A_656 = tpu.sem_alloc : memref<!tpu.dma_semaphore, #tpu.memory_space<semaphore_mem>>
        %dma_start3A_657 = tpu.memref_slice %arg2[%run_scoped3A, %mul3A_650] : memref<2x16384xi32, #tpu.memory_space<hbm>> -> memref<1x4096xi32, #tpu.memory_space<hbm>>
        %dma_start3A_658 = tpu.memref_squeeze %dma_start3A_657 : memref<1x4096xi32, #tpu.memory_space<hbm>> -> memref<4096xi32, #tpu.memory_space<hbm>>
        %dma_start3A_659 = tpu.memref_slice %arg2[%run_scoped3A, %mul3A_650] : memref<2x16384xi32, #tpu.memory_space<hbm>> -> memref<1x4096xi32, #tpu.memory_space<hbm>>
        %dma_start3A_660 = tpu.memref_squeeze %dma_start3A_659 : memref<1x4096xi32, #tpu.memory_space<hbm>> -> memref<4096xi32, #tpu.memory_space<hbm>>
        tpu.enqueue_dma source(%dma_start3A_660 : memref<4096xi32, #tpu.memory_space<hbm>>) target(%arg13 : memref<4096xi32, #tpu.memory_space<vmem>>) target_semaphore(%run_scoped3A_656 : memref<!tpu.dma_semaphore, #tpu.memory_space<semaphore_mem>>)
        %dma_wait3A_661 = tpu.memref_slice %arg2[%run_scoped3A, %mul3A_650] : memref<2x16384xi32, #tpu.memory_space<hbm>> -> memref<1x4096xi32, #tpu.memory_space<hbm>>
        %dma_wait3A_662 = tpu.memref_squeeze %dma_wait3A_661 : memref<1x4096xi32, #tpu.memory_space<hbm>> -> memref<4096xi32, #tpu.memory_space<hbm>>
        %dma_wait3A_663 = tpu.memref_slice %arg2[%run_scoped3A, %mul3A_650] : memref<2x16384xi32, #tpu.memory_space<hbm>> -> memref<1x4096xi32, #tpu.memory_space<hbm>>
        %dma_wait3A_664 = tpu.memref_squeeze %dma_wait3A_663 : memref<1x4096xi32, #tpu.memory_space<hbm>> -> memref<4096xi32, #tpu.memory_space<hbm>>
        tpu.wait_dma2 semaphore(%run_scoped3A_656 : memref<!tpu.dma_semaphore, #tpu.memory_space<semaphore_mem>>) src(%dma_wait3A_664 : memref<4096xi32, #tpu.memory_space<hbm>>) dst(%arg13 : memref<4096xi32, #tpu.memory_space<vmem>>)
        tpu.yield
      }) : () -> ()
      %parallel_loop3A_651 = arith.constant 0 : i32
      %parallel_loop3A_652 = arith.constant 4096 : i32
      %parallel_loop3A_653 = arith.constant 16 : i32
      scf.for %parallel_loop3A_656 = %parallel_loop3A_651 to %parallel_loop3A_652 step %parallel_loop3A_653  : i32 {
        %parallel_loop3A_657 = arith.index_cast %parallel_loop3A_656 : i32 to index
        %parallel_loop3A_658 = tpu.vector_load %arg13[%parallel_loop3A_657] {strides = array<i32>} : memref<4096xi32, #tpu.memory_space<vmem>>, vector<16xi32>,
        %parallel_loop3A_659 = tpu.vector_load_idx %arg11[%parallel_loop3A_658] : memref<100096xf32, #tpu.memory_space<vmem>>[vector<16xi32>], vector<16xf32>,
        %parallel_loop3A_660 = arith.index_cast %parallel_loop3A_656 : i32 to index
        %parallel_loop3A_661 = tpu.vector_load %arg12[%parallel_loop3A_660] {strides = array<i32>} : memref<16384xf32, #tpu.memory_space<vmem>>, vector<16xf32>,
        tpu.vector_store %arg12[%parallel_loop3A_660], %parallel_loop3A_659 {strides = array<i32>} : memref<16384xf32, #tpu.memory_space<vmem>>, vector<16xf32>,
      } {sc.loop_unroll_factor = 16 : i64, sc.parallel_access}
      %mul3A_654 = arith.constant 4096 : i32
      %mul3A_655 = arith.muli %sub3A_586, %mul3A_654 : i32
      "tpu.region"() ({
        %run_scoped3A_656 = tpu.sem_alloc : memref<!tpu.dma_semaphore, #tpu.memory_space<semaphore_mem>>
        %dma_start3A_657 = arith.constant 0 : i32
        %dma_start3A_658 = tpu.memref_slice %arg12[%dma_start3A_657] : memref<16384xf32, #tpu.memory_space<vmem>> -> memref<4096xf32, #tpu.memory_space<vmem>>
        %dma_start3A_659 = tpu.memref_slice %arg10[%mul3A_655] : memref<16384xf32, #tpu.memory_space<hbm>> -> memref<4096xf32, #tpu.memory_space<hbm>>
        %dma_start3A_660 = tpu.memref_slice %arg10[%mul3A_655] : memref<16384xf32, #tpu.memory_space<hbm>> -> memref<4096xf32, #tpu.memory_space<hbm>>
        %dma_start3A_661 = arith.constant 0 : i32
        %dma_start3A_662 = tpu.memref_slice %arg12[%dma_start3A_661] : memref<16384xf32, #tpu.memory_space<vmem>> -> memref<4096xf32, #tpu.memory_space<vmem>>
        tpu.enqueue_dma source(%dma_start3A_662 : memref<4096xf32, #tpu.memory_space<vmem>>) target(%dma_start3A_660 : memref<4096xf32, #tpu.memory_space<hbm>>) target_semaphore(%run_scoped3A_656 : memref<!tpu.dma_semaphore, #tpu.memory_space<semaphore_mem>>)
        %dma_wait3A_663 = arith.constant 0 : i32
        %dma_wait3A_664 = tpu.memref_slice %arg12[%dma_wait3A_663] : memref<16384xf32, #tpu.memory_space<vmem>> -> memref<4096xf32, #tpu.memory_space<vmem>>
        %dma_wait3A_665 = tpu.memref_slice %arg10[%mul3A_655] : memref<16384xf32, #tpu.memory_space<hbm>> -> memref<4096xf32, #tpu.memory_space<hbm>>
        %dma_wait3A_666 = tpu.memref_slice %arg10[%mul3A_655] : memref<16384xf32, #tpu.memory_space<hbm>> -> memref<4096xf32, #tpu.memory_space<hbm>>
        %dma_wait3A_667 = arith.constant 0 : i32
        %dma_wait3A_668 = tpu.memref_slice %arg12[%dma_wait3A_667] : memref<16384xf32, #tpu.memory_space<vmem>> -> memref<4096xf32, #tpu.memory_space<vmem>>
        tpu.wait_dma2 semaphore(%run_scoped3A_656 : memref<!tpu.dma_semaphore, #tpu.memory_space<semaphore_mem>>) src(%dma_wait3A_668 : memref<4096xf32, #tpu.memory_space<vmem>>) dst(%dma_wait3A_666 : memref<4096xf32, #tpu.memory_space<hbm>>)
        tpu.yield
      }) : () -> ()
    } else {
    }
    %broadcast_in_dim3A = arith.constant 0.000000e+00 : f32
    %broadcast_in_dim3A_9 = vector.broadcast %broadcast_in_dim3A : f32 to vector<16xf32>
    %broadcast_in_dim3A_10 = arith.constant 0.000000e+00 : f32
    %broadcast_in_dim3A_11 = vector.broadcast %broadcast_in_dim3A_10 : f32 to vector<16xf32>
    %mul3A_12 = arith.constant 2 : i32
    %mul3A_13 = arith.muli %add3A, %mul3A_12 : i32
    %add3A_14 = arith.constant 0 : i32
    %add3A_15 = arith.addi %mul3A_13, %add3A_14 : i32
    %dma_start3A = arith.constant 0 : i32
    %dma_start3A_16 = tpu.memref_slice %arg11[%dma_start3A] : memref<100096xf32, #tpu.memory_space<vmem>> -> memref<50048xf32, #tpu.memory_space<vmem>>
    %dma_start3A_17 = arith.constant 0 : i32
    %dma_start3A_18 = tpu.memref_slice %arg3[%add3A_15, %dma_start3A_17] : memref<64x100000xf32, #tpu.memory_space<hbm>> -> memref<1x50048xf32, #tpu.memory_space<hbm>>
    %dma_start3A_19 = tpu.memref_squeeze %dma_start3A_18 : memref<1x50048xf32, #tpu.memory_space<hbm>> -> memref<50048xf32, #tpu.memory_space<hbm>>
    %dma_start3A_20 = arith.constant 0 : i32
    %dma_start3A_21 = tpu.memref_slice %arg11[%dma_start3A_20] : memref<100096xf32, #tpu.memory_space<vmem>> -> memref<50048xf32, #tpu.memory_space<vmem>>
    %dma_start3A_22 = arith.constant 0 : i32
    %dma_start3A_23 = tpu.memref_slice %arg3[%add3A_15, %dma_start3A_22] : memref<64x100000xf32, #tpu.memory_space<hbm>> -> memref<1x50048xf32, #tpu.memory_space<hbm>>
    %dma_start3A_24 = tpu.memref_squeeze %dma_start3A_23 : memref<1x50048xf32, #tpu.memory_space<hbm>> -> memref<50048xf32, #tpu.memory_space<hbm>>
    tpu.enqueue_dma source(%dma_start3A_24 : memref<50048xf32, #tpu.memory_space<hbm>>) target(%dma_start3A_21 : memref<50048xf32, #tpu.memory_space<vmem>>) target_semaphore(%arg16 : memref<!tpu.dma_semaphore, #tpu.memory_space<semaphore_mem>>)
    %dma_start3A_25 = arith.constant 50048 : i32
    %dma_start3A_26 = tpu.memref_slice %arg11[%dma_start3A_25] : memref<100096xf32, #tpu.memory_space<vmem>> -> memref<49920xf32, #tpu.memory_space<vmem>>
    %dma_start3A_27 = arith.constant 50048 : i32
    %dma_start3A_28 = tpu.memref_slice %arg3[%add3A_15, %dma_start3A_27] : memref<64x100000xf32, #tpu.memory_space<hbm>> -> memref<1x49920xf32, #tpu.memory_space<hbm>>
    %dma_start3A_29 = tpu.memref_squeeze %dma_start3A_28 : memref<1x49920xf32, #tpu.memory_space<hbm>> -> memref<49920xf32, #tpu.memory_space<hbm>>
    %dma_start3A_30 = arith.constant 50048 : i32
    %dma_start3A_31 = tpu.memref_slice %arg11[%dma_start3A_30] : memref<100096xf32, #tpu.memory_space<vmem>> -> memref<49920xf32, #tpu.memory_space<vmem>>
    %dma_start3A_32 = arith.constant 50048 : i32
    %dma_start3A_33 = tpu.memref_slice %arg3[%add3A_15, %dma_start3A_32] : memref<64x100000xf32, #tpu.memory_space<hbm>> -> memref<1x49920xf32, #tpu.memory_space<hbm>>
    %dma_start3A_34 = tpu.memref_squeeze %dma_start3A_33 : memref<1x49920xf32, #tpu.memory_space<hbm>> -> memref<49920xf32, #tpu.memory_space<hbm>>
    tpu.enqueue_dma source(%dma_start3A_34 : memref<49920xf32, #tpu.memory_space<hbm>>) target(%dma_start3A_31 : memref<49920xf32, #tpu.memory_space<vmem>>) target_semaphore(%arg17 : memref<!tpu.dma_semaphore, #tpu.memory_space<semaphore_mem>>)
    %dma_wait3A = arith.constant 0 : i32
    %dma_wait3A_35 = tpu.memref_slice %arg11[%dma_wait3A] : memref<100096xf32, #tpu.memory_space<vmem>> -> memref<50048xf32, #tpu.memory_space<vmem>>
    %dma_wait3A_36 = arith.constant 0 : i32
    %dma_wait3A_37 = tpu.memref_slice %arg3[%add3A_15, %dma_wait3A_36] : memref<64x100000xf32, #tpu.memory_space<hbm>> -> memref<1x50048xf32, #tpu.memory_space<hbm>>
    %dma_wait3A_38 = tpu.memref_squeeze %dma_wait3A_37 : memref<1x50048xf32, #tpu.memory_space<hbm>> -> memref<50048xf32, #tpu.memory_space<hbm>>
    %dma_wait3A_39 = arith.constant 0 : i32
    %dma_wait3A_40 = tpu.memref_slice %arg11[%dma_wait3A_39] : memref<100096xf32, #tpu.memory_space<vmem>> -> memref<50048xf32, #tpu.memory_space<vmem>>
    %dma_wait3A_41 = arith.constant 0 : i32
    %dma_wait3A_42 = tpu.memref_slice %arg3[%add3A_15, %dma_wait3A_41] : memref<64x100000xf32, #tpu.memory_space<hbm>> -> memref<1x50048xf32, #tpu.memory_space<hbm>>
    %dma_wait3A_43 = tpu.memref_squeeze %dma_wait3A_42 : memref<1x50048xf32, #tpu.memory_space<hbm>> -> memref<50048xf32, #tpu.memory_space<hbm>>
    tpu.wait_dma2 semaphore(%arg16 : memref<!tpu.dma_semaphore, #tpu.memory_space<semaphore_mem>>) src(%dma_wait3A_43 : memref<50048xf32, #tpu.memory_space<hbm>>) dst(%dma_wait3A_40 : memref<50048xf32, #tpu.memory_space<vmem>>)
    %dma_wait3A_44 = arith.constant 50048 : i32
    %dma_wait3A_45 = tpu.memref_slice %arg11[%dma_wait3A_44] : memref<100096xf32, #tpu.memory_space<vmem>> -> memref<49920xf32, #tpu.memory_space<vmem>>
    %dma_wait3A_46 = arith.constant 50048 : i32
    %dma_wait3A_47 = tpu.memref_slice %arg3[%add3A_15, %dma_wait3A_46] : memref<64x100000xf32, #tpu.memory_space<hbm>> -> memref<1x49920xf32, #tpu.memory_space<hbm>>
    %dma_wait3A_48 = tpu.memref_squeeze %dma_wait3A_47 : memref<1x49920xf32, #tpu.memory_space<hbm>> -> memref<49920xf32, #tpu.memory_space<hbm>>
    %dma_wait3A_49 = arith.constant 50048 : i32
    %dma_wait3A_50 = tpu.memref_slice %arg11[%dma_wait3A_49] : memref<100096xf32, #tpu.memory_space<vmem>> -> memref<49920xf32, #tpu.memory_space<vmem>>
    %dma_wait3A_51 = arith.constant 50048 : i32
    %dma_wait3A_52 = tpu.memref_slice %arg3[%add3A_15, %dma_wait3A_51] : memref<64x100000xf32, #tpu.memory_space<hbm>> -> memref<1x49920xf32, #tpu.memory_space<hbm>>
    %dma_wait3A_53 = tpu.memref_squeeze %dma_wait3A_52 : memref<1x49920xf32, #tpu.memory_space<hbm>> -> memref<49920xf32, #tpu.memory_space<hbm>>
    tpu.wait_dma2 semaphore(%arg17 : memref<!tpu.dma_semaphore, #tpu.memory_space<semaphore_mem>>) src(%dma_wait3A_53 : memref<49920xf32, #tpu.memory_space<hbm>>) dst(%dma_wait3A_50 : memref<49920xf32, #tpu.memory_space<vmem>>)
    %add3A_54 = arith.constant 0 : i32
    %add3A_55 = vector.broadcast %add3A_54 : i32 to vector<16xi32>
    %add3A_56 = arith.addi %iota3A, %add3A_55 : vector<16xi32>
    %mul3A_57 = arith.constant 64 : i32
    %mul3A_58 = vector.broadcast %mul3A_57 : i32 to vector<16xi32>
    %mul3A_59 = arith.muli %add3A_56, %mul3A_58 : vector<16xi32>
    %add3A_60 = vector.broadcast %add3A_15 : i32 to vector<16xi32>
    %add3A_61 = arith.addi %mul3A_59, %add3A_60 : vector<16xi32>
    %add3A_62 = arith.constant 0 : i32
    %add3A_63 = vector.broadcast %add3A_62 : i32 to vector<16xi32>
    %add3A_64 = arith.addi %add3A_63, %add3A_61 : vector<16xi32>
    %gather3A = tpu.vector_load_idx %arg15[%add3A_64] : memref<5120xf32, #tpu.memory_space<vmem>>[vector<16xi32>], vector<16xf32>,
    %swap3A = arith.constant 99968 : index
    %swap3A_65 = tpu.vector_load %arg11[%swap3A] {strides = array<i32>} : memref<100096xf32, #tpu.memory_space<vmem>>, vector<16xf32>,
    tpu.vector_store %arg11[%swap3A], %gather3A {strides = array<i32>} : memref<100096xf32, #tpu.memory_space<vmem>>, vector<16xf32>,
    %add3A_66 = arith.constant 16 : i32
    %add3A_67 = vector.broadcast %add3A_66 : i32 to vector<16xi32>
    %add3A_68 = arith.addi %iota3A, %add3A_67 : vector<16xi32>
    %mul3A_69 = arith.constant 64 : i32
    %mul3A_70 = vector.broadcast %mul3A_69 : i32 to vector<16xi32>
    %mul3A_71 = arith.muli %add3A_68, %mul3A_70 : vector<16xi32>
    %add3A_72 = vector.broadcast %add3A_15 : i32 to vector<16xi32>
    %add3A_73 = arith.addi %mul3A_71, %add3A_72 : vector<16xi32>
    %add3A_74 = arith.constant 0 : i32
    %add3A_75 = vector.broadcast %add3A_74 : i32 to vector<16xi32>
    %add3A_76 = arith.addi %add3A_75, %add3A_73 : vector<16xi32>
    %gather3A_77 = tpu.vector_load_idx %arg15[%add3A_76] : memref<5120xf32, #tpu.memory_space<vmem>>[vector<16xi32>], vector<16xf32>,
    %swap3A_78 = arith.constant 99984 : index
    %swap3A_79 = tpu.vector_load %arg11[%swap3A_78] {strides = array<i32>} : memref<100096xf32, #tpu.memory_space<vmem>>, vector<16xf32>,
    tpu.vector_store %arg11[%swap3A_78], %gather3A_77 {strides = array<i32>} : memref<100096xf32, #tpu.memory_space<vmem>>, vector<16xf32>,
    %dma_start3A_80 = arith.constant 0 : i32
    %dma_start3A_81 = arith.constant 0 : i32
    %dma_start3A_82 = tpu.memref_slice %arg2[%dma_start3A_80, %dma_start3A_81] : memref<2x16384xi32, #tpu.memory_space<hbm>> -> memref<1x4096xi32, #tpu.memory_space<hbm>>
    %dma_start3A_83 = tpu.memref_squeeze %dma_start3A_82 : memref<1x4096xi32, #tpu.memory_space<hbm>> -> memref<4096xi32, #tpu.memory_space<hbm>>
    %dma_start3A_84 = arith.constant 0 : i32
    %dma_start3A_85 = tpu.memref_slice %arg2[%dma_start3A_80, %dma_start3A_84] : memref<2x16384xi32, #tpu.memory_space<hbm>> -> memref<1x4096xi32, #tpu.memory_space<hbm>>
    %dma_start3A_86 = tpu.memref_squeeze %dma_start3A_85 : memref<1x4096xi32, #tpu.memory_space<hbm>> -> memref<4096xi32, #tpu.memory_space<hbm>>
    tpu.enqueue_dma source(%dma_start3A_86 : memref<4096xi32, #tpu.memory_space<hbm>>) target(%arg13 : memref<4096xi32, #tpu.memory_space<vmem>>) target_semaphore(%arg18 : memref<!tpu.dma_semaphore, #tpu.memory_space<semaphore_mem>>)
    %dma_wait3A_87 = arith.constant 0 : i32
    %dma_wait3A_88 = arith.constant 0 : i32
    %dma_wait3A_89 = tpu.memref_slice %arg2[%dma_wait3A_87, %dma_wait3A_88] : memref<2x16384xi32, #tpu.memory_space<hbm>> -> memref<1x4096xi32, #tpu.memory_space<hbm>>
    %dma_wait3A_90 = tpu.memref_squeeze %dma_wait3A_89 : memref<1x4096xi32, #tpu.memory_space<hbm>> -> memref<4096xi32, #tpu.memory_space<hbm>>
    %dma_wait3A_91 = arith.constant 0 : i32
    %dma_wait3A_92 = tpu.memref_slice %arg2[%dma_wait3A_87, %dma_wait3A_91] : memref<2x16384xi32, #tpu.memory_space<hbm>> -> memref<1x4096xi32, #tpu.memory_space<hbm>>
    %dma_wait3A_93 = tpu.memref_squeeze %dma_wait3A_92 : memref<1x4096xi32, #tpu.memory_space<hbm>> -> memref<4096xi32, #tpu.memory_space<hbm>>
    tpu.wait_dma2 semaphore(%arg18 : memref<!tpu.dma_semaphore, #tpu.memory_space<semaphore_mem>>) src(%dma_wait3A_93 : memref<4096xi32, #tpu.memory_space<hbm>>) dst(%arg13 : memref<4096xi32, #tpu.memory_space<vmem>>)
    %dma_start3A_94 = arith.constant 0 : i32
    %dma_start3A_95 = arith.constant 4096 : i32
    %dma_start3A_96 = tpu.memref_slice %arg2[%dma_start3A_94, %dma_start3A_95] : memref<2x16384xi32, #tpu.memory_space<hbm>> -> memref<1x4096xi32, #tpu.memory_space<hbm>>
    %dma_start3A_97 = tpu.memref_squeeze %dma_start3A_96 : memref<1x4096xi32, #tpu.memory_space<hbm>> -> memref<4096xi32, #tpu.memory_space<hbm>>
    %dma_start3A_98 = arith.constant 4096 : i32
    %dma_start3A_99 = tpu.memref_slice %arg2[%dma_start3A_94, %dma_start3A_98] : memref<2x16384xi32, #tpu.memory_space<hbm>> -> memref<1x4096xi32, #tpu.memory_space<hbm>>
    %dma_start3A_100 = tpu.memref_squeeze %dma_start3A_99 : memref<1x4096xi32, #tpu.memory_space<hbm>> -> memref<4096xi32, #tpu.memory_space<hbm>>
    tpu.enqueue_dma source(%dma_start3A_100 : memref<4096xi32, #tpu.memory_space<hbm>>) target(%arg14 : memref<4096xi32, #tpu.memory_space<vmem>>) target_semaphore(%arg18 : memref<!tpu.dma_semaphore, #tpu.memory_space<semaphore_mem>>)
    %parallel_loop3A = arith.constant 0 : i32
    %parallel_loop3A_101 = arith.constant 4096 : i32
    %parallel_loop3A_102 = arith.constant 16 : i32
    scf.for %parallel_loop3A_586 = %parallel_loop3A to %parallel_loop3A_101 step %parallel_loop3A_102  : i32 {
      %parallel_loop3A_587 = arith.index_cast %parallel_loop3A_586 : i32 to index
      %parallel_loop3A_588 = tpu.vector_load %arg13[%parallel_loop3A_587] {strides = array<i32>} : memref<4096xi32, #tpu.memory_space<vmem>>, vector<16xi32>,
      %parallel_loop3A_589 = tpu.vector_load_idx %arg11[%parallel_loop3A_588] : memref<100096xf32, #tpu.memory_space<vmem>>[vector<16xi32>], vector<16xf32>,
      %parallel_loop3A_590 = arith.constant 0 : i32
      %parallel_loop3A_591 = arith.addi %parallel_loop3A_590, %parallel_loop3A_586 : i32
      %parallel_loop3A_592 = arith.index_cast %parallel_loop3A_591 : i32 to index
      %parallel_loop3A_593 = tpu.vector_load %arg12[%parallel_loop3A_592] {strides = array<i32>} : memref<16384xf32, #tpu.memory_space<vmem>>, vector<16xf32>,
      tpu.vector_store %arg12[%parallel_loop3A_592], %parallel_loop3A_589 {strides = array<i32>} : memref<16384xf32, #tpu.memory_space<vmem>>, vector<16xf32>,
    } {sc.loop_unroll_factor = 16 : i64, sc.parallel_access}
    %dma_wait3A_103 = arith.constant 0 : i32
    %dma_wait3A_104 = arith.constant 4096 : i32
    %dma_wait3A_105 = tpu.memref_slice %arg2[%dma_wait3A_103, %dma_wait3A_104] : memref<2x16384xi32, #tpu.memory_space<hbm>> -> memref<1x4096xi32, #tpu.memory_space<hbm>>
    %dma_wait3A_106 = tpu.memref_squeeze %dma_wait3A_105 : memref<1x4096xi32, #tpu.memory_space<hbm>> -> memref<4096xi32, #tpu.memory_space<hbm>>
    %dma_wait3A_107 = arith.constant 4096 : i32
    %dma_wait3A_108 = tpu.memref_slice %arg2[%dma_wait3A_103, %dma_wait3A_107] : memref<2x16384xi32, #tpu.memory_space<hbm>> -> memref<1x4096xi32, #tpu.memory_space<hbm>>
    %dma_wait3A_109 = tpu.memref_squeeze %dma_wait3A_108 : memref<1x4096xi32, #tpu.memory_space<hbm>> -> memref<4096xi32, #tpu.memory_space<hbm>>
    tpu.wait_dma2 semaphore(%arg18 : memref<!tpu.dma_semaphore, #tpu.memory_space<semaphore_mem>>) src(%dma_wait3A_109 : memref<4096xi32, #tpu.memory_space<hbm>>) dst(%arg14 : memref<4096xi32, #tpu.memory_space<vmem>>)
    %dma_start3A_110 = arith.constant 0 : i32
    %dma_start3A_111 = arith.constant 8192 : i32
    %dma_start3A_112 = tpu.memref_slice %arg2[%dma_start3A_110, %dma_start3A_111] : memref<2x16384xi32, #tpu.memory_space<hbm>> -> memref<1x4096xi32, #tpu.memory_space<hbm>>
    %dma_start3A_113 = tpu.memref_squeeze %dma_start3A_112 : memref<1x4096xi32, #tpu.memory_space<hbm>> -> memref<4096xi32, #tpu.memory_space<hbm>>
    %dma_start3A_114 = arith.constant 8192 : i32
    %dma_start3A_115 = tpu.memref_slice %arg2[%dma_start3A_110, %dma_start3A_114] : memref<2x16384xi32, #tpu.memory_space<hbm>> -> memref<1x4096xi32, #tpu.memory_space<hbm>>
    %dma_start3A_116 = tpu.memref_squeeze %dma_start3A_115 : memref<1x4096xi32, #tpu.memory_space<hbm>> -> memref<4096xi32, #tpu.memory_space<hbm>>
    tpu.enqueue_dma source(%dma_start3A_116 : memref<4096xi32, #tpu.memory_space<hbm>>) target(%arg13 : memref<4096xi32, #tpu.memory_space<vmem>>) target_semaphore(%arg18 : memref<!tpu.dma_semaphore, #tpu.memory_space<semaphore_mem>>)
    %parallel_loop3A_117 = arith.constant 0 : i32
    %parallel_loop3A_118 = arith.constant 4096 : i32
    %parallel_loop3A_119 = arith.constant 16 : i32
    scf.for %parallel_loop3A_586 = %parallel_loop3A_117 to %parallel_loop3A_118 step %parallel_loop3A_119  : i32 {
      %parallel_loop3A_587 = arith.index_cast %parallel_loop3A_586 : i32 to index
      %parallel_loop3A_588 = tpu.vector_load %arg14[%parallel_loop3A_587] {strides = array<i32>} : memref<4096xi32, #tpu.memory_space<vmem>>, vector<16xi32>,
      %parallel_loop3A_589 = tpu.vector_load_idx %arg11[%parallel_loop3A_588] : memref<100096xf32, #tpu.memory_space<vmem>>[vector<16xi32>], vector<16xf32>,
      %parallel_loop3A_590 = arith.constant 4096 : i32
      %parallel_loop3A_591 = arith.addi %parallel_loop3A_590, %parallel_loop3A_586 : i32
      %parallel_loop3A_592 = arith.index_cast %parallel_loop3A_591 : i32 to index
      %parallel_loop3A_593 = tpu.vector_load %arg12[%parallel_loop3A_592] {strides = array<i32>} : memref<16384xf32, #tpu.memory_space<vmem>>, vector<16xf32>,
      tpu.vector_store %arg12[%parallel_loop3A_592], %parallel_loop3A_589 {strides = array<i32>} : memref<16384xf32, #tpu.memory_space<vmem>>, vector<16xf32>,
    } {sc.loop_unroll_factor = 16 : i64, sc.parallel_access}
    %dma_wait3A_120 = arith.constant 0 : i32
    %dma_wait3A_121 = arith.constant 8192 : i32
    %dma_wait3A_122 = tpu.memref_slice %arg2[%dma_wait3A_120, %dma_wait3A_121] : memref<2x16384xi32, #tpu.memory_space<hbm>> -> memref<1x4096xi32, #tpu.memory_space<hbm>>
    %dma_wait3A_123 = tpu.memref_squeeze %dma_wait3A_122 : memref<1x4096xi32, #tpu.memory_space<hbm>> -> memref<4096xi32, #tpu.memory_space<hbm>>
    %dma_wait3A_124 = arith.constant 8192 : i32
    %dma_wait3A_125 = tpu.memref_slice %arg2[%dma_wait3A_120, %dma_wait3A_124] : memref<2x16384xi32, #tpu.memory_space<hbm>> -> memref<1x4096xi32, #tpu.memory_space<hbm>>
    %dma_wait3A_126 = tpu.memref_squeeze %dma_wait3A_125 : memref<1x4096xi32, #tpu.memory_space<hbm>> -> memref<4096xi32, #tpu.memory_space<hbm>>
    tpu.wait_dma2 semaphore(%arg18 : memref<!tpu.dma_semaphore, #tpu.memory_space<semaphore_mem>>) src(%dma_wait3A_126 : memref<4096xi32, #tpu.memory_space<hbm>>) dst(%arg13 : memref<4096xi32, #tpu.memory_space<vmem>>)
    %dma_start3A_127 = arith.constant 0 : i32
    %dma_start3A_128 = arith.constant 12288 : i32
    %dma_start3A_129 = tpu.memref_slice %arg2[%dma_start3A_127, %dma_start3A_128] : memref<2x16384xi32, #tpu.memory_space<hbm>> -> memref<1x4096xi32, #tpu.memory_space<hbm>>
    %dma_start3A_130 = tpu.memref_squeeze %dma_start3A_129 : memref<1x4096xi32, #tpu.memory_space<hbm>> -> memref<4096xi32, #tpu.memory_space<hbm>>
    %dma_start3A_131 = arith.constant 12288 : i32
    %dma_start3A_132 = tpu.memref_slice %arg2[%dma_start3A_127, %dma_start3A_131] : memref<2x16384xi32, #tpu.memory_space<hbm>> -> memref<1x4096xi32, #tpu.memory_space<hbm>>
    %dma_start3A_133 = tpu.memref_squeeze %dma_start3A_132 : memref<1x4096xi32, #tpu.memory_space<hbm>> -> memref<4096xi32, #tpu.memory_space<hbm>>
    tpu.enqueue_dma source(%dma_start3A_133 : memref<4096xi32, #tpu.memory_space<hbm>>) target(%arg14 : memref<4096xi32, #tpu.memory_space<vmem>>) target_semaphore(%arg18 : memref<!tpu.dma_semaphore, #tpu.memory_space<semaphore_mem>>)
    %parallel_loop3A_134 = arith.constant 0 : i32
    %parallel_loop3A_135 = arith.constant 4096 : i32
    %parallel_loop3A_136 = arith.constant 16 : i32
    scf.for %parallel_loop3A_586 = %parallel_loop3A_134 to %parallel_loop3A_135 step %parallel_loop3A_136  : i32 {
      %parallel_loop3A_587 = arith.index_cast %parallel_loop3A_586 : i32 to index
      %parallel_loop3A_588 = tpu.vector_load %arg13[%parallel_loop3A_587] {strides = array<i32>} : memref<4096xi32, #tpu.memory_space<vmem>>, vector<16xi32>,
      %parallel_loop3A_589 = tpu.vector_load_idx %arg11[%parallel_loop3A_588] : memref<100096xf32, #tpu.memory_space<vmem>>[vector<16xi32>], vector<16xf32>,
      %parallel_loop3A_590 = arith.constant 8192 : i32
      %parallel_loop3A_591 = arith.addi %parallel_loop3A_590, %parallel_loop3A_586 : i32
      %parallel_loop3A_592 = arith.index_cast %parallel_loop3A_591 : i32 to index
      %parallel_loop3A_593 = tpu.vector_load %arg12[%parallel_loop3A_592] {strides = array<i32>} : memref<16384xf32, #tpu.memory_space<vmem>>, vector<16xf32>,
      tpu.vector_store %arg12[%parallel_loop3A_592], %parallel_loop3A_589 {strides = array<i32>} : memref<16384xf32, #tpu.memory_space<vmem>>, vector<16xf32>,
    } {sc.loop_unroll_factor = 16 : i64, sc.parallel_access}
    %dma_wait3A_137 = arith.constant 0 : i32
    %dma_wait3A_138 = arith.constant 12288 : i32
    %dma_wait3A_139 = tpu.memref_slice %arg2[%dma_wait3A_137, %dma_wait3A_138] : memref<2x16384xi32, #tpu.memory_space<hbm>> -> memref<1x4096xi32, #tpu.memory_space<hbm>>
    %dma_wait3A_140 = tpu.memref_squeeze %dma_wait3A_139 : memref<1x4096xi32, #tpu.memory_space<hbm>> -> memref<4096xi32, #tpu.memory_space<hbm>>
    %dma_wait3A_141 = arith.constant 12288 : i32
    %dma_wait3A_142 = tpu.memref_slice %arg2[%dma_wait3A_137, %dma_wait3A_141] : memref<2x16384xi32, #tpu.memory_space<hbm>> -> memref<1x4096xi32, #tpu.memory_space<hbm>>
    %dma_wait3A_143 = tpu.memref_squeeze %dma_wait3A_142 : memref<1x4096xi32, #tpu.memory_space<hbm>> -> memref<4096xi32, #tpu.memory_space<hbm>>
    tpu.wait_dma2 semaphore(%arg18 : memref<!tpu.dma_semaphore, #tpu.memory_space<semaphore_mem>>) src(%dma_wait3A_143 : memref<4096xi32, #tpu.memory_space<hbm>>) dst(%arg14 : memref<4096xi32, #tpu.memory_space<vmem>>)
    %parallel_loop3A_144 = arith.constant 0 : i32
    %parallel_loop3A_145 = arith.constant 4096 : i32
    %parallel_loop3A_146 = arith.constant 16 : i32
    scf.for %parallel_loop3A_586 = %parallel_loop3A_144 to %parallel_loop3A_145 step %parallel_loop3A_146  : i32 {
      %parallel_loop3A_587 = arith.index_cast %parallel_loop3A_586 : i32 to index
      %parallel_loop3A_588 = tpu.vector_load %arg14[%parallel_loop3A_587] {strides = array<i32>} : memref<4096xi32, #tpu.memory_space<vmem>>, vector<16xi32>,
      %parallel_loop3A_589 = tpu.vector_load_idx %arg11[%parallel_loop3A_588] : memref<100096xf32, #tpu.memory_space<vmem>>[vector<16xi32>], vector<16xf32>,
      %parallel_loop3A_590 = arith.constant 12288 : i32
      %parallel_loop3A_591 = arith.addi %parallel_loop3A_590, %parallel_loop3A_586 : i32
      %parallel_loop3A_592 = arith.index_cast %parallel_loop3A_591 : i32 to index
      %parallel_loop3A_593 = tpu.vector_load %arg12[%parallel_loop3A_592] {strides = array<i32>} : memref<16384xf32, #tpu.memory_space<vmem>>, vector<16xf32>,
      tpu.vector_store %arg12[%parallel_loop3A_592], %parallel_loop3A_589 {strides = array<i32>} : memref<16384xf32, #tpu.memory_space<vmem>>, vector<16xf32>,
    } {sc.loop_unroll_factor = 16 : i64, sc.parallel_access}
    %dma_start3A_147 = arith.constant 0 : i32
    %dma_start3A_148 = tpu.memref_slice %arg11[%dma_start3A_147] : memref<100096xf32, #tpu.memory_space<vmem>> -> memref<50048xf32, #tpu.memory_space<vmem>>
    %dma_start3A_149 = arith.constant 0 : i32
    %dma_start3A_150 = tpu.memref_slice %arg4[%add3A_15, %dma_start3A_149] : memref<64x100000xf32, #tpu.memory_space<hbm>> -> memref<1x50048xf32, #tpu.memory_space<hbm>>
    %dma_start3A_151 = tpu.memref_squeeze %dma_start3A_150 : memref<1x50048xf32, #tpu.memory_space<hbm>> -> memref<50048xf32, #tpu.memory_space<hbm>>
    %dma_start3A_152 = arith.constant 0 : i32
    %dma_start3A_153 = tpu.memref_slice %arg11[%dma_start3A_152] : memref<100096xf32, #tpu.memory_space<vmem>> -> memref<50048xf32, #tpu.memory_space<vmem>>
    %dma_start3A_154 = arith.constant 0 : i32
    %dma_start3A_155 = tpu.memref_slice %arg4[%add3A_15, %dma_start3A_154] : memref<64x100000xf32, #tpu.memory_space<hbm>> -> memref<1x50048xf32, #tpu.memory_space<hbm>>
    %dma_start3A_156 = tpu.memref_squeeze %dma_start3A_155 : memref<1x50048xf32, #tpu.memory_space<hbm>> -> memref<50048xf32, #tpu.memory_space<hbm>>
    tpu.enqueue_dma source(%dma_start3A_156 : memref<50048xf32, #tpu.memory_space<hbm>>) target(%dma_start3A_153 : memref<50048xf32, #tpu.memory_space<vmem>>) target_semaphore(%arg16 : memref<!tpu.dma_semaphore, #tpu.memory_space<semaphore_mem>>)
    %dma_start3A_157 = arith.constant 50048 : i32
    %dma_start3A_158 = tpu.memref_slice %arg11[%dma_start3A_157] : memref<100096xf32, #tpu.memory_space<vmem>> -> memref<49920xf32, #tpu.memory_space<vmem>>
    %dma_start3A_159 = arith.constant 50048 : i32
    %dma_start3A_160 = tpu.memref_slice %arg4[%add3A_15, %dma_start3A_159] : memref<64x100000xf32, #tpu.memory_space<hbm>> -> memref<1x49920xf32, #tpu.memory_space<hbm>>
    %dma_start3A_161 = tpu.memref_squeeze %dma_start3A_160 : memref<1x49920xf32, #tpu.memory_space<hbm>> -> memref<49920xf32, #tpu.memory_space<hbm>>
    %dma_start3A_162 = arith.constant 50048 : i32
    %dma_start3A_163 = tpu.memref_slice %arg11[%dma_start3A_162] : memref<100096xf32, #tpu.memory_space<vmem>> -> memref<49920xf32, #tpu.memory_space<vmem>>
    %dma_start3A_164 = arith.constant 50048 : i32
    %dma_start3A_165 = tpu.memref_slice %arg4[%add3A_15, %dma_start3A_164] : memref<64x100000xf32, #tpu.memory_space<hbm>> -> memref<1x49920xf32, #tpu.memory_space<hbm>>
    %dma_start3A_166 = tpu.memref_squeeze %dma_start3A_165 : memref<1x49920xf32, #tpu.memory_space<hbm>> -> memref<49920xf32, #tpu.memory_space<hbm>>
    tpu.enqueue_dma source(%dma_start3A_166 : memref<49920xf32, #tpu.memory_space<hbm>>) target(%dma_start3A_163 : memref<49920xf32, #tpu.memory_space<vmem>>) target_semaphore(%arg17 : memref<!tpu.dma_semaphore, #tpu.memory_space<semaphore_mem>>)
    %dma_wait3A_167 = arith.constant 0 : i32
    %dma_wait3A_168 = tpu.memref_slice %arg11[%dma_wait3A_167] : memref<100096xf32, #tpu.memory_space<vmem>> -> memref<50048xf32, #tpu.memory_space<vmem>>
    %dma_wait3A_169 = arith.constant 0 : i32
    %dma_wait3A_170 = tpu.memref_slice %arg4[%add3A_15, %dma_wait3A_169] : memref<64x100000xf32, #tpu.memory_space<hbm>> -> memref<1x50048xf32, #tpu.memory_space<hbm>>
    %dma_wait3A_171 = tpu.memref_squeeze %dma_wait3A_170 : memref<1x50048xf32, #tpu.memory_space<hbm>> -> memref<50048xf32, #tpu.memory_space<hbm>>
    %dma_wait3A_172 = arith.constant 0 : i32
    %dma_wait3A_173 = tpu.memref_slice %arg11[%dma_wait3A_172] : memref<100096xf32, #tpu.memory_space<vmem>> -> memref<50048xf32, #tpu.memory_space<vmem>>
    %dma_wait3A_174 = arith.constant 0 : i32
    %dma_wait3A_175 = tpu.memref_slice %arg4[%add3A_15, %dma_wait3A_174] : memref<64x100000xf32, #tpu.memory_space<hbm>> -> memref<1x50048xf32, #tpu.memory_space<hbm>>
    %dma_wait3A_176 = tpu.memref_squeeze %dma_wait3A_175 : memref<1x50048xf32, #tpu.memory_space<hbm>> -> memref<50048xf32, #tpu.memory_space<hbm>>
    tpu.wait_dma2 semaphore(%arg16 : memref<!tpu.dma_semaphore, #tpu.memory_space<semaphore_mem>>) src(%dma_wait3A_176 : memref<50048xf32, #tpu.memory_space<hbm>>) dst(%dma_wait3A_173 : memref<50048xf32, #tpu.memory_space<vmem>>)
    %dma_wait3A_177 = arith.constant 50048 : i32
    %dma_wait3A_178 = tpu.memref_slice %arg11[%dma_wait3A_177] : memref<100096xf32, #tpu.memory_space<vmem>> -> memref<49920xf32, #tpu.memory_space<vmem>>
    %dma_wait3A_179 = arith.constant 50048 : i32
    %dma_wait3A_180 = tpu.memref_slice %arg4[%add3A_15, %dma_wait3A_179] : memref<64x100000xf32, #tpu.memory_space<hbm>> -> memref<1x49920xf32, #tpu.memory_space<hbm>>
    %dma_wait3A_181 = tpu.memref_squeeze %dma_wait3A_180 : memref<1x49920xf32, #tpu.memory_space<hbm>> -> memref<49920xf32, #tpu.memory_space<hbm>>
    %dma_wait3A_182 = arith.constant 50048 : i32
    %dma_wait3A_183 = tpu.memref_slice %arg11[%dma_wait3A_182] : memref<100096xf32, #tpu.memory_space<vmem>> -> memref<49920xf32, #tpu.memory_space<vmem>>
    %dma_wait3A_184 = arith.constant 50048 : i32
    %dma_wait3A_185 = tpu.memref_slice %arg4[%add3A_15, %dma_wait3A_184] : memref<64x100000xf32, #tpu.memory_space<hbm>> -> memref<1x49920xf32, #tpu.memory_space<hbm>>
    %dma_wait3A_186 = tpu.memref_squeeze %dma_wait3A_185 : memref<1x49920xf32, #tpu.memory_space<hbm>> -> memref<49920xf32, #tpu.memory_space<hbm>>
    tpu.wait_dma2 semaphore(%arg17 : memref<!tpu.dma_semaphore, #tpu.memory_space<semaphore_mem>>) src(%dma_wait3A_186 : memref<49920xf32, #tpu.memory_space<hbm>>) dst(%dma_wait3A_183 : memref<49920xf32, #tpu.memory_space<vmem>>)
    %add3A_187 = arith.constant 0 : i32
    %add3A_188 = vector.broadcast %add3A_187 : i32 to vector<16xi32>
    %add3A_189 = arith.addi %iota3A, %add3A_188 : vector<16xi32>
    %mul3A_190 = arith.constant 64 : i32
    %mul3A_191 = vector.broadcast %mul3A_190 : i32 to vector<16xi32>
    %mul3A_192 = arith.muli %add3A_189, %mul3A_191 : vector<16xi32>
    %add3A_193 = vector.broadcast %add3A_15 : i32 to vector<16xi32>
    %add3A_194 = arith.addi %mul3A_192, %add3A_193 : vector<16xi32>
    %add3A_195 = arith.constant 2048 : i32
    %add3A_196 = vector.broadcast %add3A_195 : i32 to vector<16xi32>
    %add3A_197 = arith.addi %add3A_196, %add3A_194 : vector<16xi32>
    %gather3A_198 = tpu.vector_load_idx %arg15[%add3A_197] : memref<5120xf32, #tpu.memory_space<vmem>>[vector<16xi32>], vector<16xf32>,
    %swap3A_199 = arith.constant 99968 : index
    %swap3A_200 = tpu.vector_load %arg11[%swap3A_199] {strides = array<i32>} : memref<100096xf32, #tpu.memory_space<vmem>>, vector<16xf32>,
    tpu.vector_store %arg11[%swap3A_199], %gather3A_198 {strides = array<i32>} : memref<100096xf32, #tpu.memory_space<vmem>>, vector<16xf32>,
    %add3A_201 = arith.constant 16 : i32
    %add3A_202 = vector.broadcast %add3A_201 : i32 to vector<16xi32>
    %add3A_203 = arith.addi %iota3A, %add3A_202 : vector<16xi32>
    %mul3A_204 = arith.constant 64 : i32
    %mul3A_205 = vector.broadcast %mul3A_204 : i32 to vector<16xi32>
    %mul3A_206 = arith.muli %add3A_203, %mul3A_205 : vector<16xi32>
    %add3A_207 = vector.broadcast %add3A_15 : i32 to vector<16xi32>
    %add3A_208 = arith.addi %mul3A_206, %add3A_207 : vector<16xi32>
    %add3A_209 = arith.constant 2048 : i32
    %add3A_210 = vector.broadcast %add3A_209 : i32 to vector<16xi32>
    %add3A_211 = arith.addi %add3A_210, %add3A_208 : vector<16xi32>
    %gather3A_212 = tpu.vector_load_idx %arg15[%add3A_211] : memref<5120xf32, #tpu.memory_space<vmem>>[vector<16xi32>], vector<16xf32>,
    %swap3A_213 = arith.constant 99984 : index
    %swap3A_214 = tpu.vector_load %arg11[%swap3A_213] {strides = array<i32>} : memref<100096xf32, #tpu.memory_space<vmem>>, vector<16xf32>,
    tpu.vector_store %arg11[%swap3A_213], %gather3A_212 {strides = array<i32>} : memref<100096xf32, #tpu.memory_space<vmem>>, vector<16xf32>,
    %dma_start3A_215 = arith.constant 1 : i32
    %dma_start3A_216 = arith.constant 0 : i32
    %dma_start3A_217 = tpu.memref_slice %arg2[%dma_start3A_215, %dma_start3A_216] : memref<2x16384xi32, #tpu.memory_space<hbm>> -> memref<1x4096xi32, #tpu.memory_space<hbm>>
    %dma_start3A_218 = tpu.memref_squeeze %dma_start3A_217 : memref<1x4096xi32, #tpu.memory_space<hbm>> -> memref<4096xi32, #tpu.memory_space<hbm>>
    %dma_start3A_219 = arith.constant 0 : i32
    %dma_start3A_220 = tpu.memref_slice %arg2[%dma_start3A_215, %dma_start3A_219] : memref<2x16384xi32, #tpu.memory_space<hbm>> -> memref<1x4096xi32, #tpu.memory_space<hbm>>
    %dma_start3A_221 = tpu.memref_squeeze %dma_start3A_220 : memref<1x4096xi32, #tpu.memory_space<hbm>> -> memref<4096xi32, #tpu.memory_space<hbm>>
    tpu.enqueue_dma source(%dma_start3A_221 : memref<4096xi32, #tpu.memory_space<hbm>>) target(%arg13 : memref<4096xi32, #tpu.memory_space<vmem>>) target_semaphore(%arg18 : memref<!tpu.dma_semaphore, #tpu.memory_space<semaphore_mem>>)
    %dma_wait3A_222 = arith.constant 1 : i32
    %dma_wait3A_223 = arith.constant 0 : i32
    %dma_wait3A_224 = tpu.memref_slice %arg2[%dma_wait3A_222, %dma_wait3A_223] : memref<2x16384xi32, #tpu.memory_space<hbm>> -> memref<1x4096xi32, #tpu.memory_space<hbm>>
    %dma_wait3A_225 = tpu.memref_squeeze %dma_wait3A_224 : memref<1x4096xi32, #tpu.memory_space<hbm>> -> memref<4096xi32, #tpu.memory_space<hbm>>
    %dma_wait3A_226 = arith.constant 0 : i32
    %dma_wait3A_227 = tpu.memref_slice %arg2[%dma_wait3A_222, %dma_wait3A_226] : memref<2x16384xi32, #tpu.memory_space<hbm>> -> memref<1x4096xi32, #tpu.memory_space<hbm>>
    %dma_wait3A_228 = tpu.memref_squeeze %dma_wait3A_227 : memref<1x4096xi32, #tpu.memory_space<hbm>> -> memref<4096xi32, #tpu.memory_space<hbm>>
    tpu.wait_dma2 semaphore(%arg18 : memref<!tpu.dma_semaphore, #tpu.memory_space<semaphore_mem>>) src(%dma_wait3A_228 : memref<4096xi32, #tpu.memory_space<hbm>>) dst(%arg13 : memref<4096xi32, #tpu.memory_space<vmem>>)
    %dma_start3A_229 = arith.constant 1 : i32
    %dma_start3A_230 = arith.constant 4096 : i32
    %dma_start3A_231 = tpu.memref_slice %arg2[%dma_start3A_229, %dma_start3A_230] : memref<2x16384xi32, #tpu.memory_space<hbm>> -> memref<1x4096xi32, #tpu.memory_space<hbm>>
    %dma_start3A_232 = tpu.memref_squeeze %dma_start3A_231 : memref<1x4096xi32, #tpu.memory_space<hbm>> -> memref<4096xi32, #tpu.memory_space<hbm>>
    %dma_start3A_233 = arith.constant 4096 : i32
    %dma_start3A_234 = tpu.memref_slice %arg2[%dma_start3A_229, %dma_start3A_233] : memref<2x16384xi32, #tpu.memory_space<hbm>> -> memref<1x4096xi32, #tpu.memory_space<hbm>>
    %dma_start3A_235 = tpu.memref_squeeze %dma_start3A_234 : memref<1x4096xi32, #tpu.memory_space<hbm>> -> memref<4096xi32, #tpu.memory_space<hbm>>
    tpu.enqueue_dma source(%dma_start3A_235 : memref<4096xi32, #tpu.memory_space<hbm>>) target(%arg14 : memref<4096xi32, #tpu.memory_space<vmem>>) target_semaphore(%arg18 : memref<!tpu.dma_semaphore, #tpu.memory_space<semaphore_mem>>)
    %parallel_loop3A_236 = arith.constant 0 : i32
    %parallel_loop3A_237 = arith.constant 4096 : i32
    %parallel_loop3A_238 = arith.constant 32 : i32
    %parallel_loop3A_239:2 = scf.for %parallel_loop3A_586 = %parallel_loop3A_236 to %parallel_loop3A_237 step %parallel_loop3A_238 iter_args(%parallel_loop3A_587 = %broadcast_in_dim3A_9, %parallel_loop3A_588 = %broadcast_in_dim3A_11) -> (vector<16xf32>, vector<16xf32>)  : i32 {
      %parallel_loop3A_589 = arith.index_cast %parallel_loop3A_586 : i32 to index
      %parallel_loop3A_590 = tpu.vector_load %arg13[%parallel_loop3A_589] {strides = array<i32>} : memref<4096xi32, #tpu.memory_space<vmem>>, vector<16xi32>,
      %parallel_loop3A_591 = tpu.vector_load_idx %arg11[%parallel_loop3A_590] : memref<100096xf32, #tpu.memory_space<vmem>>[vector<16xi32>], vector<16xf32>,
      %parallel_loop3A_592 = arith.constant 0 : i32
      %parallel_loop3A_593 = arith.addi %parallel_loop3A_592, %parallel_loop3A_586 : i32
      %parallel_loop3A_594 = arith.index_cast %parallel_loop3A_593 : i32 to index
      %parallel_loop3A_595 = tpu.vector_load %arg12[%parallel_loop3A_594] {strides = array<i32>} : memref<16384xf32, #tpu.memory_space<vmem>>, vector<16xf32>,
      %parallel_loop3A_596 = arith.mulf %parallel_loop3A_591, %parallel_loop3A_595 : vector<16xf32>
      %parallel_loop3A_597 = arith.addf %parallel_loop3A_587, %parallel_loop3A_596 : vector<16xf32>
      %parallel_loop3A_598 = arith.constant 16 : i32
      %parallel_loop3A_599 = arith.addi %parallel_loop3A_586, %parallel_loop3A_598 : i32
      %parallel_loop3A_600 = arith.index_cast %parallel_loop3A_599 : i32 to index
      %parallel_loop3A_601 = tpu.vector_load %arg13[%parallel_loop3A_600] {strides = array<i32>} : memref<4096xi32, #tpu.memory_space<vmem>>, vector<16xi32>,
      %parallel_loop3A_602 = tpu.vector_load_idx %arg11[%parallel_loop3A_601] : memref<100096xf32, #tpu.memory_space<vmem>>[vector<16xi32>], vector<16xf32>,
      %parallel_loop3A_603 = arith.constant 0 : i32
      %parallel_loop3A_604 = arith.addi %parallel_loop3A_603, %parallel_loop3A_586 : i32
      %parallel_loop3A_605 = arith.constant 16 : i32
      %parallel_loop3A_606 = arith.addi %parallel_loop3A_604, %parallel_loop3A_605 : i32
      %parallel_loop3A_607 = arith.index_cast %parallel_loop3A_606 : i32 to index
      %parallel_loop3A_608 = tpu.vector_load %arg12[%parallel_loop3A_607] {strides = array<i32>} : memref<16384xf32, #tpu.memory_space<vmem>>, vector<16xf32>,
      %parallel_loop3A_609 = arith.mulf %parallel_loop3A_602, %parallel_loop3A_608 : vector<16xf32>
      %parallel_loop3A_610 = arith.addf %parallel_loop3A_588, %parallel_loop3A_609 : vector<16xf32>
      scf.yield %parallel_loop3A_597, %parallel_loop3A_610 : vector<16xf32>, vector<16xf32>
    } {sc.loop_unroll_factor = 8 : i64, sc.parallel_access}
    %dma_wait3A_240 = arith.constant 1 : i32
    %dma_wait3A_241 = arith.constant 4096 : i32
    %dma_wait3A_242 = tpu.memref_slice %arg2[%dma_wait3A_240, %dma_wait3A_241] : memref<2x16384xi32, #tpu.memory_space<hbm>> -> memref<1x4096xi32, #tpu.memory_space<hbm>>
    %dma_wait3A_243 = tpu.memref_squeeze %dma_wait3A_242 : memref<1x4096xi32, #tpu.memory_space<hbm>> -> memref<4096xi32, #tpu.memory_space<hbm>>
    %dma_wait3A_244 = arith.constant 4096 : i32
    %dma_wait3A_245 = tpu.memref_slice %arg2[%dma_wait3A_240, %dma_wait3A_244] : memref<2x16384xi32, #tpu.memory_space<hbm>> -> memref<1x4096xi32, #tpu.memory_space<hbm>>
    %dma_wait3A_246 = tpu.memref_squeeze %dma_wait3A_245 : memref<1x4096xi32, #tpu.memory_space<hbm>> -> memref<4096xi32, #tpu.memory_space<hbm>>
    tpu.wait_dma2 semaphore(%arg18 : memref<!tpu.dma_semaphore, #tpu.memory_space<semaphore_mem>>) src(%dma_wait3A_246 : memref<4096xi32, #tpu.memory_space<hbm>>) dst(%arg14 : memref<4096xi32, #tpu.memory_space<vmem>>)
    %dma_start3A_247 = arith.constant 1 : i32
    %dma_start3A_248 = arith.constant 8192 : i32
    %dma_start3A_249 = tpu.memref_slice %arg2[%dma_start3A_247, %dma_start3A_248] : memref<2x16384xi32, #tpu.memory_space<hbm>> -> memref<1x4096xi32, #tpu.memory_space<hbm>>
    %dma_start3A_250 = tpu.memref_squeeze %dma_start3A_249 : memref<1x4096xi32, #tpu.memory_space<hbm>> -> memref<4096xi32, #tpu.memory_space<hbm>>
    %dma_start3A_251 = arith.constant 8192 : i32
    %dma_start3A_252 = tpu.memref_slice %arg2[%dma_start3A_247, %dma_start3A_251] : memref<2x16384xi32, #tpu.memory_space<hbm>> -> memref<1x4096xi32, #tpu.memory_space<hbm>>
    %dma_start3A_253 = tpu.memref_squeeze %dma_start3A_252 : memref<1x4096xi32, #tpu.memory_space<hbm>> -> memref<4096xi32, #tpu.memory_space<hbm>>
    tpu.enqueue_dma source(%dma_start3A_253 : memref<4096xi32, #tpu.memory_space<hbm>>) target(%arg13 : memref<4096xi32, #tpu.memory_space<vmem>>) target_semaphore(%arg18 : memref<!tpu.dma_semaphore, #tpu.memory_space<semaphore_mem>>)
    %parallel_loop3A_254 = arith.constant 0 : i32
    %parallel_loop3A_255 = arith.constant 4096 : i32
    %parallel_loop3A_256 = arith.constant 32 : i32
    %parallel_loop3A_257:2 = scf.for %parallel_loop3A_586 = %parallel_loop3A_254 to %parallel_loop3A_255 step %parallel_loop3A_256 iter_args(%parallel_loop3A_587 = %parallel_loop3A_239#0, %parallel_loop3A_588 = %parallel_loop3A_239#1) -> (vector<16xf32>, vector<16xf32>)  : i32 {
      %parallel_loop3A_589 = arith.index_cast %parallel_loop3A_586 : i32 to index
      %parallel_loop3A_590 = tpu.vector_load %arg14[%parallel_loop3A_589] {strides = array<i32>} : memref<4096xi32, #tpu.memory_space<vmem>>, vector<16xi32>,
      %parallel_loop3A_591 = tpu.vector_load_idx %arg11[%parallel_loop3A_590] : memref<100096xf32, #tpu.memory_space<vmem>>[vector<16xi32>], vector<16xf32>,
      %parallel_loop3A_592 = arith.constant 4096 : i32
      %parallel_loop3A_593 = arith.addi %parallel_loop3A_592, %parallel_loop3A_586 : i32
      %parallel_loop3A_594 = arith.index_cast %parallel_loop3A_593 : i32 to index
      %parallel_loop3A_595 = tpu.vector_load %arg12[%parallel_loop3A_594] {strides = array<i32>} : memref<16384xf32, #tpu.memory_space<vmem>>, vector<16xf32>,
      %parallel_loop3A_596 = arith.mulf %parallel_loop3A_591, %parallel_loop3A_595 : vector<16xf32>
      %parallel_loop3A_597 = arith.addf %parallel_loop3A_587, %parallel_loop3A_596 : vector<16xf32>
      %parallel_loop3A_598 = arith.constant 16 : i32
      %parallel_loop3A_599 = arith.addi %parallel_loop3A_586, %parallel_loop3A_598 : i32
      %parallel_loop3A_600 = arith.index_cast %parallel_loop3A_599 : i32 to index
      %parallel_loop3A_601 = tpu.vector_load %arg14[%parallel_loop3A_600] {strides = array<i32>} : memref<4096xi32, #tpu.memory_space<vmem>>, vector<16xi32>,
      %parallel_loop3A_602 = tpu.vector_load_idx %arg11[%parallel_loop3A_601] : memref<100096xf32, #tpu.memory_space<vmem>>[vector<16xi32>], vector<16xf32>,
      %parallel_loop3A_603 = arith.constant 4096 : i32
      %parallel_loop3A_604 = arith.addi %parallel_loop3A_603, %parallel_loop3A_586 : i32
      %parallel_loop3A_605 = arith.constant 16 : i32
      %parallel_loop3A_606 = arith.addi %parallel_loop3A_604, %parallel_loop3A_605 : i32
      %parallel_loop3A_607 = arith.index_cast %parallel_loop3A_606 : i32 to index
      %parallel_loop3A_608 = tpu.vector_load %arg12[%parallel_loop3A_607] {strides = array<i32>} : memref<16384xf32, #tpu.memory_space<vmem>>, vector<16xf32>,
      %parallel_loop3A_609 = arith.mulf %parallel_loop3A_602, %parallel_loop3A_608 : vector<16xf32>
      %parallel_loop3A_610 = arith.addf %parallel_loop3A_588, %parallel_loop3A_609 : vector<16xf32>
      scf.yield %parallel_loop3A_597, %parallel_loop3A_610 : vector<16xf32>, vector<16xf32>
    } {sc.loop_unroll_factor = 8 : i64, sc.parallel_access}
    %dma_wait3A_258 = arith.constant 1 : i32
    %dma_wait3A_259 = arith.constant 8192 : i32
    %dma_wait3A_260 = tpu.memref_slice %arg2[%dma_wait3A_258, %dma_wait3A_259] : memref<2x16384xi32, #tpu.memory_space<hbm>> -> memref<1x4096xi32, #tpu.memory_space<hbm>>
    %dma_wait3A_261 = tpu.memref_squeeze %dma_wait3A_260 : memref<1x4096xi32, #tpu.memory_space<hbm>> -> memref<4096xi32, #tpu.memory_space<hbm>>
    %dma_wait3A_262 = arith.constant 8192 : i32
    %dma_wait3A_263 = tpu.memref_slice %arg2[%dma_wait3A_258, %dma_wait3A_262] : memref<2x16384xi32, #tpu.memory_space<hbm>> -> memref<1x4096xi32, #tpu.memory_space<hbm>>
    %dma_wait3A_264 = tpu.memref_squeeze %dma_wait3A_263 : memref<1x4096xi32, #tpu.memory_space<hbm>> -> memref<4096xi32, #tpu.memory_space<hbm>>
    tpu.wait_dma2 semaphore(%arg18 : memref<!tpu.dma_semaphore, #tpu.memory_space<semaphore_mem>>) src(%dma_wait3A_264 : memref<4096xi32, #tpu.memory_space<hbm>>) dst(%arg13 : memref<4096xi32, #tpu.memory_space<vmem>>)
    %dma_start3A_265 = arith.constant 1 : i32
    %dma_start3A_266 = arith.constant 12288 : i32
    %dma_start3A_267 = tpu.memref_slice %arg2[%dma_start3A_265, %dma_start3A_266] : memref<2x16384xi32, #tpu.memory_space<hbm>> -> memref<1x4096xi32, #tpu.memory_space<hbm>>
    %dma_start3A_268 = tpu.memref_squeeze %dma_start3A_267 : memref<1x4096xi32, #tpu.memory_space<hbm>> -> memref<4096xi32, #tpu.memory_space<hbm>>
    %dma_start3A_269 = arith.constant 12288 : i32
    %dma_start3A_270 = tpu.memref_slice %arg2[%dma_start3A_265, %dma_start3A_269] : memref<2x16384xi32, #tpu.memory_space<hbm>> -> memref<1x4096xi32, #tpu.memory_space<hbm>>
    %dma_start3A_271 = tpu.memref_squeeze %dma_start3A_270 : memref<1x4096xi32, #tpu.memory_space<hbm>> -> memref<4096xi32, #tpu.memory_space<hbm>>
    tpu.enqueue_dma source(%dma_start3A_271 : memref<4096xi32, #tpu.memory_space<hbm>>) target(%arg14 : memref<4096xi32, #tpu.memory_space<vmem>>) target_semaphore(%arg18 : memref<!tpu.dma_semaphore, #tpu.memory_space<semaphore_mem>>)
    %parallel_loop3A_272 = arith.constant 0 : i32
    %parallel_loop3A_273 = arith.constant 4096 : i32
    %parallel_loop3A_274 = arith.constant 32 : i32
    %parallel_loop3A_275:2 = scf.for %parallel_loop3A_586 = %parallel_loop3A_272 to %parallel_loop3A_273 step %parallel_loop3A_274 iter_args(%parallel_loop3A_587 = %parallel_loop3A_257#0, %parallel_loop3A_588 = %parallel_loop3A_257#1) -> (vector<16xf32>, vector<16xf32>)  : i32 {
      %parallel_loop3A_589 = arith.index_cast %parallel_loop3A_586 : i32 to index
      %parallel_loop3A_590 = tpu.vector_load %arg13[%parallel_loop3A_589] {strides = array<i32>} : memref<4096xi32, #tpu.memory_space<vmem>>, vector<16xi32>,
      %parallel_loop3A_591 = tpu.vector_load_idx %arg11[%parallel_loop3A_590] : memref<100096xf32, #tpu.memory_space<vmem>>[vector<16xi32>], vector<16xf32>,
      %parallel_loop3A_592 = arith.constant 8192 : i32
      %parallel_loop3A_593 = arith.addi %parallel_loop3A_592, %parallel_loop3A_586 : i32
      %parallel_loop3A_594 = arith.index_cast %parallel_loop3A_593 : i32 to index
      %parallel_loop3A_595 = tpu.vector_load %arg12[%parallel_loop3A_594] {strides = array<i32>} : memref<16384xf32, #tpu.memory_space<vmem>>, vector<16xf32>,
      %parallel_loop3A_596 = arith.mulf %parallel_loop3A_591, %parallel_loop3A_595 : vector<16xf32>
      %parallel_loop3A_597 = arith.addf %parallel_loop3A_587, %parallel_loop3A_596 : vector<16xf32>
      %parallel_loop3A_598 = arith.constant 16 : i32
      %parallel_loop3A_599 = arith.addi %parallel_loop3A_586, %parallel_loop3A_598 : i32
      %parallel_loop3A_600 = arith.index_cast %parallel_loop3A_599 : i32 to index
      %parallel_loop3A_601 = tpu.vector_load %arg13[%parallel_loop3A_600] {strides = array<i32>} : memref<4096xi32, #tpu.memory_space<vmem>>, vector<16xi32>,
      %parallel_loop3A_602 = tpu.vector_load_idx %arg11[%parallel_loop3A_601] : memref<100096xf32, #tpu.memory_space<vmem>>[vector<16xi32>], vector<16xf32>,
      %parallel_loop3A_603 = arith.constant 8192 : i32
      %parallel_loop3A_604 = arith.addi %parallel_loop3A_603, %parallel_loop3A_586 : i32
      %parallel_loop3A_605 = arith.constant 16 : i32
      %parallel_loop3A_606 = arith.addi %parallel_loop3A_604, %parallel_loop3A_605 : i32
      %parallel_loop3A_607 = arith.index_cast %parallel_loop3A_606 : i32 to index
      %parallel_loop3A_608 = tpu.vector_load %arg12[%parallel_loop3A_607] {strides = array<i32>} : memref<16384xf32, #tpu.memory_space<vmem>>, vector<16xf32>,
      %parallel_loop3A_609 = arith.mulf %parallel_loop3A_602, %parallel_loop3A_608 : vector<16xf32>
      %parallel_loop3A_610 = arith.addf %parallel_loop3A_588, %parallel_loop3A_609 : vector<16xf32>
      scf.yield %parallel_loop3A_597, %parallel_loop3A_610 : vector<16xf32>, vector<16xf32>
    } {sc.loop_unroll_factor = 8 : i64, sc.parallel_access}
    %dma_wait3A_276 = arith.constant 1 : i32
    %dma_wait3A_277 = arith.constant 12288 : i32
    %dma_wait3A_278 = tpu.memref_slice %arg2[%dma_wait3A_276, %dma_wait3A_277] : memref<2x16384xi32, #tpu.memory_space<hbm>> -> memref<1x4096xi32, #tpu.memory_space<hbm>>
    %dma_wait3A_279 = tpu.memref_squeeze %dma_wait3A_278 : memref<1x4096xi32, #tpu.memory_space<hbm>> -> memref<4096xi32, #tpu.memory_space<hbm>>
    %dma_wait3A_280 = arith.constant 12288 : i32
    %dma_wait3A_281 = tpu.memref_slice %arg2[%dma_wait3A_276, %dma_wait3A_280] : memref<2x16384xi32, #tpu.memory_space<hbm>> -> memref<1x4096xi32, #tpu.memory_space<hbm>>
    %dma_wait3A_282 = tpu.memref_squeeze %dma_wait3A_281 : memref<1x4096xi32, #tpu.memory_space<hbm>> -> memref<4096xi32, #tpu.memory_space<hbm>>
    tpu.wait_dma2 semaphore(%arg18 : memref<!tpu.dma_semaphore, #tpu.memory_space<semaphore_mem>>) src(%dma_wait3A_282 : memref<4096xi32, #tpu.memory_space<hbm>>) dst(%arg14 : memref<4096xi32, #tpu.memory_space<vmem>>)
    %parallel_loop3A_283 = arith.constant 0 : i32
    %parallel_loop3A_284 = arith.constant 4096 : i32
    %parallel_loop3A_285 = arith.constant 32 : i32
    %parallel_loop3A_286:2 = scf.for %parallel_loop3A_586 = %parallel_loop3A_283 to %parallel_loop3A_284 step %parallel_loop3A_285 iter_args(%parallel_loop3A_587 = %parallel_loop3A_275#0, %parallel_loop3A_588 = %parallel_loop3A_275#1) -> (vector<16xf32>, vector<16xf32>)  : i32 {
      %parallel_loop3A_589 = arith.index_cast %parallel_loop3A_586 : i32 to index
      %parallel_loop3A_590 = tpu.vector_load %arg14[%parallel_loop3A_589] {strides = array<i32>} : memref<4096xi32, #tpu.memory_space<vmem>>, vector<16xi32>,
      %parallel_loop3A_591 = tpu.vector_load_idx %arg11[%parallel_loop3A_590] : memref<100096xf32, #tpu.memory_space<vmem>>[vector<16xi32>], vector<16xf32>,
      %parallel_loop3A_592 = arith.constant 12288 : i32
      %parallel_loop3A_593 = arith.addi %parallel_loop3A_592, %parallel_loop3A_586 : i32
      %parallel_loop3A_594 = arith.index_cast %parallel_loop3A_593 : i32 to index
      %parallel_loop3A_595 = tpu.vector_load %arg12[%parallel_loop3A_594] {strides = array<i32>} : memref<16384xf32, #tpu.memory_space<vmem>>, vector<16xf32>,
      %parallel_loop3A_596 = arith.mulf %parallel_loop3A_591, %parallel_loop3A_595 : vector<16xf32>
      %parallel_loop3A_597 = arith.addf %parallel_loop3A_587, %parallel_loop3A_596 : vector<16xf32>
      %parallel_loop3A_598 = arith.constant 16 : i32
      %parallel_loop3A_599 = arith.addi %parallel_loop3A_586, %parallel_loop3A_598 : i32
      %parallel_loop3A_600 = arith.index_cast %parallel_loop3A_599 : i32 to index
      %parallel_loop3A_601 = tpu.vector_load %arg14[%parallel_loop3A_600] {strides = array<i32>} : memref<4096xi32, #tpu.memory_space<vmem>>, vector<16xi32>,
      %parallel_loop3A_602 = tpu.vector_load_idx %arg11[%parallel_loop3A_601] : memref<100096xf32, #tpu.memory_space<vmem>>[vector<16xi32>], vector<16xf32>,
      %parallel_loop3A_603 = arith.constant 12288 : i32
      %parallel_loop3A_604 = arith.addi %parallel_loop3A_603, %parallel_loop3A_586 : i32
      %parallel_loop3A_605 = arith.constant 16 : i32
      %parallel_loop3A_606 = arith.addi %parallel_loop3A_604, %parallel_loop3A_605 : i32
      %parallel_loop3A_607 = arith.index_cast %parallel_loop3A_606 : i32 to index
      %parallel_loop3A_608 = tpu.vector_load %arg12[%parallel_loop3A_607] {strides = array<i32>} : memref<16384xf32, #tpu.memory_space<vmem>>, vector<16xf32>,
      %parallel_loop3A_609 = arith.mulf %parallel_loop3A_602, %parallel_loop3A_608 : vector<16xf32>
      %parallel_loop3A_610 = arith.addf %parallel_loop3A_588, %parallel_loop3A_609 : vector<16xf32>
      scf.yield %parallel_loop3A_597, %parallel_loop3A_610 : vector<16xf32>, vector<16xf32>
    } {sc.loop_unroll_factor = 8 : i64, sc.parallel_access}
    %mul3A_287 = arith.constant 2 : i32
    %mul3A_288 = arith.muli %add3A, %mul3A_287 : i32
    %add3A_289 = arith.constant 1 : i32
    %add3A_290 = arith.addi %mul3A_288, %add3A_289 : i32
    %dma_start3A_291 = arith.constant 0 : i32
    %dma_start3A_292 = tpu.memref_slice %arg11[%dma_start3A_291] : memref<100096xf32, #tpu.memory_space<vmem>> -> memref<50048xf32, #tpu.memory_space<vmem>>
    %dma_start3A_293 = arith.constant 0 : i32
    %dma_start3A_294 = tpu.memref_slice %arg3[%add3A_290, %dma_start3A_293] : memref<64x100000xf32, #tpu.memory_space<hbm>> -> memref<1x50048xf32, #tpu.memory_space<hbm>>
    %dma_start3A_295 = tpu.memref_squeeze %dma_start3A_294 : memref<1x50048xf32, #tpu.memory_space<hbm>> -> memref<50048xf32, #tpu.memory_space<hbm>>
    %dma_start3A_296 = arith.constant 0 : i32
    %dma_start3A_297 = tpu.memref_slice %arg11[%dma_start3A_296] : memref<100096xf32, #tpu.memory_space<vmem>> -> memref<50048xf32, #tpu.memory_space<vmem>>
    %dma_start3A_298 = arith.constant 0 : i32
    %dma_start3A_299 = tpu.memref_slice %arg3[%add3A_290, %dma_start3A_298] : memref<64x100000xf32, #tpu.memory_space<hbm>> -> memref<1x50048xf32, #tpu.memory_space<hbm>>
    %dma_start3A_300 = tpu.memref_squeeze %dma_start3A_299 : memref<1x50048xf32, #tpu.memory_space<hbm>> -> memref<50048xf32, #tpu.memory_space<hbm>>
    tpu.enqueue_dma source(%dma_start3A_300 : memref<50048xf32, #tpu.memory_space<hbm>>) target(%dma_start3A_297 : memref<50048xf32, #tpu.memory_space<vmem>>) target_semaphore(%arg16 : memref<!tpu.dma_semaphore, #tpu.memory_space<semaphore_mem>>)
    %dma_start3A_301 = arith.constant 50048 : i32
    %dma_start3A_302 = tpu.memref_slice %arg11[%dma_start3A_301] : memref<100096xf32, #tpu.memory_space<vmem>> -> memref<49920xf32, #tpu.memory_space<vmem>>
    %dma_start3A_303 = arith.constant 50048 : i32
    %dma_start3A_304 = tpu.memref_slice %arg3[%add3A_290, %dma_start3A_303] : memref<64x100000xf32, #tpu.memory_space<hbm>> -> memref<1x49920xf32, #tpu.memory_space<hbm>>
    %dma_start3A_305 = tpu.memref_squeeze %dma_start3A_304 : memref<1x49920xf32, #tpu.memory_space<hbm>> -> memref<49920xf32, #tpu.memory_space<hbm>>
    %dma_start3A_306 = arith.constant 50048 : i32
    %dma_start3A_307 = tpu.memref_slice %arg11[%dma_start3A_306] : memref<100096xf32, #tpu.memory_space<vmem>> -> memref<49920xf32, #tpu.memory_space<vmem>>
    %dma_start3A_308 = arith.constant 50048 : i32
    %dma_start3A_309 = tpu.memref_slice %arg3[%add3A_290, %dma_start3A_308] : memref<64x100000xf32, #tpu.memory_space<hbm>> -> memref<1x49920xf32, #tpu.memory_space<hbm>>
    %dma_start3A_310 = tpu.memref_squeeze %dma_start3A_309 : memref<1x49920xf32, #tpu.memory_space<hbm>> -> memref<49920xf32, #tpu.memory_space<hbm>>
    tpu.enqueue_dma source(%dma_start3A_310 : memref<49920xf32, #tpu.memory_space<hbm>>) target(%dma_start3A_307 : memref<49920xf32, #tpu.memory_space<vmem>>) target_semaphore(%arg17 : memref<!tpu.dma_semaphore, #tpu.memory_space<semaphore_mem>>)
    %dma_wait3A_311 = arith.constant 0 : i32
    %dma_wait3A_312 = tpu.memref_slice %arg11[%dma_wait3A_311] : memref<100096xf32, #tpu.memory_space<vmem>> -> memref<50048xf32, #tpu.memory_space<vmem>>
    %dma_wait3A_313 = arith.constant 0 : i32
    %dma_wait3A_314 = tpu.memref_slice %arg3[%add3A_290, %dma_wait3A_313] : memref<64x100000xf32, #tpu.memory_space<hbm>> -> memref<1x50048xf32, #tpu.memory_space<hbm>>
    %dma_wait3A_315 = tpu.memref_squeeze %dma_wait3A_314 : memref<1x50048xf32, #tpu.memory_space<hbm>> -> memref<50048xf32, #tpu.memory_space<hbm>>
    %dma_wait3A_316 = arith.constant 0 : i32
    %dma_wait3A_317 = tpu.memref_slice %arg11[%dma_wait3A_316] : memref<100096xf32, #tpu.memory_space<vmem>> -> memref<50048xf32, #tpu.memory_space<vmem>>
    %dma_wait3A_318 = arith.constant 0 : i32
    %dma_wait3A_319 = tpu.memref_slice %arg3[%add3A_290, %dma_wait3A_318] : memref<64x100000xf32, #tpu.memory_space<hbm>> -> memref<1x50048xf32, #tpu.memory_space<hbm>>
    %dma_wait3A_320 = tpu.memref_squeeze %dma_wait3A_319 : memref<1x50048xf32, #tpu.memory_space<hbm>> -> memref<50048xf32, #tpu.memory_space<hbm>>
    tpu.wait_dma2 semaphore(%arg16 : memref<!tpu.dma_semaphore, #tpu.memory_space<semaphore_mem>>) src(%dma_wait3A_320 : memref<50048xf32, #tpu.memory_space<hbm>>) dst(%dma_wait3A_317 : memref<50048xf32, #tpu.memory_space<vmem>>)
    %dma_wait3A_321 = arith.constant 50048 : i32
    %dma_wait3A_322 = tpu.memref_slice %arg11[%dma_wait3A_321] : memref<100096xf32, #tpu.memory_space<vmem>> -> memref<49920xf32, #tpu.memory_space<vmem>>
    %dma_wait3A_323 = arith.constant 50048 : i32
    %dma_wait3A_324 = tpu.memref_slice %arg3[%add3A_290, %dma_wait3A_323] : memref<64x100000xf32, #tpu.memory_space<hbm>> -> memref<1x49920xf32, #tpu.memory_space<hbm>>
    %dma_wait3A_325 = tpu.memref_squeeze %dma_wait3A_324 : memref<1x49920xf32, #tpu.memory_space<hbm>> -> memref<49920xf32, #tpu.memory_space<hbm>>
    %dma_wait3A_326 = arith.constant 50048 : i32
    %dma_wait3A_327 = tpu.memref_slice %arg11[%dma_wait3A_326] : memref<100096xf32, #tpu.memory_space<vmem>> -> memref<49920xf32, #tpu.memory_space<vmem>>
    %dma_wait3A_328 = arith.constant 50048 : i32
    %dma_wait3A_329 = tpu.memref_slice %arg3[%add3A_290, %dma_wait3A_328] : memref<64x100000xf32, #tpu.memory_space<hbm>> -> memref<1x49920xf32, #tpu.memory_space<hbm>>
    %dma_wait3A_330 = tpu.memref_squeeze %dma_wait3A_329 : memref<1x49920xf32, #tpu.memory_space<hbm>> -> memref<49920xf32, #tpu.memory_space<hbm>>
    tpu.wait_dma2 semaphore(%arg17 : memref<!tpu.dma_semaphore, #tpu.memory_space<semaphore_mem>>) src(%dma_wait3A_330 : memref<49920xf32, #tpu.memory_space<hbm>>) dst(%dma_wait3A_327 : memref<49920xf32, #tpu.memory_space<vmem>>)
    %add3A_331 = arith.constant 0 : i32
    %add3A_332 = vector.broadcast %add3A_331 : i32 to vector<16xi32>
    %add3A_333 = arith.addi %iota3A, %add3A_332 : vector<16xi32>
    %mul3A_334 = arith.constant 64 : i32
    %mul3A_335 = vector.broadcast %mul3A_334 : i32 to vector<16xi32>
    %mul3A_336 = arith.muli %add3A_333, %mul3A_335 : vector<16xi32>
    %add3A_337 = vector.broadcast %add3A_290 : i32 to vector<16xi32>
    %add3A_338 = arith.addi %mul3A_336, %add3A_337 : vector<16xi32>
    %add3A_339 = arith.constant 0 : i32
    %add3A_340 = vector.broadcast %add3A_339 : i32 to vector<16xi32>
    %add3A_341 = arith.addi %add3A_340, %add3A_338 : vector<16xi32>
    %gather3A_342 = tpu.vector_load_idx %arg15[%add3A_341] : memref<5120xf32, #tpu.memory_space<vmem>>[vector<16xi32>], vector<16xf32>,
    %swap3A_343 = arith.constant 99968 : index
    %swap3A_344 = tpu.vector_load %arg11[%swap3A_343] {strides = array<i32>} : memref<100096xf32, #tpu.memory_space<vmem>>, vector<16xf32>,
    tpu.vector_store %arg11[%swap3A_343], %gather3A_342 {strides = array<i32>} : memref<100096xf32, #tpu.memory_space<vmem>>, vector<16xf32>,
    %add3A_345 = arith.constant 16 : i32
    %add3A_346 = vector.broadcast %add3A_345 : i32 to vector<16xi32>
    %add3A_347 = arith.addi %iota3A, %add3A_346 : vector<16xi32>
    %mul3A_348 = arith.constant 64 : i32
    %mul3A_349 = vector.broadcast %mul3A_348 : i32 to vector<16xi32>
    %mul3A_350 = arith.muli %add3A_347, %mul3A_349 : vector<16xi32>
    %add3A_351 = vector.broadcast %add3A_290 : i32 to vector<16xi32>
    %add3A_352 = arith.addi %mul3A_350, %add3A_351 : vector<16xi32>
    %add3A_353 = arith.constant 0 : i32
    %add3A_354 = vector.broadcast %add3A_353 : i32 to vector<16xi32>
    %add3A_355 = arith.addi %add3A_354, %add3A_352 : vector<16xi32>
    %gather3A_356 = tpu.vector_load_idx %arg15[%add3A_355] : memref<5120xf32, #tpu.memory_space<vmem>>[vector<16xi32>], vector<16xf32>,
    %swap3A_357 = arith.constant 99984 : index
    %swap3A_358 = tpu.vector_load %arg11[%swap3A_357] {strides = array<i32>} : memref<100096xf32, #tpu.memory_space<vmem>>, vector<16xf32>,
    tpu.vector_store %arg11[%swap3A_357], %gather3A_356 {strides = array<i32>} : memref<100096xf32, #tpu.memory_space<vmem>>, vector<16xf32>,
    %dma_start3A_359 = arith.constant 0 : i32
    %dma_start3A_360 = arith.constant 0 : i32
    %dma_start3A_361 = tpu.memref_slice %arg2[%dma_start3A_359, %dma_start3A_360] : memref<2x16384xi32, #tpu.memory_space<hbm>> -> memref<1x4096xi32, #tpu.memory_space<hbm>>
    %dma_start3A_362 = tpu.memref_squeeze %dma_start3A_361 : memref<1x4096xi32, #tpu.memory_space<hbm>> -> memref<4096xi32, #tpu.memory_space<hbm>>
    %dma_start3A_363 = arith.constant 0 : i32
    %dma_start3A_364 = tpu.memref_slice %arg2[%dma_start3A_359, %dma_start3A_363] : memref<2x16384xi32, #tpu.memory_space<hbm>> -> memref<1x4096xi32, #tpu.memory_space<hbm>>
    %dma_start3A_365 = tpu.memref_squeeze %dma_start3A_364 : memref<1x4096xi32, #tpu.memory_space<hbm>> -> memref<4096xi32, #tpu.memory_space<hbm>>
    tpu.enqueue_dma source(%dma_start3A_365 : memref<4096xi32, #tpu.memory_space<hbm>>) target(%arg13 : memref<4096xi32, #tpu.memory_space<vmem>>) target_semaphore(%arg18 : memref<!tpu.dma_semaphore, #tpu.memory_space<semaphore_mem>>)
    %dma_wait3A_366 = arith.constant 0 : i32
    %dma_wait3A_367 = arith.constant 0 : i32
    %dma_wait3A_368 = tpu.memref_slice %arg2[%dma_wait3A_366, %dma_wait3A_367] : memref<2x16384xi32, #tpu.memory_space<hbm>> -> memref<1x4096xi32, #tpu.memory_space<hbm>>
    %dma_wait3A_369 = tpu.memref_squeeze %dma_wait3A_368 : memref<1x4096xi32, #tpu.memory_space<hbm>> -> memref<4096xi32, #tpu.memory_space<hbm>>
    %dma_wait3A_370 = arith.constant 0 : i32
    %dma_wait3A_371 = tpu.memref_slice %arg2[%dma_wait3A_366, %dma_wait3A_370] : memref<2x16384xi32, #tpu.memory_space<hbm>> -> memref<1x4096xi32, #tpu.memory_space<hbm>>
    %dma_wait3A_372 = tpu.memref_squeeze %dma_wait3A_371 : memref<1x4096xi32, #tpu.memory_space<hbm>> -> memref<4096xi32, #tpu.memory_space<hbm>>
    tpu.wait_dma2 semaphore(%arg18 : memref<!tpu.dma_semaphore, #tpu.memory_space<semaphore_mem>>) src(%dma_wait3A_372 : memref<4096xi32, #tpu.memory_space<hbm>>) dst(%arg13 : memref<4096xi32, #tpu.memory_space<vmem>>)
    %dma_start3A_373 = arith.constant 0 : i32
    %dma_start3A_374 = arith.constant 4096 : i32
    %dma_start3A_375 = tpu.memref_slice %arg2[%dma_start3A_373, %dma_start3A_374] : memref<2x16384xi32, #tpu.memory_space<hbm>> -> memref<1x4096xi32, #tpu.memory_space<hbm>>
    %dma_start3A_376 = tpu.memref_squeeze %dma_start3A_375 : memref<1x4096xi32, #tpu.memory_space<hbm>> -> memref<4096xi32, #tpu.memory_space<hbm>>
    %dma_start3A_377 = arith.constant 4096 : i32
    %dma_start3A_378 = tpu.memref_slice %arg2[%dma_start3A_373, %dma_start3A_377] : memref<2x16384xi32, #tpu.memory_space<hbm>> -> memref<1x4096xi32, #tpu.memory_space<hbm>>
    %dma_start3A_379 = tpu.memref_squeeze %dma_start3A_378 : memref<1x4096xi32, #tpu.memory_space<hbm>> -> memref<4096xi32, #tpu.memory_space<hbm>>
    tpu.enqueue_dma source(%dma_start3A_379 : memref<4096xi32, #tpu.memory_space<hbm>>) target(%arg14 : memref<4096xi32, #tpu.memory_space<vmem>>) target_semaphore(%arg18 : memref<!tpu.dma_semaphore, #tpu.memory_space<semaphore_mem>>)
    %parallel_loop3A_380 = arith.constant 0 : i32
    %parallel_loop3A_381 = arith.constant 4096 : i32
    %parallel_loop3A_382 = arith.constant 16 : i32
    scf.for %parallel_loop3A_586 = %parallel_loop3A_380 to %parallel_loop3A_381 step %parallel_loop3A_382  : i32 {
      %parallel_loop3A_587 = arith.index_cast %parallel_loop3A_586 : i32 to index
      %parallel_loop3A_588 = tpu.vector_load %arg13[%parallel_loop3A_587] {strides = array<i32>} : memref<4096xi32, #tpu.memory_space<vmem>>, vector<16xi32>,
      %parallel_loop3A_589 = tpu.vector_load_idx %arg11[%parallel_loop3A_588] : memref<100096xf32, #tpu.memory_space<vmem>>[vector<16xi32>], vector<16xf32>,
      %parallel_loop3A_590 = arith.constant 0 : i32
      %parallel_loop3A_591 = arith.addi %parallel_loop3A_590, %parallel_loop3A_586 : i32
      %parallel_loop3A_592 = arith.index_cast %parallel_loop3A_591 : i32 to index
      %parallel_loop3A_593 = tpu.vector_load %arg12[%parallel_loop3A_592] {strides = array<i32>} : memref<16384xf32, #tpu.memory_space<vmem>>, vector<16xf32>,
      tpu.vector_store %arg12[%parallel_loop3A_592], %parallel_loop3A_589 {strides = array<i32>} : memref<16384xf32, #tpu.memory_space<vmem>>, vector<16xf32>,
    } {sc.loop_unroll_factor = 16 : i64, sc.parallel_access}
    %dma_wait3A_383 = arith.constant 0 : i32
    %dma_wait3A_384 = arith.constant 4096 : i32
    %dma_wait3A_385 = tpu.memref_slice %arg2[%dma_wait3A_383, %dma_wait3A_384] : memref<2x16384xi32, #tpu.memory_space<hbm>> -> memref<1x4096xi32, #tpu.memory_space<hbm>>
    %dma_wait3A_386 = tpu.memref_squeeze %dma_wait3A_385 : memref<1x4096xi32, #tpu.memory_space<hbm>> -> memref<4096xi32, #tpu.memory_space<hbm>>
    %dma_wait3A_387 = arith.constant 4096 : i32
    %dma_wait3A_388 = tpu.memref_slice %arg2[%dma_wait3A_383, %dma_wait3A_387] : memref<2x16384xi32, #tpu.memory_space<hbm>> -> memref<1x4096xi32, #tpu.memory_space<hbm>>
    %dma_wait3A_389 = tpu.memref_squeeze %dma_wait3A_388 : memref<1x4096xi32, #tpu.memory_space<hbm>> -> memref<4096xi32, #tpu.memory_space<hbm>>
    tpu.wait_dma2 semaphore(%arg18 : memref<!tpu.dma_semaphore, #tpu.memory_space<semaphore_mem>>) src(%dma_wait3A_389 : memref<4096xi32, #tpu.memory_space<hbm>>) dst(%arg14 : memref<4096xi32, #tpu.memory_space<vmem>>)
    %dma_start3A_390 = arith.constant 0 : i32
    %dma_start3A_391 = arith.constant 8192 : i32
    %dma_start3A_392 = tpu.memref_slice %arg2[%dma_start3A_390, %dma_start3A_391] : memref<2x16384xi32, #tpu.memory_space<hbm>> -> memref<1x4096xi32, #tpu.memory_space<hbm>>
    %dma_start3A_393 = tpu.memref_squeeze %dma_start3A_392 : memref<1x4096xi32, #tpu.memory_space<hbm>> -> memref<4096xi32, #tpu.memory_space<hbm>>
    %dma_start3A_394 = arith.constant 8192 : i32
    %dma_start3A_395 = tpu.memref_slice %arg2[%dma_start3A_390, %dma_start3A_394] : memref<2x16384xi32, #tpu.memory_space<hbm>> -> memref<1x4096xi32, #tpu.memory_space<hbm>>
    %dma_start3A_396 = tpu.memref_squeeze %dma_start3A_395 : memref<1x4096xi32, #tpu.memory_space<hbm>> -> memref<4096xi32, #tpu.memory_space<hbm>>
    tpu.enqueue_dma source(%dma_start3A_396 : memref<4096xi32, #tpu.memory_space<hbm>>) target(%arg13 : memref<4096xi32, #tpu.memory_space<vmem>>) target_semaphore(%arg18 : memref<!tpu.dma_semaphore, #tpu.memory_space<semaphore_mem>>)
    %parallel_loop3A_397 = arith.constant 0 : i32
    %parallel_loop3A_398 = arith.constant 4096 : i32
    %parallel_loop3A_399 = arith.constant 16 : i32
    scf.for %parallel_loop3A_586 = %parallel_loop3A_397 to %parallel_loop3A_398 step %parallel_loop3A_399  : i32 {
      %parallel_loop3A_587 = arith.index_cast %parallel_loop3A_586 : i32 to index
      %parallel_loop3A_588 = tpu.vector_load %arg14[%parallel_loop3A_587] {strides = array<i32>} : memref<4096xi32, #tpu.memory_space<vmem>>, vector<16xi32>,
      %parallel_loop3A_589 = tpu.vector_load_idx %arg11[%parallel_loop3A_588] : memref<100096xf32, #tpu.memory_space<vmem>>[vector<16xi32>], vector<16xf32>,
      %parallel_loop3A_590 = arith.constant 4096 : i32
      %parallel_loop3A_591 = arith.addi %parallel_loop3A_590, %parallel_loop3A_586 : i32
      %parallel_loop3A_592 = arith.index_cast %parallel_loop3A_591 : i32 to index
      %parallel_loop3A_593 = tpu.vector_load %arg12[%parallel_loop3A_592] {strides = array<i32>} : memref<16384xf32, #tpu.memory_space<vmem>>, vector<16xf32>,
      tpu.vector_store %arg12[%parallel_loop3A_592], %parallel_loop3A_589 {strides = array<i32>} : memref<16384xf32, #tpu.memory_space<vmem>>, vector<16xf32>,
    } {sc.loop_unroll_factor = 16 : i64, sc.parallel_access}
    %dma_wait3A_400 = arith.constant 0 : i32
    %dma_wait3A_401 = arith.constant 8192 : i32
    %dma_wait3A_402 = tpu.memref_slice %arg2[%dma_wait3A_400, %dma_wait3A_401] : memref<2x16384xi32, #tpu.memory_space<hbm>> -> memref<1x4096xi32, #tpu.memory_space<hbm>>
    %dma_wait3A_403 = tpu.memref_squeeze %dma_wait3A_402 : memref<1x4096xi32, #tpu.memory_space<hbm>> -> memref<4096xi32, #tpu.memory_space<hbm>>
    %dma_wait3A_404 = arith.constant 8192 : i32
    %dma_wait3A_405 = tpu.memref_slice %arg2[%dma_wait3A_400, %dma_wait3A_404] : memref<2x16384xi32, #tpu.memory_space<hbm>> -> memref<1x4096xi32, #tpu.memory_space<hbm>>
    %dma_wait3A_406 = tpu.memref_squeeze %dma_wait3A_405 : memref<1x4096xi32, #tpu.memory_space<hbm>> -> memref<4096xi32, #tpu.memory_space<hbm>>
    tpu.wait_dma2 semaphore(%arg18 : memref<!tpu.dma_semaphore, #tpu.memory_space<semaphore_mem>>) src(%dma_wait3A_406 : memref<4096xi32, #tpu.memory_space<hbm>>) dst(%arg13 : memref<4096xi32, #tpu.memory_space<vmem>>)
    %dma_start3A_407 = arith.constant 0 : i32
    %dma_start3A_408 = arith.constant 12288 : i32
    %dma_start3A_409 = tpu.memref_slice %arg2[%dma_start3A_407, %dma_start3A_408] : memref<2x16384xi32, #tpu.memory_space<hbm>> -> memref<1x4096xi32, #tpu.memory_space<hbm>>
    %dma_start3A_410 = tpu.memref_squeeze %dma_start3A_409 : memref<1x4096xi32, #tpu.memory_space<hbm>> -> memref<4096xi32, #tpu.memory_space<hbm>>
    %dma_start3A_411 = arith.constant 12288 : i32
    %dma_start3A_412 = tpu.memref_slice %arg2[%dma_start3A_407, %dma_start3A_411] : memref<2x16384xi32, #tpu.memory_space<hbm>> -> memref<1x4096xi32, #tpu.memory_space<hbm>>
    %dma_start3A_413 = tpu.memref_squeeze %dma_start3A_412 : memref<1x4096xi32, #tpu.memory_space<hbm>> -> memref<4096xi32, #tpu.memory_space<hbm>>
    tpu.enqueue_dma source(%dma_start3A_413 : memref<4096xi32, #tpu.memory_space<hbm>>) target(%arg14 : memref<4096xi32, #tpu.memory_space<vmem>>) target_semaphore(%arg18 : memref<!tpu.dma_semaphore, #tpu.memory_space<semaphore_mem>>)
    %parallel_loop3A_414 = arith.constant 0 : i32
    %parallel_loop3A_415 = arith.constant 4096 : i32
    %parallel_loop3A_416 = arith.constant 16 : i32
    scf.for %parallel_loop3A_586 = %parallel_loop3A_414 to %parallel_loop3A_415 step %parallel_loop3A_416  : i32 {
      %parallel_loop3A_587 = arith.index_cast %parallel_loop3A_586 : i32 to index
      %parallel_loop3A_588 = tpu.vector_load %arg13[%parallel_loop3A_587] {strides = array<i32>} : memref<4096xi32, #tpu.memory_space<vmem>>, vector<16xi32>,
      %parallel_loop3A_589 = tpu.vector_load_idx %arg11[%parallel_loop3A_588] : memref<100096xf32, #tpu.memory_space<vmem>>[vector<16xi32>], vector<16xf32>,
      %parallel_loop3A_590 = arith.constant 8192 : i32
      %parallel_loop3A_591 = arith.addi %parallel_loop3A_590, %parallel_loop3A_586 : i32
      %parallel_loop3A_592 = arith.index_cast %parallel_loop3A_591 : i32 to index
      %parallel_loop3A_593 = tpu.vector_load %arg12[%parallel_loop3A_592] {strides = array<i32>} : memref<16384xf32, #tpu.memory_space<vmem>>, vector<16xf32>,
      tpu.vector_store %arg12[%parallel_loop3A_592], %parallel_loop3A_589 {strides = array<i32>} : memref<16384xf32, #tpu.memory_space<vmem>>, vector<16xf32>,
    } {sc.loop_unroll_factor = 16 : i64, sc.parallel_access}
    %dma_wait3A_417 = arith.constant 0 : i32
    %dma_wait3A_418 = arith.constant 12288 : i32
    %dma_wait3A_419 = tpu.memref_slice %arg2[%dma_wait3A_417, %dma_wait3A_418] : memref<2x16384xi32, #tpu.memory_space<hbm>> -> memref<1x4096xi32, #tpu.memory_space<hbm>>
    %dma_wait3A_420 = tpu.memref_squeeze %dma_wait3A_419 : memref<1x4096xi32, #tpu.memory_space<hbm>> -> memref<4096xi32, #tpu.memory_space<hbm>>
    %dma_wait3A_421 = arith.constant 12288 : i32
    %dma_wait3A_422 = tpu.memref_slice %arg2[%dma_wait3A_417, %dma_wait3A_421] : memref<2x16384xi32, #tpu.memory_space<hbm>> -> memref<1x4096xi32, #tpu.memory_space<hbm>>
    %dma_wait3A_423 = tpu.memref_squeeze %dma_wait3A_422 : memref<1x4096xi32, #tpu.memory_space<hbm>> -> memref<4096xi32, #tpu.memory_space<hbm>>
    tpu.wait_dma2 semaphore(%arg18 : memref<!tpu.dma_semaphore, #tpu.memory_space<semaphore_mem>>) src(%dma_wait3A_423 : memref<4096xi32, #tpu.memory_space<hbm>>) dst(%arg14 : memref<4096xi32, #tpu.memory_space<vmem>>)
    %parallel_loop3A_424 = arith.constant 0 : i32
    %parallel_loop3A_425 = arith.constant 4096 : i32
    %parallel_loop3A_426 = arith.constant 16 : i32
    scf.for %parallel_loop3A_586 = %parallel_loop3A_424 to %parallel_loop3A_425 step %parallel_loop3A_426  : i32 {
      %parallel_loop3A_587 = arith.index_cast %parallel_loop3A_586 : i32 to index
      %parallel_loop3A_588 = tpu.vector_load %arg14[%parallel_loop3A_587] {strides = array<i32>} : memref<4096xi32, #tpu.memory_space<vmem>>, vector<16xi32>,
      %parallel_loop3A_589 = tpu.vector_load_idx %arg11[%parallel_loop3A_588] : memref<100096xf32, #tpu.memory_space<vmem>>[vector<16xi32>], vector<16xf32>,
      %parallel_loop3A_590 = arith.constant 12288 : i32
      %parallel_loop3A_591 = arith.addi %parallel_loop3A_590, %parallel_loop3A_586 : i32
      %parallel_loop3A_592 = arith.index_cast %parallel_loop3A_591 : i32 to index
      %parallel_loop3A_593 = tpu.vector_load %arg12[%parallel_loop3A_592] {strides = array<i32>} : memref<16384xf32, #tpu.memory_space<vmem>>, vector<16xf32>,
      tpu.vector_store %arg12[%parallel_loop3A_592], %parallel_loop3A_589 {strides = array<i32>} : memref<16384xf32, #tpu.memory_space<vmem>>, vector<16xf32>,
    } {sc.loop_unroll_factor = 16 : i64, sc.parallel_access}
    %dma_start3A_427 = arith.constant 0 : i32
    %dma_start3A_428 = tpu.memref_slice %arg11[%dma_start3A_427] : memref<100096xf32, #tpu.memory_space<vmem>> -> memref<50048xf32, #tpu.memory_space<vmem>>
    %dma_start3A_429 = arith.constant 0 : i32
    %dma_start3A_430 = tpu.memref_slice %arg4[%add3A_290, %dma_start3A_429] : memref<64x100000xf32, #tpu.memory_space<hbm>> -> memref<1x50048xf32, #tpu.memory_space<hbm>>
    %dma_start3A_431 = tpu.memref_squeeze %dma_start3A_430 : memref<1x50048xf32, #tpu.memory_space<hbm>> -> memref<50048xf32, #tpu.memory_space<hbm>>
    %dma_start3A_432 = arith.constant 0 : i32
    %dma_start3A_433 = tpu.memref_slice %arg11[%dma_start3A_432] : memref<100096xf32, #tpu.memory_space<vmem>> -> memref<50048xf32, #tpu.memory_space<vmem>>
    %dma_start3A_434 = arith.constant 0 : i32
    %dma_start3A_435 = tpu.memref_slice %arg4[%add3A_290, %dma_start3A_434] : memref<64x100000xf32, #tpu.memory_space<hbm>> -> memref<1x50048xf32, #tpu.memory_space<hbm>>
    %dma_start3A_436 = tpu.memref_squeeze %dma_start3A_435 : memref<1x50048xf32, #tpu.memory_space<hbm>> -> memref<50048xf32, #tpu.memory_space<hbm>>
    tpu.enqueue_dma source(%dma_start3A_436 : memref<50048xf32, #tpu.memory_space<hbm>>) target(%dma_start3A_433 : memref<50048xf32, #tpu.memory_space<vmem>>) target_semaphore(%arg16 : memref<!tpu.dma_semaphore, #tpu.memory_space<semaphore_mem>>)
    %dma_start3A_437 = arith.constant 50048 : i32
    %dma_start3A_438 = tpu.memref_slice %arg11[%dma_start3A_437] : memref<100096xf32, #tpu.memory_space<vmem>> -> memref<49920xf32, #tpu.memory_space<vmem>>
    %dma_start3A_439 = arith.constant 50048 : i32
    %dma_start3A_440 = tpu.memref_slice %arg4[%add3A_290, %dma_start3A_439] : memref<64x100000xf32, #tpu.memory_space<hbm>> -> memref<1x49920xf32, #tpu.memory_space<hbm>>
    %dma_start3A_441 = tpu.memref_squeeze %dma_start3A_440 : memref<1x49920xf32, #tpu.memory_space<hbm>> -> memref<49920xf32, #tpu.memory_space<hbm>>
    %dma_start3A_442 = arith.constant 50048 : i32
    %dma_start3A_443 = tpu.memref_slice %arg11[%dma_start3A_442] : memref<100096xf32, #tpu.memory_space<vmem>> -> memref<49920xf32, #tpu.memory_space<vmem>>
    %dma_start3A_444 = arith.constant 50048 : i32
    %dma_start3A_445 = tpu.memref_slice %arg4[%add3A_290, %dma_start3A_444] : memref<64x100000xf32, #tpu.memory_space<hbm>> -> memref<1x49920xf32, #tpu.memory_space<hbm>>
    %dma_start3A_446 = tpu.memref_squeeze %dma_start3A_445 : memref<1x49920xf32, #tpu.memory_space<hbm>> -> memref<49920xf32, #tpu.memory_space<hbm>>
    tpu.enqueue_dma source(%dma_start3A_446 : memref<49920xf32, #tpu.memory_space<hbm>>) target(%dma_start3A_443 : memref<49920xf32, #tpu.memory_space<vmem>>) target_semaphore(%arg17 : memref<!tpu.dma_semaphore, #tpu.memory_space<semaphore_mem>>)
    %dma_wait3A_447 = arith.constant 0 : i32
    %dma_wait3A_448 = tpu.memref_slice %arg11[%dma_wait3A_447] : memref<100096xf32, #tpu.memory_space<vmem>> -> memref<50048xf32, #tpu.memory_space<vmem>>
    %dma_wait3A_449 = arith.constant 0 : i32
    %dma_wait3A_450 = tpu.memref_slice %arg4[%add3A_290, %dma_wait3A_449] : memref<64x100000xf32, #tpu.memory_space<hbm>> -> memref<1x50048xf32, #tpu.memory_space<hbm>>
    %dma_wait3A_451 = tpu.memref_squeeze %dma_wait3A_450 : memref<1x50048xf32, #tpu.memory_space<hbm>> -> memref<50048xf32, #tpu.memory_space<hbm>>
    %dma_wait3A_452 = arith.constant 0 : i32
    %dma_wait3A_453 = tpu.memref_slice %arg11[%dma_wait3A_452] : memref<100096xf32, #tpu.memory_space<vmem>> -> memref<50048xf32, #tpu.memory_space<vmem>>
    %dma_wait3A_454 = arith.constant 0 : i32
    %dma_wait3A_455 = tpu.memref_slice %arg4[%add3A_290, %dma_wait3A_454] : memref<64x100000xf32, #tpu.memory_space<hbm>> -> memref<1x50048xf32, #tpu.memory_space<hbm>>
    %dma_wait3A_456 = tpu.memref_squeeze %dma_wait3A_455 : memref<1x50048xf32, #tpu.memory_space<hbm>> -> memref<50048xf32, #tpu.memory_space<hbm>>
    tpu.wait_dma2 semaphore(%arg16 : memref<!tpu.dma_semaphore, #tpu.memory_space<semaphore_mem>>) src(%dma_wait3A_456 : memref<50048xf32, #tpu.memory_space<hbm>>) dst(%dma_wait3A_453 : memref<50048xf32, #tpu.memory_space<vmem>>)
    %dma_wait3A_457 = arith.constant 50048 : i32
    %dma_wait3A_458 = tpu.memref_slice %arg11[%dma_wait3A_457] : memref<100096xf32, #tpu.memory_space<vmem>> -> memref<49920xf32, #tpu.memory_space<vmem>>
    %dma_wait3A_459 = arith.constant 50048 : i32
    %dma_wait3A_460 = tpu.memref_slice %arg4[%add3A_290, %dma_wait3A_459] : memref<64x100000xf32, #tpu.memory_space<hbm>> -> memref<1x49920xf32, #tpu.memory_space<hbm>>
    %dma_wait3A_461 = tpu.memref_squeeze %dma_wait3A_460 : memref<1x49920xf32, #tpu.memory_space<hbm>> -> memref<49920xf32, #tpu.memory_space<hbm>>
    %dma_wait3A_462 = arith.constant 50048 : i32
    %dma_wait3A_463 = tpu.memref_slice %arg11[%dma_wait3A_462] : memref<100096xf32, #tpu.memory_space<vmem>> -> memref<49920xf32, #tpu.memory_space<vmem>>
    %dma_wait3A_464 = arith.constant 50048 : i32
    %dma_wait3A_465 = tpu.memref_slice %arg4[%add3A_290, %dma_wait3A_464] : memref<64x100000xf32, #tpu.memory_space<hbm>> -> memref<1x49920xf32, #tpu.memory_space<hbm>>
    %dma_wait3A_466 = tpu.memref_squeeze %dma_wait3A_465 : memref<1x49920xf32, #tpu.memory_space<hbm>> -> memref<49920xf32, #tpu.memory_space<hbm>>
    tpu.wait_dma2 semaphore(%arg17 : memref<!tpu.dma_semaphore, #tpu.memory_space<semaphore_mem>>) src(%dma_wait3A_466 : memref<49920xf32, #tpu.memory_space<hbm>>) dst(%dma_wait3A_463 : memref<49920xf32, #tpu.memory_space<vmem>>)
    %add3A_467 = arith.constant 0 : i32
    %add3A_468 = vector.broadcast %add3A_467 : i32 to vector<16xi32>
    %add3A_469 = arith.addi %iota3A, %add3A_468 : vector<16xi32>
    %mul3A_470 = arith.constant 64 : i32
    %mul3A_471 = vector.broadcast %mul3A_470 : i32 to vector<16xi32>
    %mul3A_472 = arith.muli %add3A_469, %mul3A_471 : vector<16xi32>
    %add3A_473 = vector.broadcast %add3A_290 : i32 to vector<16xi32>
    %add3A_474 = arith.addi %mul3A_472, %add3A_473 : vector<16xi32>
    %add3A_475 = arith.constant 2048 : i32
    %add3A_476 = vector.broadcast %add3A_475 : i32 to vector<16xi32>
    %add3A_477 = arith.addi %add3A_476, %add3A_474 : vector<16xi32>
    %gather3A_478 = tpu.vector_load_idx %arg15[%add3A_477] : memref<5120xf32, #tpu.memory_space<vmem>>[vector<16xi32>], vector<16xf32>,
    %swap3A_479 = arith.constant 99968 : index
    %swap3A_480 = tpu.vector_load %arg11[%swap3A_479] {strides = array<i32>} : memref<100096xf32, #tpu.memory_space<vmem>>, vector<16xf32>,
    tpu.vector_store %arg11[%swap3A_479], %gather3A_478 {strides = array<i32>} : memref<100096xf32, #tpu.memory_space<vmem>>, vector<16xf32>,
    %add3A_481 = arith.constant 16 : i32
    %add3A_482 = vector.broadcast %add3A_481 : i32 to vector<16xi32>
    %add3A_483 = arith.addi %iota3A, %add3A_482 : vector<16xi32>
    %mul3A_484 = arith.constant 64 : i32
    %mul3A_485 = vector.broadcast %mul3A_484 : i32 to vector<16xi32>
    %mul3A_486 = arith.muli %add3A_483, %mul3A_485 : vector<16xi32>
    %add3A_487 = vector.broadcast %add3A_290 : i32 to vector<16xi32>
    %add3A_488 = arith.addi %mul3A_486, %add3A_487 : vector<16xi32>
    %add3A_489 = arith.constant 2048 : i32
    %add3A_490 = vector.broadcast %add3A_489 : i32 to vector<16xi32>
    %add3A_491 = arith.addi %add3A_490, %add3A_488 : vector<16xi32>
    %gather3A_492 = tpu.vector_load_idx %arg15[%add3A_491] : memref<5120xf32, #tpu.memory_space<vmem>>[vector<16xi32>], vector<16xf32>,
    %swap3A_493 = arith.constant 99984 : index
    %swap3A_494 = tpu.vector_load %arg11[%swap3A_493] {strides = array<i32>} : memref<100096xf32, #tpu.memory_space<vmem>>, vector<16xf32>,
    tpu.vector_store %arg11[%swap3A_493], %gather3A_492 {strides = array<i32>} : memref<100096xf32, #tpu.memory_space<vmem>>, vector<16xf32>,
    %dma_start3A_495 = arith.constant 1 : i32
    %dma_start3A_496 = arith.constant 0 : i32
    %dma_start3A_497 = tpu.memref_slice %arg2[%dma_start3A_495, %dma_start3A_496] : memref<2x16384xi32, #tpu.memory_space<hbm>> -> memref<1x4096xi32, #tpu.memory_space<hbm>>
    %dma_start3A_498 = tpu.memref_squeeze %dma_start3A_497 : memref<1x4096xi32, #tpu.memory_space<hbm>> -> memref<4096xi32, #tpu.memory_space<hbm>>
    %dma_start3A_499 = arith.constant 0 : i32
    %dma_start3A_500 = tpu.memref_slice %arg2[%dma_start3A_495, %dma_start3A_499] : memref<2x16384xi32, #tpu.memory_space<hbm>> -> memref<1x4096xi32, #tpu.memory_space<hbm>>
    %dma_start3A_501 = tpu.memref_squeeze %dma_start3A_500 : memref<1x4096xi32, #tpu.memory_space<hbm>> -> memref<4096xi32, #tpu.memory_space<hbm>>
    tpu.enqueue_dma source(%dma_start3A_501 : memref<4096xi32, #tpu.memory_space<hbm>>) target(%arg13 : memref<4096xi32, #tpu.memory_space<vmem>>) target_semaphore(%arg18 : memref<!tpu.dma_semaphore, #tpu.memory_space<semaphore_mem>>)
    %dma_wait3A_502 = arith.constant 1 : i32
    %dma_wait3A_503 = arith.constant 0 : i32
    %dma_wait3A_504 = tpu.memref_slice %arg2[%dma_wait3A_502, %dma_wait3A_503] : memref<2x16384xi32, #tpu.memory_space<hbm>> -> memref<1x4096xi32, #tpu.memory_space<hbm>>
    %dma_wait3A_505 = tpu.memref_squeeze %dma_wait3A_504 : memref<1x4096xi32, #tpu.memory_space<hbm>> -> memref<4096xi32, #tpu.memory_space<hbm>>
    %dma_wait3A_506 = arith.constant 0 : i32
    %dma_wait3A_507 = tpu.memref_slice %arg2[%dma_wait3A_502, %dma_wait3A_506] : memref<2x16384xi32, #tpu.memory_space<hbm>> -> memref<1x4096xi32, #tpu.memory_space<hbm>>
    %dma_wait3A_508 = tpu.memref_squeeze %dma_wait3A_507 : memref<1x4096xi32, #tpu.memory_space<hbm>> -> memref<4096xi32, #tpu.memory_space<hbm>>
    tpu.wait_dma2 semaphore(%arg18 : memref<!tpu.dma_semaphore, #tpu.memory_space<semaphore_mem>>) src(%dma_wait3A_508 : memref<4096xi32, #tpu.memory_space<hbm>>) dst(%arg13 : memref<4096xi32, #tpu.memory_space<vmem>>)
    %dma_start3A_509 = arith.constant 1 : i32
    %dma_start3A_510 = arith.constant 4096 : i32
    %dma_start3A_511 = tpu.memref_slice %arg2[%dma_start3A_509, %dma_start3A_510] : memref<2x16384xi32, #tpu.memory_space<hbm>> -> memref<1x4096xi32, #tpu.memory_space<hbm>>
    %dma_start3A_512 = tpu.memref_squeeze %dma_start3A_511 : memref<1x4096xi32, #tpu.memory_space<hbm>> -> memref<4096xi32, #tpu.memory_space<hbm>>
    %dma_start3A_513 = arith.constant 4096 : i32
    %dma_start3A_514 = tpu.memref_slice %arg2[%dma_start3A_509, %dma_start3A_513] : memref<2x16384xi32, #tpu.memory_space<hbm>> -> memref<1x4096xi32, #tpu.memory_space<hbm>>
    %dma_start3A_515 = tpu.memref_squeeze %dma_start3A_514 : memref<1x4096xi32, #tpu.memory_space<hbm>> -> memref<4096xi32, #tpu.memory_space<hbm>>
    tpu.enqueue_dma source(%dma_start3A_515 : memref<4096xi32, #tpu.memory_space<hbm>>) target(%arg14 : memref<4096xi32, #tpu.memory_space<vmem>>) target_semaphore(%arg18 : memref<!tpu.dma_semaphore, #tpu.memory_space<semaphore_mem>>)
    %parallel_loop3A_516 = arith.constant 0 : i32
    %parallel_loop3A_517 = arith.constant 4096 : i32
    %parallel_loop3A_518 = arith.constant 32 : i32
    %parallel_loop3A_519:2 = scf.for %parallel_loop3A_586 = %parallel_loop3A_516 to %parallel_loop3A_517 step %parallel_loop3A_518 iter_args(%parallel_loop3A_587 = %parallel_loop3A_286#0, %parallel_loop3A_588 = %parallel_loop3A_286#1) -> (vector<16xf32>, vector<16xf32>)  : i32 {
      %parallel_loop3A_589 = arith.index_cast %parallel_loop3A_586 : i32 to index
      %parallel_loop3A_590 = tpu.vector_load %arg13[%parallel_loop3A_589] {strides = array<i32>} : memref<4096xi32, #tpu.memory_space<vmem>>, vector<16xi32>,
      %parallel_loop3A_591 = tpu.vector_load_idx %arg11[%parallel_loop3A_590] : memref<100096xf32, #tpu.memory_space<vmem>>[vector<16xi32>], vector<16xf32>,
      %parallel_loop3A_592 = arith.constant 0 : i32
      %parallel_loop3A_593 = arith.addi %parallel_loop3A_592, %parallel_loop3A_586 : i32
      %parallel_loop3A_594 = arith.index_cast %parallel_loop3A_593 : i32 to index
      %parallel_loop3A_595 = tpu.vector_load %arg12[%parallel_loop3A_594] {strides = array<i32>} : memref<16384xf32, #tpu.memory_space<vmem>>, vector<16xf32>,
      %parallel_loop3A_596 = arith.mulf %parallel_loop3A_591, %parallel_loop3A_595 : vector<16xf32>
      %parallel_loop3A_597 = arith.addf %parallel_loop3A_587, %parallel_loop3A_596 : vector<16xf32>
      %parallel_loop3A_598 = arith.constant 16 : i32
      %parallel_loop3A_599 = arith.addi %parallel_loop3A_586, %parallel_loop3A_598 : i32
      %parallel_loop3A_600 = arith.index_cast %parallel_loop3A_599 : i32 to index
      %parallel_loop3A_601 = tpu.vector_load %arg13[%parallel_loop3A_600] {strides = array<i32>} : memref<4096xi32, #tpu.memory_space<vmem>>, vector<16xi32>,
      %parallel_loop3A_602 = tpu.vector_load_idx %arg11[%parallel_loop3A_601] : memref<100096xf32, #tpu.memory_space<vmem>>[vector<16xi32>], vector<16xf32>,
      %parallel_loop3A_603 = arith.constant 0 : i32
      %parallel_loop3A_604 = arith.addi %parallel_loop3A_603, %parallel_loop3A_586 : i32
      %parallel_loop3A_605 = arith.constant 16 : i32
      %parallel_loop3A_606 = arith.addi %parallel_loop3A_604, %parallel_loop3A_605 : i32
      %parallel_loop3A_607 = arith.index_cast %parallel_loop3A_606 : i32 to index
      %parallel_loop3A_608 = tpu.vector_load %arg12[%parallel_loop3A_607] {strides = array<i32>} : memref<16384xf32, #tpu.memory_space<vmem>>, vector<16xf32>,
      %parallel_loop3A_609 = arith.mulf %parallel_loop3A_602, %parallel_loop3A_608 : vector<16xf32>
      %parallel_loop3A_610 = arith.addf %parallel_loop3A_588, %parallel_loop3A_609 : vector<16xf32>
      scf.yield %parallel_loop3A_597, %parallel_loop3A_610 : vector<16xf32>, vector<16xf32>
    } {sc.loop_unroll_factor = 8 : i64, sc.parallel_access}
    %dma_wait3A_520 = arith.constant 1 : i32
    %dma_wait3A_521 = arith.constant 4096 : i32
    %dma_wait3A_522 = tpu.memref_slice %arg2[%dma_wait3A_520, %dma_wait3A_521] : memref<2x16384xi32, #tpu.memory_space<hbm>> -> memref<1x4096xi32, #tpu.memory_space<hbm>>
    %dma_wait3A_523 = tpu.memref_squeeze %dma_wait3A_522 : memref<1x4096xi32, #tpu.memory_space<hbm>> -> memref<4096xi32, #tpu.memory_space<hbm>>
    %dma_wait3A_524 = arith.constant 4096 : i32
    %dma_wait3A_525 = tpu.memref_slice %arg2[%dma_wait3A_520, %dma_wait3A_524] : memref<2x16384xi32, #tpu.memory_space<hbm>> -> memref<1x4096xi32, #tpu.memory_space<hbm>>
    %dma_wait3A_526 = tpu.memref_squeeze %dma_wait3A_525 : memref<1x4096xi32, #tpu.memory_space<hbm>> -> memref<4096xi32, #tpu.memory_space<hbm>>
    tpu.wait_dma2 semaphore(%arg18 : memref<!tpu.dma_semaphore, #tpu.memory_space<semaphore_mem>>) src(%dma_wait3A_526 : memref<4096xi32, #tpu.memory_space<hbm>>) dst(%arg14 : memref<4096xi32, #tpu.memory_space<vmem>>)
    %dma_start3A_527 = arith.constant 1 : i32
    %dma_start3A_528 = arith.constant 8192 : i32
    %dma_start3A_529 = tpu.memref_slice %arg2[%dma_start3A_527, %dma_start3A_528] : memref<2x16384xi32, #tpu.memory_space<hbm>> -> memref<1x4096xi32, #tpu.memory_space<hbm>>
    %dma_start3A_530 = tpu.memref_squeeze %dma_start3A_529 : memref<1x4096xi32, #tpu.memory_space<hbm>> -> memref<4096xi32, #tpu.memory_space<hbm>>
    %dma_start3A_531 = arith.constant 8192 : i32
    %dma_start3A_532 = tpu.memref_slice %arg2[%dma_start3A_527, %dma_start3A_531] : memref<2x16384xi32, #tpu.memory_space<hbm>> -> memref<1x4096xi32, #tpu.memory_space<hbm>>
    %dma_start3A_533 = tpu.memref_squeeze %dma_start3A_532 : memref<1x4096xi32, #tpu.memory_space<hbm>> -> memref<4096xi32, #tpu.memory_space<hbm>>
    tpu.enqueue_dma source(%dma_start3A_533 : memref<4096xi32, #tpu.memory_space<hbm>>) target(%arg13 : memref<4096xi32, #tpu.memory_space<vmem>>) target_semaphore(%arg18 : memref<!tpu.dma_semaphore, #tpu.memory_space<semaphore_mem>>)
    %parallel_loop3A_534 = arith.constant 0 : i32
    %parallel_loop3A_535 = arith.constant 4096 : i32
    %parallel_loop3A_536 = arith.constant 32 : i32
    %parallel_loop3A_537:2 = scf.for %parallel_loop3A_586 = %parallel_loop3A_534 to %parallel_loop3A_535 step %parallel_loop3A_536 iter_args(%parallel_loop3A_587 = %parallel_loop3A_519#0, %parallel_loop3A_588 = %parallel_loop3A_519#1) -> (vector<16xf32>, vector<16xf32>)  : i32 {
      %parallel_loop3A_589 = arith.index_cast %parallel_loop3A_586 : i32 to index
      %parallel_loop3A_590 = tpu.vector_load %arg14[%parallel_loop3A_589] {strides = array<i32>} : memref<4096xi32, #tpu.memory_space<vmem>>, vector<16xi32>,
      %parallel_loop3A_591 = tpu.vector_load_idx %arg11[%parallel_loop3A_590] : memref<100096xf32, #tpu.memory_space<vmem>>[vector<16xi32>], vector<16xf32>,
      %parallel_loop3A_592 = arith.constant 4096 : i32
      %parallel_loop3A_593 = arith.addi %parallel_loop3A_592, %parallel_loop3A_586 : i32
      %parallel_loop3A_594 = arith.index_cast %parallel_loop3A_593 : i32 to index
      %parallel_loop3A_595 = tpu.vector_load %arg12[%parallel_loop3A_594] {strides = array<i32>} : memref<16384xf32, #tpu.memory_space<vmem>>, vector<16xf32>,
      %parallel_loop3A_596 = arith.mulf %parallel_loop3A_591, %parallel_loop3A_595 : vector<16xf32>
      %parallel_loop3A_597 = arith.addf %parallel_loop3A_587, %parallel_loop3A_596 : vector<16xf32>
      %parallel_loop3A_598 = arith.constant 16 : i32
      %parallel_loop3A_599 = arith.addi %parallel_loop3A_586, %parallel_loop3A_598 : i32
      %parallel_loop3A_600 = arith.index_cast %parallel_loop3A_599 : i32 to index
      %parallel_loop3A_601 = tpu.vector_load %arg14[%parallel_loop3A_600] {strides = array<i32>} : memref<4096xi32, #tpu.memory_space<vmem>>, vector<16xi32>,
      %parallel_loop3A_602 = tpu.vector_load_idx %arg11[%parallel_loop3A_601] : memref<100096xf32, #tpu.memory_space<vmem>>[vector<16xi32>], vector<16xf32>,
      %parallel_loop3A_603 = arith.constant 4096 : i32
      %parallel_loop3A_604 = arith.addi %parallel_loop3A_603, %parallel_loop3A_586 : i32
      %parallel_loop3A_605 = arith.constant 16 : i32
      %parallel_loop3A_606 = arith.addi %parallel_loop3A_604, %parallel_loop3A_605 : i32
      %parallel_loop3A_607 = arith.index_cast %parallel_loop3A_606 : i32 to index
      %parallel_loop3A_608 = tpu.vector_load %arg12[%parallel_loop3A_607] {strides = array<i32>} : memref<16384xf32, #tpu.memory_space<vmem>>, vector<16xf32>,
      %parallel_loop3A_609 = arith.mulf %parallel_loop3A_602, %parallel_loop3A_608 : vector<16xf32>
      %parallel_loop3A_610 = arith.addf %parallel_loop3A_588, %parallel_loop3A_609 : vector<16xf32>
      scf.yield %parallel_loop3A_597, %parallel_loop3A_610 : vector<16xf32>, vector<16xf32>
    } {sc.loop_unroll_factor = 8 : i64, sc.parallel_access}
    %dma_wait3A_538 = arith.constant 1 : i32
    %dma_wait3A_539 = arith.constant 8192 : i32
    %dma_wait3A_540 = tpu.memref_slice %arg2[%dma_wait3A_538, %dma_wait3A_539] : memref<2x16384xi32, #tpu.memory_space<hbm>> -> memref<1x4096xi32, #tpu.memory_space<hbm>>
    %dma_wait3A_541 = tpu.memref_squeeze %dma_wait3A_540 : memref<1x4096xi32, #tpu.memory_space<hbm>> -> memref<4096xi32, #tpu.memory_space<hbm>>
    %dma_wait3A_542 = arith.constant 8192 : i32
    %dma_wait3A_543 = tpu.memref_slice %arg2[%dma_wait3A_538, %dma_wait3A_542] : memref<2x16384xi32, #tpu.memory_space<hbm>> -> memref<1x4096xi32, #tpu.memory_space<hbm>>
    %dma_wait3A_544 = tpu.memref_squeeze %dma_wait3A_543 : memref<1x4096xi32, #tpu.memory_space<hbm>> -> memref<4096xi32, #tpu.memory_space<hbm>>
    tpu.wait_dma2 semaphore(%arg18 : memref<!tpu.dma_semaphore, #tpu.memory_space<semaphore_mem>>) src(%dma_wait3A_544 : memref<4096xi32, #tpu.memory_space<hbm>>) dst(%arg13 : memref<4096xi32, #tpu.memory_space<vmem>>)
    %dma_start3A_545 = arith.constant 1 : i32
    %dma_start3A_546 = arith.constant 12288 : i32
    %dma_start3A_547 = tpu.memref_slice %arg2[%dma_start3A_545, %dma_start3A_546] : memref<2x16384xi32, #tpu.memory_space<hbm>> -> memref<1x4096xi32, #tpu.memory_space<hbm>>
    %dma_start3A_548 = tpu.memref_squeeze %dma_start3A_547 : memref<1x4096xi32, #tpu.memory_space<hbm>> -> memref<4096xi32, #tpu.memory_space<hbm>>
    %dma_start3A_549 = arith.constant 12288 : i32
    %dma_start3A_550 = tpu.memref_slice %arg2[%dma_start3A_545, %dma_start3A_549] : memref<2x16384xi32, #tpu.memory_space<hbm>> -> memref<1x4096xi32, #tpu.memory_space<hbm>>
    %dma_start3A_551 = tpu.memref_squeeze %dma_start3A_550 : memref<1x4096xi32, #tpu.memory_space<hbm>> -> memref<4096xi32, #tpu.memory_space<hbm>>
    tpu.enqueue_dma source(%dma_start3A_551 : memref<4096xi32, #tpu.memory_space<hbm>>) target(%arg14 : memref<4096xi32, #tpu.memory_space<vmem>>) target_semaphore(%arg18 : memref<!tpu.dma_semaphore, #tpu.memory_space<semaphore_mem>>)
    %parallel_loop3A_552 = arith.constant 0 : i32
    %parallel_loop3A_553 = arith.constant 4096 : i32
    %parallel_loop3A_554 = arith.constant 32 : i32
    %parallel_loop3A_555:2 = scf.for %parallel_loop3A_586 = %parallel_loop3A_552 to %parallel_loop3A_553 step %parallel_loop3A_554 iter_args(%parallel_loop3A_587 = %parallel_loop3A_537#0, %parallel_loop3A_588 = %parallel_loop3A_537#1) -> (vector<16xf32>, vector<16xf32>)  : i32 {
      %parallel_loop3A_589 = arith.index_cast %parallel_loop3A_586 : i32 to index
      %parallel_loop3A_590 = tpu.vector_load %arg13[%parallel_loop3A_589] {strides = array<i32>} : memref<4096xi32, #tpu.memory_space<vmem>>, vector<16xi32>,
      %parallel_loop3A_591 = tpu.vector_load_idx %arg11[%parallel_loop3A_590] : memref<100096xf32, #tpu.memory_space<vmem>>[vector<16xi32>], vector<16xf32>,
      %parallel_loop3A_592 = arith.constant 8192 : i32
      %parallel_loop3A_593 = arith.addi %parallel_loop3A_592, %parallel_loop3A_586 : i32
      %parallel_loop3A_594 = arith.index_cast %parallel_loop3A_593 : i32 to index
      %parallel_loop3A_595 = tpu.vector_load %arg12[%parallel_loop3A_594] {strides = array<i32>} : memref<16384xf32, #tpu.memory_space<vmem>>, vector<16xf32>,
      %parallel_loop3A_596 = arith.mulf %parallel_loop3A_591, %parallel_loop3A_595 : vector<16xf32>
      %parallel_loop3A_597 = arith.addf %parallel_loop3A_587, %parallel_loop3A_596 : vector<16xf32>
      %parallel_loop3A_598 = arith.constant 16 : i32
      %parallel_loop3A_599 = arith.addi %parallel_loop3A_586, %parallel_loop3A_598 : i32
      %parallel_loop3A_600 = arith.index_cast %parallel_loop3A_599 : i32 to index
      %parallel_loop3A_601 = tpu.vector_load %arg13[%parallel_loop3A_600] {strides = array<i32>} : memref<4096xi32, #tpu.memory_space<vmem>>, vector<16xi32>,
      %parallel_loop3A_602 = tpu.vector_load_idx %arg11[%parallel_loop3A_601] : memref<100096xf32, #tpu.memory_space<vmem>>[vector<16xi32>], vector<16xf32>,
      %parallel_loop3A_603 = arith.constant 8192 : i32
      %parallel_loop3A_604 = arith.addi %parallel_loop3A_603, %parallel_loop3A_586 : i32
      %parallel_loop3A_605 = arith.constant 16 : i32
      %parallel_loop3A_606 = arith.addi %parallel_loop3A_604, %parallel_loop3A_605 : i32
      %parallel_loop3A_607 = arith.index_cast %parallel_loop3A_606 : i32 to index
      %parallel_loop3A_608 = tpu.vector_load %arg12[%parallel_loop3A_607] {strides = array<i32>} : memref<16384xf32, #tpu.memory_space<vmem>>, vector<16xf32>,
      %parallel_loop3A_609 = arith.mulf %parallel_loop3A_602, %parallel_loop3A_608 : vector<16xf32>
      %parallel_loop3A_610 = arith.addf %parallel_loop3A_588, %parallel_loop3A_609 : vector<16xf32>
      scf.yield %parallel_loop3A_597, %parallel_loop3A_610 : vector<16xf32>, vector<16xf32>
    } {sc.loop_unroll_factor = 8 : i64, sc.parallel_access}
    %dma_wait3A_556 = arith.constant 1 : i32
    %dma_wait3A_557 = arith.constant 12288 : i32
    %dma_wait3A_558 = tpu.memref_slice %arg2[%dma_wait3A_556, %dma_wait3A_557] : memref<2x16384xi32, #tpu.memory_space<hbm>> -> memref<1x4096xi32, #tpu.memory_space<hbm>>
    %dma_wait3A_559 = tpu.memref_squeeze %dma_wait3A_558 : memref<1x4096xi32, #tpu.memory_space<hbm>> -> memref<4096xi32, #tpu.memory_space<hbm>>
    %dma_wait3A_560 = arith.constant 12288 : i32
    %dma_wait3A_561 = tpu.memref_slice %arg2[%dma_wait3A_556, %dma_wait3A_560] : memref<2x16384xi32, #tpu.memory_space<hbm>> -> memref<1x4096xi32, #tpu.memory_space<hbm>>
    %dma_wait3A_562 = tpu.memref_squeeze %dma_wait3A_561 : memref<1x4096xi32, #tpu.memory_space<hbm>> -> memref<4096xi32, #tpu.memory_space<hbm>>
    tpu.wait_dma2 semaphore(%arg18 : memref<!tpu.dma_semaphore, #tpu.memory_space<semaphore_mem>>) src(%dma_wait3A_562 : memref<4096xi32, #tpu.memory_space<hbm>>) dst(%arg14 : memref<4096xi32, #tpu.memory_space<vmem>>)
    %parallel_loop3A_563 = arith.constant 0 : i32
    %parallel_loop3A_564 = arith.constant 4096 : i32
    %parallel_loop3A_565 = arith.constant 32 : i32
    %parallel_loop3A_566:2 = scf.for %parallel_loop3A_586 = %parallel_loop3A_563 to %parallel_loop3A_564 step %parallel_loop3A_565 iter_args(%parallel_loop3A_587 = %parallel_loop3A_555#0, %parallel_loop3A_588 = %parallel_loop3A_555#1) -> (vector<16xf32>, vector<16xf32>)  : i32 {
      %parallel_loop3A_589 = arith.index_cast %parallel_loop3A_586 : i32 to index
      %parallel_loop3A_590 = tpu.vector_load %arg14[%parallel_loop3A_589] {strides = array<i32>} : memref<4096xi32, #tpu.memory_space<vmem>>, vector<16xi32>,
      %parallel_loop3A_591 = tpu.vector_load_idx %arg11[%parallel_loop3A_590] : memref<100096xf32, #tpu.memory_space<vmem>>[vector<16xi32>], vector<16xf32>,
      %parallel_loop3A_592 = arith.constant 12288 : i32
      %parallel_loop3A_593 = arith.addi %parallel_loop3A_592, %parallel_loop3A_586 : i32
      %parallel_loop3A_594 = arith.index_cast %parallel_loop3A_593 : i32 to index
      %parallel_loop3A_595 = tpu.vector_load %arg12[%parallel_loop3A_594] {strides = array<i32>} : memref<16384xf32, #tpu.memory_space<vmem>>, vector<16xf32>,
      %parallel_loop3A_596 = arith.mulf %parallel_loop3A_591, %parallel_loop3A_595 : vector<16xf32>
      %parallel_loop3A_597 = arith.addf %parallel_loop3A_587, %parallel_loop3A_596 : vector<16xf32>
      %parallel_loop3A_598 = arith.constant 16 : i32
      %parallel_loop3A_599 = arith.addi %parallel_loop3A_586, %parallel_loop3A_598 : i32
      %parallel_loop3A_600 = arith.index_cast %parallel_loop3A_599 : i32 to index
      %parallel_loop3A_601 = tpu.vector_load %arg14[%parallel_loop3A_600] {strides = array<i32>} : memref<4096xi32, #tpu.memory_space<vmem>>, vector<16xi32>,
      %parallel_loop3A_602 = tpu.vector_load_idx %arg11[%parallel_loop3A_601] : memref<100096xf32, #tpu.memory_space<vmem>>[vector<16xi32>], vector<16xf32>,
      %parallel_loop3A_603 = arith.constant 12288 : i32
      %parallel_loop3A_604 = arith.addi %parallel_loop3A_603, %parallel_loop3A_586 : i32
      %parallel_loop3A_605 = arith.constant 16 : i32
      %parallel_loop3A_606 = arith.addi %parallel_loop3A_604, %parallel_loop3A_605 : i32
      %parallel_loop3A_607 = arith.index_cast %parallel_loop3A_606 : i32 to index
      %parallel_loop3A_608 = tpu.vector_load %arg12[%parallel_loop3A_607] {strides = array<i32>} : memref<16384xf32, #tpu.memory_space<vmem>>, vector<16xf32>,
      %parallel_loop3A_609 = arith.mulf %parallel_loop3A_602, %parallel_loop3A_608 : vector<16xf32>
      %parallel_loop3A_610 = arith.addf %parallel_loop3A_588, %parallel_loop3A_609 : vector<16xf32>
      scf.yield %parallel_loop3A_597, %parallel_loop3A_610 : vector<16xf32>, vector<16xf32>
    } {sc.loop_unroll_factor = 8 : i64, sc.parallel_access}
    %add3A_567 = arith.addf %parallel_loop3A_566#0, %parallel_loop3A_566#1 : vector<16xf32>
    %swap3A_568 = arith.constant 0 : index
    %swap3A_569 = tpu.vector_load %arg12[%swap3A_568] {strides = array<i32>} : memref<16384xf32, #tpu.memory_space<vmem>>, vector<16xf32>,
    tpu.vector_store %arg12[%swap3A_568], %add3A_567 {strides = array<i32>} : memref<16384xf32, #tpu.memory_space<vmem>>, vector<16xf32>,
    %broadcast_in_dim3A_570 = arith.constant 0.000000e+00 : f32
    %broadcast_in_dim3A_571 = vector.broadcast %broadcast_in_dim3A_570 : f32 to vector<16xf32>
    %swap3A_572 = arith.constant 16 : index
    %swap3A_573 = tpu.vector_load %arg12[%swap3A_572] {strides = array<i32>} : memref<16384xf32, #tpu.memory_space<vmem>>, vector<16xf32>,
    tpu.vector_store %arg12[%swap3A_572], %broadcast_in_dim3A_571 {strides = array<i32>} : memref<16384xf32, #tpu.memory_space<vmem>>, vector<16xf32>,
    %swap3A_574 = arith.constant 32 : index
    %swap3A_575 = tpu.vector_load %arg12[%swap3A_574] {strides = array<i32>} : memref<16384xf32, #tpu.memory_space<vmem>>, vector<16xf32>,
    tpu.vector_store %arg12[%swap3A_574], %broadcast_in_dim3A_571 {strides = array<i32>} : memref<16384xf32, #tpu.memory_space<vmem>>, vector<16xf32>,
    %swap3A_576 = arith.constant 48 : index
    %swap3A_577 = tpu.vector_load %arg12[%swap3A_576] {strides = array<i32>} : memref<16384xf32, #tpu.memory_space<vmem>>, vector<16xf32>,
    tpu.vector_store %arg12[%swap3A_576], %broadcast_in_dim3A_571 {strides = array<i32>} : memref<16384xf32, #tpu.memory_space<vmem>>, vector<16xf32>,
    %swap3A_578 = arith.constant 64 : index
    %swap3A_579 = tpu.vector_load %arg12[%swap3A_578] {strides = array<i32>} : memref<16384xf32, #tpu.memory_space<vmem>>, vector<16xf32>,
    tpu.vector_store %arg12[%swap3A_578], %broadcast_in_dim3A_571 {strides = array<i32>} : memref<16384xf32, #tpu.memory_space<vmem>>, vector<16xf32>,
    %swap3A_580 = arith.constant 80 : index
    %swap3A_581 = tpu.vector_load %arg12[%swap3A_580] {strides = array<i32>} : memref<16384xf32, #tpu.memory_space<vmem>>, vector<16xf32>,
    tpu.vector_store %arg12[%swap3A_580], %broadcast_in_dim3A_571 {strides = array<i32>} : memref<16384xf32, #tpu.memory_space<vmem>>, vector<16xf32>,
    %swap3A_582 = arith.constant 96 : index
    %swap3A_583 = tpu.vector_load %arg12[%swap3A_582] {strides = array<i32>} : memref<16384xf32, #tpu.memory_space<vmem>>, vector<16xf32>,
    tpu.vector_store %arg12[%swap3A_582], %broadcast_in_dim3A_571 {strides = array<i32>} : memref<16384xf32, #tpu.memory_space<vmem>>, vector<16xf32>,
    %swap3A_584 = arith.constant 112 : index
    %swap3A_585 = tpu.vector_load %arg12[%swap3A_584] {strides = array<i32>} : memref<16384xf32, #tpu.memory_space<vmem>>, vector<16xf32>,
    tpu.vector_store %arg12[%swap3A_584], %broadcast_in_dim3A_571 {strides = array<i32>} : memref<16384xf32, #tpu.memory_space<vmem>>, vector<16xf32>,
    "tpu.region"() ({
      %run_scoped3A = tpu.sem_alloc : memref<!tpu.dma_semaphore, #tpu.memory_space<semaphore_mem>>
      %dma_start3A_586 = arith.constant 0 : i32
      %dma_start3A_587 = tpu.memref_slice %arg12[%dma_start3A_586] : memref<16384xf32, #tpu.memory_space<vmem>> -> memref<128xf32, #tpu.memory_space<vmem>>
      %dma_start3A_588 = arith.constant 0 : i32
      %dma_start3A_589 = tpu.memref_slice %arg8[%add3A, %dma_start3A_588] : memref<32x128xf32, #tpu.memory_space<hbm>> -> memref<1x128xf32, #tpu.memory_space<hbm>>
      %dma_start3A_590 = tpu.memref_squeeze %dma_start3A_589 : memref<1x128xf32, #tpu.memory_space<hbm>> -> memref<128xf32, #tpu.memory_space<hbm>>
      %dma_start3A_591 = arith.constant 0 : i32
      %dma_start3A_592 = tpu.memref_slice %arg8[%add3A, %dma_start3A_591] : memref<32x128xf32, #tpu.memory_space<hbm>> -> memref<1x128xf32, #tpu.memory_space<hbm>>
      %dma_start3A_593 = tpu.memref_squeeze %dma_start3A_592 : memref<1x128xf32, #tpu.memory_space<hbm>> -> memref<128xf32, #tpu.memory_space<hbm>>
      %dma_start3A_594 = arith.constant 0 : i32
      %dma_start3A_595 = tpu.memref_slice %arg12[%dma_start3A_594] : memref<16384xf32, #tpu.memory_space<vmem>> -> memref<128xf32, #tpu.memory_space<vmem>>
      tpu.enqueue_dma source(%dma_start3A_595 : memref<128xf32, #tpu.memory_space<vmem>>) target(%dma_start3A_593 : memref<128xf32, #tpu.memory_space<hbm>>) target_semaphore(%run_scoped3A : memref<!tpu.dma_semaphore, #tpu.memory_space<semaphore_mem>>)
      %dma_wait3A_596 = arith.constant 0 : i32
      %dma_wait3A_597 = tpu.memref_slice %arg12[%dma_wait3A_596] : memref<16384xf32, #tpu.memory_space<vmem>> -> memref<128xf32, #tpu.memory_space<vmem>>
      %dma_wait3A_598 = arith.constant 0 : i32
      %dma_wait3A_599 = tpu.memref_slice %arg8[%add3A, %dma_wait3A_598] : memref<32x128xf32, #tpu.memory_space<hbm>> -> memref<1x128xf32, #tpu.memory_space<hbm>>
      %dma_wait3A_600 = tpu.memref_squeeze %dma_wait3A_599 : memref<1x128xf32, #tpu.memory_space<hbm>> -> memref<128xf32, #tpu.memory_space<hbm>>
      %dma_wait3A_601 = arith.constant 0 : i32
      %dma_wait3A_602 = tpu.memref_slice %arg8[%add3A, %dma_wait3A_601] : memref<32x128xf32, #tpu.memory_space<hbm>> -> memref<1x128xf32, #tpu.memory_space<hbm>>
      %dma_wait3A_603 = tpu.memref_squeeze %dma_wait3A_602 : memref<1x128xf32, #tpu.memory_space<hbm>> -> memref<128xf32, #tpu.memory_space<hbm>>
      %dma_wait3A_604 = arith.constant 0 : i32
      %dma_wait3A_605 = tpu.memref_slice %arg12[%dma_wait3A_604] : memref<16384xf32, #tpu.memory_space<vmem>> -> memref<128xf32, #tpu.memory_space<vmem>>
      tpu.wait_dma2 semaphore(%run_scoped3A : memref<!tpu.dma_semaphore, #tpu.memory_space<semaphore_mem>>) src(%dma_wait3A_605 : memref<128xf32, #tpu.memory_space<vmem>>) dst(%dma_wait3A_603 : memref<128xf32, #tpu.memory_space<hbm>>)
      tpu.yield
    }) : () -> ()
    return
  }
}

module attributes {stable_mosaic.version = 14 : i64} {
  func.func @body(%arg0: memref<32x128xf32, #tpu.memory_space<vmem>>, %arg1: memref<128x128xf32, #tpu.memory_space<vmem>>, %arg2: memref<128x128xf32, #tpu.memory_space<vmem>>, %arg3: memref<128x128xf32, #tpu.memory_space<vmem>>) attributes {dimension_semantics = [], scalar_prefetch = 0 : i64, scratch_operands = 0 : i64, tpu.core_type = #tpu.core_type<tc>} {
    %get3A = arith.constant 0 : index
    %get3A_0 = arith.constant 0 : index
    %get3A_1 = vector.load %arg0[%get3A, %get3A_0] : memref<32x128xf32, #tpu.memory_space<vmem>>, vector<32x128xf32>
    %reduce_sum3A = vector.shape_cast %get3A_1 : vector<32x128xf32> to vector<1x32x128xf32>
    %reduce_sum3A_2 = arith.constant dense<0.000000e+00> : vector<1xf32>
    %reduce_sum3A_3 = vector.multi_reduction <add>, %reduce_sum3A, %reduce_sum3A_2 [1, 2] : vector<1x32x128xf32> to vector<1xf32>
    %reduce_sum3A_4 = vector.shape_cast %reduce_sum3A_3 : vector<1xf32> to vector<1x1x1xf32>
    %reduce_sum3A_5 = vector.extract %reduce_sum3A_4[0, 0, 0] : f32 from vector<1x1x1xf32>
    %get3A_6 = arith.constant 0 : index
    %get3A_7 = arith.constant 0 : index
    %get3A_8 = vector.load %arg1[%get3A_6, %get3A_7] : memref<128x128xf32, #tpu.memory_space<vmem>>, vector<128x128xf32>
    %get3A_9 = arith.constant 0 : index
    %get3A_10 = arith.constant 0 : index
    %get3A_11 = vector.load %arg2[%get3A_9, %get3A_10] : memref<128x128xf32, #tpu.memory_space<vmem>>, vector<128x128xf32>
    %add3A = arith.addf %get3A_8, %get3A_11 : vector<128x128xf32>
    %add3A_12 = vector.broadcast %reduce_sum3A_5 : f32 to vector<128x128xf32>
    %add3A_13 = arith.addf %add3A, %add3A_12 : vector<128x128xf32>
    %logistic3A = arith.negf %add3A_13 : vector<128x128xf32>
    %logistic3A_14 = math.exp %logistic3A : vector<128x128xf32>
    %logistic3A_15 = arith.constant 1.000000e+00 : f32
    %logistic3A_16 = vector.broadcast %logistic3A_15 : f32 to vector<128x128xf32>
    %logistic3A_17 = arith.addf %logistic3A_16, %logistic3A_14 : vector<128x128xf32>
    %logistic3A_18 = arith.divf %logistic3A_16, %logistic3A_17 : vector<128x128xf32>
    %swap3A = arith.constant 0 : index
    %swap3A_19 = arith.constant 0 : index
    %swap3A_20 = vector.load %arg3[%swap3A, %swap3A_19] : memref<128x128xf32, #tpu.memory_space<vmem>>, vector<128x128xf32>
    tpu.vector_store %arg3[%swap3A, %swap3A_19], %logistic3A_18 {strides = array<i32>} : memref<128x128xf32, #tpu.memory_space<vmem>>, vector<128x128xf32>,
    return
  }
}

</mosaic_0001>

<sc_bundles>
// kernel: kernel.4.cloned.1.call-start
scs
__scs_entry_jumppad:
0x0: {  	(pc) =	sbr.rel $0x88, $3  }
0x1: {  	(tag) =	ssettag $0x0;
	lr =	simm.s32 $0x1  }
0x2: {  	[smem:$0x3F9C] =	sst lr;
	_ =	strace $0xD0000000  }
0x3: {  	_ = 	snop  }
0x4: {  	_ = 	snop  }
0x5: {  	_ = 	snop  }
0x6: {  	_ = 	snop  }
0x7: {  	_ = 	snop  }
__scs_overlays_trampoline_lowered:
0x8: {  	[smem:$0x3FAB] =	sst s0  }
0x9: {  	[smem:$0x3FAC] =	sst s1  }
0xa: {  	[smem:$0x3FAD] =	sst s2  }
0xb: {  	[smem:$0x3FAE] =	sst s3  }
0xc: {  	[smem:$0x3FAF] =	sst s4  }
0xd: {  	[smem:$0x3FB0] =	sst s5  }
0xe: {  	[smem:$0x3FB1] =	sst s6  }
0xf: {  	[smem:$0x3FB2] =	sst s7  }
0x10: {  	[smem:$0x3FB3] =	sst s8  }
0x11: {  	[smem:$0x3FB4] =	sst s9;
	s0 =	simm.s32 @!p0 $0x0  }
0x12: {  	s1 =	sld [smem:$0x3F9A];
	s0 =	simm.s32 @p0 $0x1  }
0x13: {  	[smem:$0x3FB5] =	sst s0;
	s0 =	simm.s32 @!p1 $0x0  }
0x14: {  	s2 =	sld [smem:$0x3F99];
	s0 =	simm.s32 @p1 $0x1  }
0x15: {  	[smem:$0x3FB6] =	sst s0;
	s0 =	simm.s32 @!p2 $0x0  }
0x16: {  	s3 =	sld [smem:$0x3FDB];
	s0 =	simm.s32 @p2 $0x1  }
0x17: {  	s4 =	simm.s32 $0x1BF5;
	[smem:$0x3FB8] =	sst s0  }
0x18: {  	s0 =	sld [smem:$0x3F9B];
	_ =	swait.ge [sflag:s4], $0x0  }
0x19: {  	s7 =	sld [smem:$0x3F9C]  }
0x1a: {  	s8 =	sadd.s32 $0xFFFFE003, lr  }
0x1b: {  	s9 =	sadd.s32 $0xFFFFFEF7, lr;
	s5 =	simm.s32 $0xFFFFFFFF;
	p2 =	slt.u32 s8, $0xFFFFF086  }
0x1c: {  	p1 =	slt.u32 s9, $0xF7A;
	s5 =	simm.s32 @!p2 $0x0  }
0x1d: {  	s5 =	simm.s32 @p1 $0x1;
	p0 =	seq.s32 s7, s2  }
0x1e: {  	s7 =	smul.u32 @!p0 $0xF7A, s2;
	p2 =	seq.s32 @!p0 s5, $0x0  }
0x1f: {  	s9 =	smul.u32 $0xF7A, s1;
	s8 =	simm.s32 @!p0 $0x1BF5;
	p2 =	por !p2, p0  }
0x20: {  	[sflag:s8] =	ssyncset.s32 @!p0 $0xFFFFF086;
	s6 =	sadd.s32 @!p0 s3, s7;
	s7 =	simm.s32 @!p0 $0x108  }
0x21: {  	s3 =	sadd.s32 s3, s9;
	s6 =	sadd.s32 @!p0 $0x88, s6;
	s7 =	simm.s32 @p2 $0x1082  }
0x22: {  	[simem:s7], [sflag:s8] =	dma.local @!p0 [hbm:s6], $0xF7A  }
0x23: {  	s9 =	sor.u32 $0xD0000000, s2;
	s6 =	simm.s32 $0x108;
	_ =	swait.ge @!p0 [sflag:s8], $0x0  }
0x24: {  	s3 =	sadd.s32 $0x88, s3;
	s6 =	simm.s32 @!p1 $0x1082;
	[sflag:s4] =	ssyncset.s32 $0xFFFFF086  }
0x25: {  	[simem:s6], [sflag:s4] =	dma.local [hbm:s3], $0xF7A  }
0x26: {  	[smem:$0x3F9C] =	sst s1;
	(tag) =	ssettag s2;
	_ =	strace s9  }
0x27: {  	s1 =	sld [smem:$0x3FAC]  }
0x28: {  	s2 =	sld [smem:$0x3FAD]  }
0x29: {  	s4 =	sld [smem:$0x3FAF]  }
0x2a: {  	p0 =	seq.s32 s5, $0x0;
	s5 =	sld [smem:$0x3FB0]  }
0x2b: {  	s6 =	sld [smem:$0x3FB1]  }
0x2c: {  	s7 =	sld [smem:$0x3FB2]  }
0x2d: {  	s3 =	simm.s32 $0x108;
	s8 =	sld [smem:$0x3FB3]  }
0x2e: {  	s3 =	simm.s32 @!p0 $0x1082;
	s9 =	sld [smem:$0x3FB4]  }
0x2f: {  	lr =	sadd.s32 s0, s3;
	s0 =	sld [smem:$0x3FAB]  }
0x30: {  	s3 =	sld [smem:$0x3FAE]  }
0x31: {  	[smem:$0x3FB7] =	sst s10  }
0x32: {  	s10 =	sld [smem:$0x3FB5];
	_ =	sdelay $0x3  }
0x33: {  	p0 =	seq.s32 s10, $0x1;
	s10 =	sld [smem:$0x3FB7];
	_ =	sdelay $0x3  }
0x34: {  	[smem:$0x3FB7] =	sst s10  }
0x35: {  	s10 =	sld [smem:$0x3FB6];
	_ =	sdelay $0x3  }
0x36: {  	p1 =	seq.s32 s10, $0x1;
	s10 =	sld [smem:$0x3FB7];
	_ =	sdelay $0x3  }
0x37: {  	[smem:$0x3FB7] =	sst s10  }
0x38: {  	s10 =	sld [smem:$0x3FB8]  }
0x39: {  	_ = 	snop;
	(pc) =	sbr.ind lr, $3  }
0x3a: {  	_ = 	snop  }
0x3b: {  	_ = 	snop  }
0x3c: {  	p2 =	seq.s32 s10, $0x1;
	s10 =	sld [smem:$0x3FB7]  }
0x3d: {  	_ =	shalt  }
0x3e: {  	_ =	shalt  }
0x3f: {  	_ =	shalt  }
0x40: {  	_ =	shalt  }
0x41: {  	_ =	shalt  }
0x42: {  	_ =	shalt  }
0x43: {  	_ =	shalt  }
0x44: {  	_ =	shalt  }
0x45: {  	_ =	shalt  }
0x46: {  	_ =	shalt  }
0x47: {  	_ =	shalt  }
0x48: {  	_ =	shalt  }
0x49: {  	_ =	shalt  }
0x4a: {  	_ =	shalt  }
0x4b: {  	_ =	shalt  }
0x4c: {  	_ =	shalt  }
0x4d: {  	_ =	shalt  }
0x4e: {  	_ =	shalt  }
0x4f: {  	_ =	shalt  }
0x50: {  	_ =	shalt  }
0x51: {  	_ =	shalt  }
0x52: {  	_ =	shalt  }
0x53: {  	_ =	shalt  }
0x54: {  	_ =	shalt  }
0x55: {  	_ =	shalt  }
0x56: {  	_ =	shalt  }
0x57: {  	_ =	shalt  }
0x58: {  	_ =	shalt  }
0x59: {  	_ =	shalt  }
0x5a: {  	_ =	shalt  }
0x5b: {  	_ =	shalt  }
0x5c: {  	_ =	shalt  }
0x5d: {  	_ =	shalt  }
0x5e: {  	_ =	shalt  }
0x5f: {  	_ =	shalt  }
0x60: {  	_ =	shalt  }
0x61: {  	_ =	shalt  }
0x62: {  	_ =	shalt  }
0x63: {  	_ =	shalt  }
0x64: {  	_ =	shalt  }
0x65: {  	_ =	shalt  }
0x66: {  	_ =	shalt  }
0x67: {  	_ =	shalt  }
0x68: {  	_ =	shalt  }
0x69: {  	_ =	shalt  }
0x6a: {  	_ =	shalt  }
0x6b: {  	_ =	shalt  }
0x6c: {  	_ =	shalt  }
0x6d: {  	_ =	shalt  }
0x6e: {  	_ =	shalt  }
0x6f: {  	_ =	shalt  }
0x70: {  	_ =	shalt  }
0x71: {  	_ =	shalt  }
0x72: {  	_ =	shalt  }
0x73: {  	_ =	shalt  }
0x74: {  	_ =	shalt  }
0x75: {  	_ =	shalt  }
0x76: {  	_ =	shalt  }
0x77: {  	_ =	shalt  }
0x78: {  	_ =	shalt  }
0x79: {  	_ =	shalt  }
0x7a: {  	_ =	shalt  }
0x7b: {  	_ =	shalt  }
0x7c: {  	_ =	shalt  }
0x7d: {  	_ =	shalt  }
0x7e: {  	_ =	shalt  }
0x7f: {  	_ =	shalt  }
0x80: {  	_ =	shalt  }
0x81: {  	_ =	shalt  }
0x82: {  	_ =	shalt  }
0x83: {  	_ =	shalt  }
0x84: {  	_ =	shalt  }
0x85: {  	_ =	shalt  }
0x86: {  	_ =	shalt  }
0x87: {  	_ =	shalt  }
.Lfunc_end0:
.L_simem_size_0:
called_computation_lowered:
.L_overlay_start_0:
0x88: {  	s2 =	sld [smem:$0x3FD9]  }
0x89: {  	s3 =	sld [smem:$0x3FFE];
	_ =	sdelay $0x1  }
0x8a: {  	s1 =	srdreg.scid  }
0x8b: {  	s0 =	sand.u32 $0x1, s1  }
0x8c: {  	s17 =	sshll.u32 s0, $0xA;
	s2 =	sadd.s32 s3, s2  }
0x8d: {  	s2 =	sadd.s32 s2, s17  }
0x8e: {  	[smem:$0x3FC3] =	sst s2  }
0x8f: {  	_ = 	snop  }
0x90: {  	s2 =	sld [smem:$0x3FC9]  }
0x91: {  	s18 =	sld [smem:$0x3FC8]  }
0x92: {  	s4 =	sld [smem:$0x3FC7]  }
0x93: {  	s5 =	sld [smem:$0x3FC6]  }
0x94: {  	s6 =	sld [smem:$0x3FC5]  }
0x95: {  	s7 =	sld [smem:$0x3FD0];
	(tm) =	ssettm $0x1  }
0x96: {  	s8 =	sld [smem:$0x3FFB];
	_ =	sdelay $0x3  }
0x97: {  	_ =	strace s8  }
0x98: {  	s8 =	sld [smem:$0x3FFC];
	_ =	sdelay $0x3  }
0x99: {  	_ =	strace s8  }
0x9a: {  	s8 =	sld [smem:$0x3FFD];
	_ =	sdelay $0x3  }
0x9b: {  	_ =	strace s8  }
0x9c: {  	_ =	strace $0x8FFFFFFF  }
0x9d: {  	s19 =	sld [smem:$0x3FDB];
	_ =	sdelay $0x1  }
0x9e: {  	s9 =	simm.s32 $_scs_section_size  }
0x9f: {  	s10 =	simm.s32 $_size__tile_overlayer_lowered;
	s11 =	simm.s32 $_tile_overlayer_lowered  }
0xa0: {  	s22 =	simm.s32 $0x1BFF;
	s21 =	sshll.u32 s11, $0x1;
	s8 =	sadd.s32 s9, s19  }
0xa1: {  	s12 =	simm.s32 $0x0;
	s20 =	sshll.u32 s10, $0x1;
	s10 =	sadd.s32 s21, s8  }
0xa2: {  	[timem:s12], [sflag:s22] =	dma.local [hbm:s10], s20  }
0xa3: {  	_ =	swait.ge [sflag:s22], s20  }
0xa4: {  	s9 =	ssub.s32 $0x0, s20;
	[sflag:s22] =	ssyncset.done $0x0  }
0xa5: {  	[sflag:s22] =	ssyncadd.s32 s9;
	_ =	sdelay $0x1  }
0xa6: {  	s23 =	simm.s32 $0x1B8B  }
0xa7: {  	_ =	swait.ge [sflag:s23], $0x1  }
0xa8: {  	[sflag:s23] =	ssyncset.done $0x0  }
0xa9: {  	s25 =	simm.s32 $0x1B8E;
	s24 =	sld [smem:$0x3FFE];
	[sflag:s23] =	ssyncadd.s32 $0xFFFFFFFF  }
0xaa: {  	s26 =	simm.s32 $execute0_lowered;
	[smem:$0x3FD2] =	sst s25  }
0xab: {  	s10 =	sshll.u32 s26, $0x1;
	_ =	strace $0x80000046;
	[dreg:$0x1] =	wrdreg $0xFFFFFFFF  }
0xac: {  	s28 =	simm.s32 $_size_execute0_lowered;
	s8 =	sadd.s32 s8, s10;
	[dreg:$0x0] =	wrdreg $0x0  }
0xad: {  	s10 =	sshll.u32 s28, $0x1;
	[dreg:$0x2] =	wrdreg s8  }
0xae: {  	[dreg:$0x3] =	wrdreg s10  }
0xaf: {  	[dreg:$0x4] =	wrdreg $0xC0  }
0xb0: {  	_ =	task [dreg:s12], $0x5FFFF  }
0xb1: {  	[dreg:$0x1] =	wrdreg $0xFFFFFFFF  }
0xb2: {  	[dreg:$0x0] =	wrdreg $0x60  }
0xb3: {  	[dreg:$0x2] =	wrdreg s2  }
0xb4: {  	[dreg:$0x3] =	wrdreg s18  }
0xb5: {  	[dreg:$0x4] =	wrdreg s5  }
0xb6: {  	[dreg:$0x5] =	wrdreg s4  }
0xb7: {  	[dreg:$0x6] =	wrdreg s6  }
0xb8: {  	[dreg:$0x7] =	wrdreg s24  }
0xb9: {  	[dreg:$0x8] =	wrdreg s7  }
0xba: {  	[dreg:$0x9] =	wrdreg $0x9  }
0xbb: {  	_ =	task.clear_ibuf [dreg:s12], $0xAFFFF;
	_ =	strace $0x90000046  }
0xbc: {  	s29 =	simm.s32 $0x9;
	_ =	strace $0x80000048  }
0xbd: {  	_ =	swait.ge [sflag:s29], $0x1  }
0xbe: {  	[sflag:s29] =	ssyncadd.s32 $0xFFFFFFFF  }
0xbf: {  	_ =	strace $0x90000048  }
0xc0: {  	_ =	sfence  }
0xc1: {  	s30 =	sld [smem:$0x0];
	_ =	sdelay $0x2  }
0xc2: {  	s31 =	sshll.u32 s1, $0xD;
	s1 =	sshrl.u32 s1, $0x2  }
0xc3: {  	s3 =	sand.u32 $0x4000, s31;
	s1 =	sadd.s32 s1, s30  }
0xc4: {  	s0 =	sor.u32 s3, s0;
	s1 =	sshll.u32 s1, $0x11  }
0xc5: {  	s0 =	sor.u32 s1, s0  }
0xc6: {  	s0 =	sadd.s32 $0x8F2B, s0  }
0xc7: {  	[sflag:s0] =	ssyncadd.remote.s32 $0x1  }
0xc8: {  	_ =	sfence.sel $0xFFFF  }
0xc9: {  	[dreg:$0x0] =	wrdreg $0xFFFFFFFF;
	(pc) =	sbr.abs _section_cstart, $3  }
0xca: {  	[dreg:$0x1] =	wrdreg $0xFFFFFFFF  }
0xcb: {  	_ =	task.clear_ibuf [dreg:s12], $0x2FFFF;
	_ =	strace $0x9FFFFFFF  }
0xcc: {  	(tm) =	ssettm $0x7FFFFFFF  }
0xcd: {  	_ =	shalt  }
tec
execute0_lowered:
.L_overlay_start_1:
0x0: {  	(tag) =	ssettag $0x1  }
0x1: {  	s0 =	rddreg [dreg:$0x0]  }
0x2: {  	s1 =	rddreg [dreg:$0x1]  }
0x3: {  	s2 =	rddreg [dreg:$0x2]  }
0x4: {  	s11 =	rddreg [dreg:$0x3]  }
0x5: {  	s21 =	rddreg [dreg:$0x4]  }
0x6: {  	s3 =	rddreg [dreg:$0x5];
	s4 =	srdreg.scid  }
0x7: {  	s20 =	stileid.u32;
	s6 =	rddreg [dreg:$0x6]  }
0x8: {  	s5 =	simm.s32 $0x0;
	s31 =	simm.s32 $0x1E700;
	s4 =	sand.u32 $0x1, s4  }
0x9: {  	s7 =	sshll.u32 s20, $0x1;
	[smem:$0x7FF] =	sst s5;
	s9 =	sadd.s32 $0x1000, s3  }
0xa: {  	s16 =	sadd.s32 $0x1870, s11;
	s19 =	sshrl.u32 s20, $0x1;
	s24 =	sand.u32 $0xE, s20  }
0xb: {  	p1 =	sgt.u32 s20, $0x1;
	s28 =	sadd.s32 $0x410, s0;
	s29 =	sadd.s32 $0x810, s0  }
0xc: {  	s30 =	sadd.s32 $0xC10, s0;
	s20 =	simm.s32 $0x400;
	s7 =	sor.u32 s4, s7  }
0xd: {  	_ =	strace $0x80000047;
	[dreg:$0x8] =	wrdreg s9;
	s4 =	ssub.s32 $0x2, s4  }
0xe: {  	[dreg:$0x9] =	wrdreg s16;
	s22 =	smul.u32 $0xC3800, s19;
	p0 =	sne.s32 s24, $0x2  }
0xf: {  	s24 =	sadd.s32 $0x400, s0;
	s8 =	sshll.u32 s7, $0xC;
	s14 =	sshll.u32 s7, $0x4  }
0x10: {  	s15 =	sshrl.u32 s4, $0x1;
	s17 =	sshll.u32 s7, $0xA;
	s18 =	sshll.u32 s7, $0x9  }
0x11: {  	s23 =	sshll.u32 s7, $0x8;
	s19 =	sshllo.u32 s7, $0x1;
	s8 =	sadd.s32 $0xFFFFC000, s8  }
0x12: {  	s9 =	sadd.s32 s14, s3;
	s4 =	ssub.s32 s4, s15;
	s6 =	sadd.s32 s6, s18  }
0x13: {  	s13 =	sadd.s32 $0x61C00, s22;
	s14 =	sshll.u32 s19, $0x7;
	s18 =	sadd.s32 $0x10, s0  }
0x14: {  	s10 =	sshrl.u32 s8, $0x3;
	[dreg:$0xb] =	wrdreg s6;
	s8 =	sshrl.u32 s8, $0x2  }
0x15: {  	s14 =	sand.u32 $0x380, s14;
	s3 =	sadd.s32 s10, s3;
	s10 =	sadd.s32 s0, s17  }
0x16: {  	s6 =	sor.u32 s22, s14;
	s11 =	sadd.s32 s8, s18;
	s8 =	simm.s32 $0x100  }
0x17: {  	[dreg:$0xa] =	wrdreg s10;
	s10 =	sand.u32 $0x300, s23;
	s6 =	sshrl.u32 s6, $0x3  }
0x18: {  	[dreg:$0x10] =	wrdreg s11;
	s23 =	smax.u32 s4, $0x1;
	s4 =	simm.s32 $0x4  }
0x19: {  	s12 =	sor.u32 s22, s10;
	s10 =	sor.u32 s13, s10;
	s13 =	sor.u32 s13, s14  }
0x1a: {  	s14 =	sadd.s32 s1, s6;
	s16 =	sadd.s32 s2, s6;
	s22 =	sadd.s32 $0x1C00, s9  }
0x1b: {  	s9 =	simm.s32 $0x1C700;
	s6 =	simm.s32 $0x1D700;
	s12 =	sshrl.u32 s12, $0x3  }
0x1c: {  	s10 =	sshrl.u32 s10, $0x3;
	s26 =	sshrl.u32 s13, $0x3;
	s15 =	sadd.s32 s1, s12  }
0x1d: {  	v11 =	vlaneseq.u32;
	s25 =	sadd.s32 s1, s10;
	s12 =	sadd.s32 s2, s12;
	s13 =	sadd.s32 s2, s10  }
0x1e: {  	v12 =	vimm.f32 $0.0e+00;
	v4 =	vmul.u32 $0x40, v11;
	s17 =	sadd.s32 s2, s26;
	s10 =	sadd.s32 $0x1870, s21;
	[dreg:$0xc] =	wrdreg s15  }
0x1f: {  	v8 =	vor.u32 $0x1000, v11;
	v9 =	vor.u32 $0x1010, v11;
	v10 =	vor.u32 $0x1020, v11;
	s21 =	sshll.u32 s7, $0x1;
	s2 =	simm.s32 $0x1;
	[dreg:$0xd] =	wrdreg s25  }
0x20: {  	v11 =	vor.u32 $0x1030, v11;
	v5 =	vor.u32 $0x400, v4;
	v6 =	vor.u32 $0x800, v4;
	s7 =	simm.s32 $0x80;
	[dreg:$0xe] =	wrdreg s12;
	s15 =	sadd.s32 s1, s26  }
0x21: {  	v7 =	vor.u32 $0xC00, v4;
	[dreg:$0xf] =	wrdreg s10;
	s12 =	sadd.s32 $0x1400, s3;
	v0 =	vor.u32 s21, v4;
	s25 =	sadd.s32 $0x800, s0;
	v1 =	vor.u32 s21, v5  }
0x22: {  	s26 =	sadd.s32 $0xC00, s0;
	v2 =	vor.u32 s21, v6;
	v3 =	vor.u32 s21, v7;
	s1 =	simm.s32 $0xC380;
	v4 =	vor.u32 s19, v4;
	s3 =	simm.s32 $0x2  }
0x23: {  	v5 =	vor.u32 s19, v5;
	v6 =	vor.u32 s19, v6;
	v7 =	vor.u32 s19, v7;
	s21 =	simm.s32 $0x3;
	s19 =	simm.s32 $0x0;
	[dreg:$0x11] =	wrdreg s12  }
.LBB2_1:
.Ltmp0:
0x24: {  	s10 =	rddreg [dreg:$0x8];
	(pc) =	sbr.rel @p1 .LBB2_5-.Ltmp0, $4  }
0x25: {  	[tilespmem:s31], [sflag:$0x4] =	stream.linear.gather [hbm4b:s10+s5], $0x1400, $0x38;
	[tilespmem:$0x1FB00] =	vst v63  }
0x26: {  	_ =	swait.ge [sflag:s4], $0x1400  }
0x27: {  	[sflag:s4] =	ssyncset.done $0x0  }
0x28: {  	[sflag:s4] =	ssyncadd.s32 $0xFFFFEC00  }
0x29: {  	s10 =	rddreg [dreg:$0x3]  }
0x2a: {  	[tilespmem:s5], [sflag:$0x1] =	stream.linear.gather [hbm4b:s10+s5], $0xC380, $0x38;
	[tilespmem:$0x1FB00] =	vst v63  }
0x2b: {  	s12 =	rddreg [dreg:$0x9]  }
0x2c: {  	[tilespmem:s1], [sflag:$0x2] =	stream.linear.gather [hbm4b:s12+s5], $0xC300, $0x38;
	[tilespmem:$0x1FB00] =	vst v63  }
0x2d: {  	_ =	swait.ge [sflag:s2], $0xC380  }
0x2e: {  	[sflag:s2] =	ssyncset.done $0x0  }
0x2f: {  	[sflag:s2] =	ssyncadd.s32 $0xFFFF3C80  }
0x30: {  	_ =	swait.ge [sflag:s3], $0xC300  }
0x31: {  	[sflag:s3] =	ssyncset.done $0x0  }
0x32: {  	[sflag:s3] =	ssyncadd.s32 $0xFFFF3D00  }
0x33: {  	v13 =	vld.idx.msk [tilespmem:v8+s31+$0x0], $0xffff;
	_ =	sdelay $0x4  }
0x34: {  	[tilespmem:$0x18680] =	vst v13  }
0x35: {  	v13 =	vld.idx.msk [tilespmem:v9+s31+$0x0], $0xffff;
	_ =	sdelay $0x4  }
0x36: {  	s11 =	rddreg [dreg:$0xa];
	[tilespmem:$0x18690] =	vst v13  }
0x37: {  	[tilespmem:s9], [sflag:$0x4] =	stream.strided.gather [hbm4b:s11+s7], $0x1000, s8, s7, $0x38;
	[tilespmem:$0x1FB00] =	vst v63  }
0x38: {  	_ =	swait.ge [sflag:s4], $0x1000  }
0x39: {  	[sflag:s4] =	ssyncset.done $0x0  }
0x3a: {  	s12 =	simm.s32 $0x1C780;
	[sflag:s4] =	ssyncadd.s32 $0xFFFFF000  }
0x3b: {  	v13 =	vld [tilespmem:s12+$0x70]  }
0x3c: {  	v14 =	vld [tilespmem:s12+$0xFFFFFF90]  }
0x3d: {  	v15 =	vld [tilespmem:s12+$0xFFFFFFA0]  }
0x3e: {  	v16 =	vld [tilespmem:s12+$0xFFFFFFB0]  }
0x3f: {  	v17 =	vld [tilespmem:s12+$0xFFFFFFC0]  }
0x40: {  	v18 =	vld [tilespmem:s12+$0xFFFFFFD0]  }
0x41: {  	v19 =	vld [tilespmem:s12+$0xFFFFFFE0]  }
0x42: {  	v20 =	vld [tilespmem:s12+$0xFFFFFFF0]  }
0x43: {  	v21 =	vld [tilespmem:s12+$0x0]  }
0x44: {  	v22 =	vld [tilespmem:s12+$0x10]  }
0x45: {  	v23 =	vld [tilespmem:s12+$0x20]  }
0x46: {  	v24 =	vld [tilespmem:s12+$0x30]  }
0x47: {  	v25 =	vld [tilespmem:s12+$0x40]  }
0x48: {  	v26 =	vld [tilespmem:s12+$0x50]  }
0x49: {  	v27 =	vld [tilespmem:s12+$0x60]  }
0x4a: {  	v28 =	vld [tilespmem:s12+$0xFFFFFF80]  }
0x4b: {  	v13 =	vld.idx.msk [tilespmem:v13+s5+$0x0], $0xffff  }
0x4c: {  	v14 =	vld.idx.msk [tilespmem:v14+s5+$0x0], $0xffff  }
0x4d: {  	v15 =	vld.idx.msk [tilespmem:v15+s5+$0x0], $0xffff  }
0x4e: {  	v16 =	vld.idx.msk [tilespmem:v16+s5+$0x0], $0xffff  }
0x4f: {  	v17 =	vld.idx.msk [tilespmem:v17+s5+$0x0], $0xffff  }
0x50: {  	s10 =	simm.s32 $0x18780;
	v18 =	vld.idx.msk [tilespmem:v18+s5+$0x0], $0xffff  }
0x51: {  	v19 =	vld.idx.msk [tilespmem:v19+s5+$0x0], $0xffff;
	[tilespmem:s10+$0x70] =	vst v13  }
0x52: {  	v20 =	vld.idx.msk [tilespmem:v20+s5+$0x0], $0xffff;
	[tilespmem:s10+$0xFFFFFF90] =	vst v14  }
0x53: {  	v28 =	vld.idx.msk [tilespmem:v28+s5+$0x0], $0xffff;
	[tilespmem:s10+$0xFFFFFFA0] =	vst v15  }
0x54: {  	v21 =	vld.idx.msk [tilespmem:v21+s5+$0x0], $0xffff;
	[tilespmem:s10+$0xFFFFFFB0] =	vst v16  }
0x55: {  	[tilespmem:s10+$0xFFFFFFC0] =	vst v17;
	v13 =	vld.idx.msk [tilespmem:v22+s5+$0x0], $0xffff  }
0x56: {  	[tilespmem:s10+$0xFFFFFFD0] =	vst v18;
	v14 =	vld.idx.msk [tilespmem:v23+s5+$0x0], $0xffff  }
0x57: {  	[tilespmem:s10+$0xFFFFFFE0] =	vst v19;
	v15 =	vld.idx.msk [tilespmem:v24+s5+$0x0], $0xffff  }
0x58: {  	[tilespmem:s10+$0xFFFFFFF0] =	vst v20;
	v16 =	vld.idx.msk [tilespmem:v25+s5+$0x0], $0xffff  }
0x59: {  	[tilespmem:s10+$0xFFFFFF80] =	vst v28;
	v17 =	vld.idx.msk [tilespmem:v26+s5+$0x0], $0xffff  }
0x5a: {  	s11 =	simm.s32 $0x0;
	s12 =	simm.s32 $0x1C880;
	[tilespmem:s10+$0x0] =	vst v21;
	v18 =	vld.idx.msk [tilespmem:v27+s5+$0x0], $0xffff  }
.LBB2_3:
0x5b: {  	v19 =	vld [tilespmem:s12+$0x70];
	s11 =	sadd.s32 $0x100, s11;
	[tilespmem:s10+$0x10] =	vst v13  }
0x5c: {  	v13 =	vld [tilespmem:s12+$0xFFFFFF90];
	p2 =	slt.u32 s11, $0xF00;
	[tilespmem:s10+$0x20] =	vst v14  }
0x5d: {  	v14 =	vld [tilespmem:s12+$0xFFFFFFA0];
	[tilespmem:s10+$0x30] =	vst v15  }
0x5e: {  	v15 =	vld [tilespmem:s12+$0xFFFFFFB0];
	[tilespmem:s10+$0x40] =	vst v16  }
0x5f: {  	v16 =	vld [tilespmem:s12+$0xFFFFFFC0];
	[tilespmem:s10+$0x50] =	vst v17  }
0x60: {  	v17 =	vld [tilespmem:s12+$0xFFFFFFD0];
	[tilespmem:s10+$0x60] =	vst v18  }
0x61: {  	v18 =	vld [tilespmem:s12+$0xFFFFFFE0]  }
0x62: {  	v20 =	vld [tilespmem:s12+$0xFFFFFFF0]  }
0x63: {  	v19 =	vld.idx.msk [tilespmem:v19+s5+$0x0], $0xffff  }
0x64: {  	v21 =	vld [tilespmem:s12+$0x0]  }
0x65: {  	v22 =	vld [tilespmem:s12+$0x10]  }
0x66: {  	v23 =	vld [tilespmem:s12+$0x20]  }
0x67: {  	v24 =	vld [tilespmem:s12+$0x30]  }
0x68: {  	s10 =	sadd.s32 $0x100, s10;
	v25 =	vld [tilespmem:s12+$0x40]  }
0x69: {  	v26 =	vld [tilespmem:s12+$0x50];
	[tilespmem:s10+$0x70] =	vst v19  }
0x6a: {  	v19 =	vld [tilespmem:s12+$0x60]  }
0x6b: {  	v27 =	vld [tilespmem:s12+$0xFFFFFF80]  }
0x6c: {  	v13 =	vld.idx.msk [tilespmem:v13+s5+$0x0], $0xffff  }
0x6d: {  	v14 =	vld.idx.msk [tilespmem:v14+s5+$0x0], $0xffff  }
0x6e: {  	v15 =	vld.idx.msk [tilespmem:v15+s5+$0x0], $0xffff  }
0x6f: {  	v16 =	vld.idx.msk [tilespmem:v16+s5+$0x0], $0xffff  }
0x70: {  	v17 =	vld.idx.msk [tilespmem:v17+s5+$0x0], $0xffff  }
0x71: {  	v18 =	vld.idx.msk [tilespmem:v18+s5+$0x0], $0xffff  }
0x72: {  	[tilespmem:s10+$0xFFFFFF90] =	vst v13;
	v20 =	vld.idx.msk [tilespmem:v20+s5+$0x0], $0xffff  }
0x73: {  	v27 =	vld.idx.msk [tilespmem:v27+s5+$0x0], $0xffff;
	[tilespmem:s10+$0xFFFFFFA0] =	vst v14  }
0x74: {  	[tilespmem:s10+$0xFFFFFFB0] =	vst v15;
	v21 =	vld.idx.msk [tilespmem:v21+s5+$0x0], $0xffff  }
0x75: {  	[tilespmem:s10+$0xFFFFFFC0] =	vst v16;
	v13 =	vld.idx.msk [tilespmem:v22+s5+$0x0], $0xffff  }
.Ltmp1:
0x76: {  	[tilespmem:s10+$0xFFFFFFD0] =	vst v17;
	v14 =	vld.idx.msk [tilespmem:v23+s5+$0x0], $0xffff;
	(pc) =	sbr.rel @p2 .LBB2_3-.Ltmp1, $4  }
0x77: {  	[tilespmem:s10+$0xFFFFFFE0] =	vst v18;
	v15 =	vld.idx.msk [tilespmem:v24+s5+$0x0], $0xffff  }
0x78: {  	[tilespmem:s10+$0xFFFFFFF0] =	vst v20;
	v16 =	vld.idx.msk [tilespmem:v25+s5+$0x0], $0xffff  }
0x79: {  	[tilespmem:s10+$0xFFFFFF80] =	vst v27;
	v17 =	vld.idx.msk [tilespmem:v26+s5+$0x0], $0xffff  }
0x7a: {  	s12 =	sadd.s32 $0x100, s12;
	[tilespmem:s10+$0x0] =	vst v21;
	v18 =	vld.idx.msk [tilespmem:v19+s5+$0x0], $0xffff  }
0x7b: {  	[tilespmem:s10+$0x10] =	vst v13  }
0x7c: {  	[tilespmem:s10+$0x20] =	vst v14  }
0x7d: {  	[tilespmem:s10+$0x30] =	vst v15  }
0x7e: {  	[tilespmem:s10+$0x40] =	vst v16  }
0x7f: {  	[tilespmem:s10+$0x50] =	vst v17  }
0x80: {  	[tilespmem:s10+$0x60] =	vst v18  }
0x81: {  	s11 =	simm.s32 $0x18700;
	s10 =	rddreg [dreg:$0xb]  }
0x82: {  	[hbm4b:s10+s5] =	stream.linear.scatter [tilespmem:s11], [sflag:$0x4], $0x1000, $0x38;
	[tilespmem:$0x1FB00] =	vst v63  }
0x83: {  	_ =	swait.ge [sflag:s4], $0x1000  }
0x84: {  	[sflag:s4] =	ssyncset.done $0x0  }
0x85: {  	[sflag:s4] =	ssyncadd.s32 $0xFFFFF000  }
.LBB2_5:
.Ltmp2:
0x86: {  	(pc) =	sbr.rel @p0 .LBB2_9-.Ltmp2, $1  }
0x87: {  	_ =	sdelay $0x3  }
0x88: {  	s10 =	rddreg [dreg:$0x4]  }
0x89: {  	[tilespmem:s5], [sflag:$0x1] =	stream.linear.gather [hbm4b:s10+s5], $0xC380, $0x38;
	[tilespmem:$0x1FB00] =	vst v63  }
0x8a: {  	s12 =	rddreg [dreg:$0xf]  }
0x8b: {  	[tilespmem:s1], [sflag:$0x2] =	stream.linear.gather [hbm4b:s12+s5], $0xC300, $0x38;
	[tilespmem:$0x1FB00] =	vst v63  }
0x8c: {  	_ =	swait.ge [sflag:s2], $0xC380  }
0x8d: {  	[sflag:s2] =	ssyncset.done $0x0  }
0x8e: {  	[sflag:s2] =	ssyncadd.s32 $0xFFFF3C80  }
0x8f: {  	_ =	swait.ge [sflag:s3], $0xC300  }
0x90: {  	[sflag:s3] =	ssyncset.done $0x0  }
0x91: {  	[sflag:s3] =	ssyncadd.s32 $0xFFFF3D00  }
0x92: {  	v13 =	vld.idx.msk [tilespmem:v10+s31+$0x0], $0xffff;
	_ =	sdelay $0x4  }
0x93: {  	[tilespmem:$0x18680] =	vst v13  }
0x94: {  	v13 =	vld.idx.msk [tilespmem:v11+s31+$0x0], $0xffff;
	_ =	sdelay $0x4  }
0x95: {  	s11 =	rddreg [dreg:$0x10];
	[tilespmem:$0x18690] =	vst v13  }
0x96: {  	[tilespmem:s9], [sflag:$0x4] =	stream.strided.gather [hbm4b:s11+s7], $0x1000, s8, s7, $0x38;
	[tilespmem:$0x1FB00] =	vst v63  }
0x97: {  	_ =	swait.ge [sflag:s4], $0x1000  }
0x98: {  	[sflag:s4] =	ssyncset.done $0x0  }
0x99: {  	s12 =	simm.s32 $0x1C780;
	[sflag:s4] =	ssyncadd.s32 $0xFFFFF000  }
0x9a: {  	v13 =	vld [tilespmem:s12+$0x70]  }
0x9b: {  	v14 =	vld [tilespmem:s12+$0xFFFFFF90]  }
0x9c: {  	v15 =	vld [tilespmem:s12+$0xFFFFFFA0]  }
0x9d: {  	v16 =	vld [tilespmem:s12+$0xFFFFFFB0]  }
0x9e: {  	v17 =	vld [tilespmem:s12+$0xFFFFFFC0]  }
0x9f: {  	v18 =	vld [tilespmem:s12+$0xFFFFFFD0]  }
0xa0: {  	v19 =	vld [tilespmem:s12+$0xFFFFFFE0]  }
0xa1: {  	v20 =	vld [tilespmem:s12+$0xFFFFFFF0]  }
0xa2: {  	v21 =	vld [tilespmem:s12+$0x0]  }
0xa3: {  	v22 =	vld [tilespmem:s12+$0x10]  }
0xa4: {  	v23 =	vld [tilespmem:s12+$0x20]  }
0xa5: {  	v24 =	vld [tilespmem:s12+$0x30]  }
0xa6: {  	v25 =	vld [tilespmem:s12+$0x40]  }
0xa7: {  	v26 =	vld [tilespmem:s12+$0x50]  }
0xa8: {  	v27 =	vld [tilespmem:s12+$0x60]  }
0xa9: {  	v28 =	vld [tilespmem:s12+$0xFFFFFF80]  }
0xaa: {  	v13 =	vld.idx.msk [tilespmem:v13+s5+$0x0], $0xffff  }
0xab: {  	v14 =	vld.idx.msk [tilespmem:v14+s5+$0x0], $0xffff  }
0xac: {  	v15 =	vld.idx.msk [tilespmem:v15+s5+$0x0], $0xffff  }
0xad: {  	v16 =	vld.idx.msk [tilespmem:v16+s5+$0x0], $0xffff  }
0xae: {  	v17 =	vld.idx.msk [tilespmem:v17+s5+$0x0], $0xffff  }
0xaf: {  	s10 =	simm.s32 $0x18780;
	v18 =	vld.idx.msk [tilespmem:v18+s5+$0x0], $0xffff  }
0xb0: {  	v19 =	vld.idx.msk [tilespmem:v19+s5+$0x0], $0xffff;
	[tilespmem:s10+$0x70] =	vst v13  }
0xb1: {  	v20 =	vld.idx.msk [tilespmem:v20+s5+$0x0], $0xffff;
	[tilespmem:s10+$0xFFFFFF90] =	vst v14  }
0xb2: {  	v28 =	vld.idx.msk [tilespmem:v28+s5+$0x0], $0xffff;
	[tilespmem:s10+$0xFFFFFFA0] =	vst v15  }
0xb3: {  	v21 =	vld.idx.msk [tilespmem:v21+s5+$0x0], $0xffff;
	[tilespmem:s10+$0xFFFFFFB0] =	vst v16  }
0xb4: {  	[tilespmem:s10+$0xFFFFFFC0] =	vst v17;
	v13 =	vld.idx.msk [tilespmem:v22+s5+$0x0], $0xffff  }
0xb5: {  	[tilespmem:s10+$0xFFFFFFD0] =	vst v18;
	v14 =	vld.idx.msk [tilespmem:v23+s5+$0x0], $0xffff  }
0xb6: {  	[tilespmem:s10+$0xFFFFFFE0] =	vst v19;
	v15 =	vld.idx.msk [tilespmem:v24+s5+$0x0], $0xffff  }
0xb7: {  	[tilespmem:s10+$0xFFFFFFF0] =	vst v20;
	v16 =	vld.idx.msk [tilespmem:v25+s5+$0x0], $0xffff  }
0xb8: {  	[tilespmem:s10+$0xFFFFFF80] =	vst v28;
	v17 =	vld.idx.msk [tilespmem:v26+s5+$0x0], $0xffff  }
0xb9: {  	s11 =	simm.s32 $0x0;
	s12 =	simm.s32 $0x1C880;
	[tilespmem:s10+$0x0] =	vst v21;
	v18 =	vld.idx.msk [tilespmem:v27+s5+$0x0], $0xffff  }
.LBB2_7:
0xba: {  	v19 =	vld [tilespmem:s12+$0x70];
	s11 =	sadd.s32 $0x100, s11;
	[tilespmem:s10+$0x10] =	vst v13  }
0xbb: {  	v13 =	vld [tilespmem:s12+$0xFFFFFF90];
	p2 =	slt.u32 s11, $0xF00;
	[tilespmem:s10+$0x20] =	vst v14  }
0xbc: {  	v14 =	vld [tilespmem:s12+$0xFFFFFFA0];
	[tilespmem:s10+$0x30] =	vst v15  }
0xbd: {  	v15 =	vld [tilespmem:s12+$0xFFFFFFB0];
	[tilespmem:s10+$0x40] =	vst v16  }
0xbe: {  	v16 =	vld [tilespmem:s12+$0xFFFFFFC0];
	[tilespmem:s10+$0x50] =	vst v17  }
0xbf: {  	v17 =	vld [tilespmem:s12+$0xFFFFFFD0];
	[tilespmem:s10+$0x60] =	vst v18  }
0xc0: {  	v18 =	vld [tilespmem:s12+$0xFFFFFFE0]  }
0xc1: {  	v20 =	vld [tilespmem:s12+$0xFFFFFFF0]  }
0xc2: {  	v19 =	vld.idx.msk [tilespmem:v19+s5+$0x0], $0xffff  }
0xc3: {  	v21 =	vld [tilespmem:s12+$0x0]  }
0xc4: {  	v22 =	vld [tilespmem:s12+$0x10]  }
0xc5: {  	v23 =	vld [tilespmem:s12+$0x20]  }
0xc6: {  	v24 =	vld [tilespmem:s12+$0x30]  }
0xc7: {  	s10 =	sadd.s32 $0x100, s10;
	v25 =	vld [tilespmem:s12+$0x40]  }
0xc8: {  	v26 =	vld [tilespmem:s12+$0x50];
	[tilespmem:s10+$0x70] =	vst v19  }
0xc9: {  	v19 =	vld [tilespmem:s12+$0x60]  }
0xca: {  	v27 =	vld [tilespmem:s12+$0xFFFFFF80]  }
0xcb: {  	v13 =	vld.idx.msk [tilespmem:v13+s5+$0x0], $0xffff  }
0xcc: {  	v14 =	vld.idx.msk [tilespmem:v14+s5+$0x0], $0xffff  }
0xcd: {  	v15 =	vld.idx.msk [tilespmem:v15+s5+$0x0], $0xffff  }
0xce: {  	v16 =	vld.idx.msk [tilespmem:v16+s5+$0x0], $0xffff  }
0xcf: {  	v17 =	vld.idx.msk [tilespmem:v17+s5+$0x0], $0xffff  }
0xd0: {  	v18 =	vld.idx.msk [tilespmem:v18+s5+$0x0], $0xffff  }
0xd1: {  	[tilespmem:s10+$0xFFFFFF90] =	vst v13;
	v20 =	vld.idx.msk [tilespmem:v20+s5+$0x0], $0xffff  }
0xd2: {  	v27 =	vld.idx.msk [tilespmem:v27+s5+$0x0], $0xffff;
	[tilespmem:s10+$0xFFFFFFA0] =	vst v14  }
0xd3: {  	[tilespmem:s10+$0xFFFFFFB0] =	vst v15;
	v21 =	vld.idx.msk [tilespmem:v21+s5+$0x0], $0xffff  }
0xd4: {  	[tilespmem:s10+$0xFFFFFFC0] =	vst v16;
	v13 =	vld.idx.msk [tilespmem:v22+s5+$0x0], $0xffff  }
.Ltmp3:
0xd5: {  	[tilespmem:s10+$0xFFFFFFD0] =	vst v17;
	v14 =	vld.idx.msk [tilespmem:v23+s5+$0x0], $0xffff;
	(pc) =	sbr.rel @p2 .LBB2_7-.Ltmp3, $4  }
0xd6: {  	[tilespmem:s10+$0xFFFFFFE0] =	vst v18;
	v15 =	vld.idx.msk [tilespmem:v24+s5+$0x0], $0xffff  }
0xd7: {  	[tilespmem:s10+$0xFFFFFFF0] =	vst v20;
	v16 =	vld.idx.msk [tilespmem:v25+s5+$0x0], $0xffff  }
0xd8: {  	[tilespmem:s10+$0xFFFFFF80] =	vst v27;
	v17 =	vld.idx.msk [tilespmem:v26+s5+$0x0], $0xffff  }
0xd9: {  	s12 =	sadd.s32 $0x100, s12;
	[tilespmem:s10+$0x0] =	vst v21;
	v18 =	vld.idx.msk [tilespmem:v19+s5+$0x0], $0xffff  }
0xda: {  	[tilespmem:s10+$0x10] =	vst v13  }
0xdb: {  	[tilespmem:s10+$0x20] =	vst v14  }
0xdc: {  	[tilespmem:s10+$0x30] =	vst v15  }
0xdd: {  	[tilespmem:s10+$0x40] =	vst v16  }
0xde: {  	[tilespmem:s10+$0x50] =	vst v17  }
0xdf: {  	[tilespmem:s10+$0x60] =	vst v18  }
0xe0: {  	s11 =	simm.s32 $0x18700;
	s10 =	rddreg [dreg:$0x11]  }
0xe1: {  	[hbm4b:s10+s5] =	stream.linear.scatter [tilespmem:s11], [sflag:$0x4], $0x1000, $0x38;
	[tilespmem:$0x1FB00] =	vst v63  }
0xe2: {  	_ =	swait.ge [sflag:s4], $0x1000  }
0xe3: {  	[sflag:s4] =	ssyncset.done $0x0  }
0xe4: {  	[sflag:s4] =	ssyncadd.s32 $0xFFFFF000  }
.LBB2_9:
0xe5: {  	s10 =	rddreg [dreg:$0xc]  }
0xe6: {  	[tilespmem:s5], [sflag:$0x1] =	stream.strided.gather [hbm4b:s10+s7], $0xC380, s20, s7, $0x38;
	[tilespmem:$0x1FB00] =	vst v63  }
0xe7: {  	s11 =	rddreg [dreg:$0xd]  }
0xe8: {  	[tilespmem:s1], [sflag:$0x2] =	stream.strided.gather [hbm4b:s11+s7], $0xC300, s20, s7, $0x38;
	[tilespmem:$0x1FB00] =	vst v63  }
0xe9: {  	_ =	swait.ge [sflag:s2], $0xC380  }
0xea: {  	[sflag:s2] =	ssyncset.done $0x0  }
0xeb: {  	[sflag:s2] =	ssyncadd.s32 $0xFFFF3C80  }
0xec: {  	_ =	swait.ge [sflag:s3], $0xC300  }
0xed: {  	[sflag:s3] =	ssyncset.done $0x0  }
0xee: {  	[sflag:s3] =	ssyncadd.s32 $0xFFFF3D00  }
0xef: {  	v13 =	vld.idx.msk [tilespmem:v0+s31+$0x0], $0xffff;
	_ =	sdelay $0x4  }
0xf0: {  	[tilespmem:$0x18680] =	vst v13  }
0xf1: {  	v13 =	vld.idx.msk [tilespmem:v1+s31+$0x0], $0xffff;
	_ =	sdelay $0x4  }
0xf2: {  	[tilespmem:$0x18690] =	vst v13  }
0xf3: {  	[tilespmem:s9], [sflag:$0x3] =	stream.strided.gather [hbm4b:s0+s7], $0x1000, s8, s7, $0x38;
	[tilespmem:$0x1FB00] =	vst v63  }
0xf4: {  	_ =	swait.ge [sflag:s21], $0x1000  }
0xf5: {  	[sflag:s21] =	ssyncset.done $0x0  }
0xf6: {  	s12 =	simm.s32 $0x1C780;
	[sflag:s21] =	ssyncadd.s32 $0xFFFFF000  }
0xf7: {  	[tilespmem:s6], [sflag:$0x3] =	stream.strided.gather [hbm4b:s24+s7], $0x1000, s8, s7, $0x38;
	[tilespmem:$0x1FB00] =	vst v63  }
0xf8: {  	v13 =	vld [tilespmem:s12+$0x70]  }
0xf9: {  	v14 =	vld [tilespmem:s12+$0xFFFFFF90]  }
0xfa: {  	v15 =	vld [tilespmem:s12+$0xFFFFFFA0]  }
0xfb: {  	v16 =	vld [tilespmem:s12+$0xFFFFFFB0]  }
0xfc: {  	v17 =	vld [tilespmem:s12+$0xFFFFFFC0]  }
0xfd: {  	v18 =	vld [tilespmem:s12+$0xFFFFFFD0]  }
0xfe: {  	v19 =	vld [tilespmem:s12+$0xFFFFFFE0]  }
0xff: {  	v20 =	vld [tilespmem:s12+$0xFFFFFFF0]  }
0x100: {  	v21 =	vld [tilespmem:s12+$0x0]  }
0x101: {  	v22 =	vld [tilespmem:s12+$0x10]  }
0x102: {  	v23 =	vld [tilespmem:s12+$0x20]  }
0x103: {  	v24 =	vld [tilespmem:s12+$0x30]  }
0x104: {  	v25 =	vld [tilespmem:s12+$0x40]  }
0x105: {  	v26 =	vld [tilespmem:s12+$0x50]  }
0x106: {  	v27 =	vld [tilespmem:s12+$0x60]  }
0x107: {  	v28 =	vld [tilespmem:s12+$0xFFFFFF80]  }
0x108: {  	v13 =	vld.idx.msk [tilespmem:v13+s5+$0x0], $0xffff  }
0x109: {  	v14 =	vld.idx.msk [tilespmem:v14+s5+$0x0], $0xffff  }
0x10a: {  	v15 =	vld.idx.msk [tilespmem:v15+s5+$0x0], $0xffff  }
0x10b: {  	v16 =	vld.idx.msk [tilespmem:v16+s5+$0x0], $0xffff  }
0x10c: {  	v17 =	vld.idx.msk [tilespmem:v17+s5+$0x0], $0xffff  }
0x10d: {  	s10 =	simm.s32 $0x18780;
	v18 =	vld.idx.msk [tilespmem:v18+s5+$0x0], $0xffff  }
0x10e: {  	v19 =	vld.idx.msk [tilespmem:v19+s5+$0x0], $0xffff;
	[tilespmem:s10+$0x70] =	vst v13  }
0x10f: {  	v20 =	vld.idx.msk [tilespmem:v20+s5+$0x0], $0xffff;
	[tilespmem:s10+$0xFFFFFF90] =	vst v14  }
0x110: {  	v28 =	vld.idx.msk [tilespmem:v28+s5+$0x0], $0xffff;
	[tilespmem:s10+$0xFFFFFFA0] =	vst v15  }
0x111: {  	v21 =	vld.idx.msk [tilespmem:v21+s5+$0x0], $0xffff;
	[tilespmem:s10+$0xFFFFFFB0] =	vst v16  }
0x112: {  	[tilespmem:s10+$0xFFFFFFC0] =	vst v17;
	v13 =	vld.idx.msk [tilespmem:v22+s5+$0x0], $0xffff  }
0x113: {  	[tilespmem:s10+$0xFFFFFFD0] =	vst v18;
	v14 =	vld.idx.msk [tilespmem:v23+s5+$0x0], $0xffff  }
0x114: {  	[tilespmem:s10+$0xFFFFFFE0] =	vst v19;
	v15 =	vld.idx.msk [tilespmem:v24+s5+$0x0], $0xffff  }
0x115: {  	[tilespmem:s10+$0xFFFFFFF0] =	vst v20;
	v16 =	vld.idx.msk [tilespmem:v25+s5+$0x0], $0xffff  }
0x116: {  	[tilespmem:s10+$0xFFFFFF80] =	vst v28;
	v17 =	vld.idx.msk [tilespmem:v26+s5+$0x0], $0xffff  }
0x117: {  	s11 =	simm.s32 $0x0;
	s12 =	simm.s32 $0x1C880;
	[tilespmem:s10+$0x0] =	vst v21;
	v18 =	vld.idx.msk [tilespmem:v27+s5+$0x0], $0xffff  }
.LBB2_10:
0x118: {  	v19 =	vld [tilespmem:s12+$0x70];
	s11 =	sadd.s32 $0x100, s11;
	[tilespmem:s10+$0x10] =	vst v13  }
0x119: {  	v13 =	vld [tilespmem:s12+$0xFFFFFF90];
	p2 =	slt.u32 s11, $0xF00;
	[tilespmem:s10+$0x20] =	vst v14  }
0x11a: {  	v14 =	vld [tilespmem:s12+$0xFFFFFFA0];
	[tilespmem:s10+$0x30] =	vst v15  }
0x11b: {  	v15 =	vld [tilespmem:s12+$0xFFFFFFB0];
	[tilespmem:s10+$0x40] =	vst v16  }
0x11c: {  	v16 =	vld [tilespmem:s12+$0xFFFFFFC0];
	[tilespmem:s10+$0x50] =	vst v17  }
0x11d: {  	v17 =	vld [tilespmem:s12+$0xFFFFFFD0];
	[tilespmem:s10+$0x60] =	vst v18  }
0x11e: {  	v18 =	vld [tilespmem:s12+$0xFFFFFFE0]  }
0x11f: {  	v20 =	vld [tilespmem:s12+$0xFFFFFFF0]  }
0x120: {  	v19 =	vld.idx.msk [tilespmem:v19+s5+$0x0], $0xffff  }
0x121: {  	v21 =	vld [tilespmem:s12+$0x0]  }
0x122: {  	v22 =	vld [tilespmem:s12+$0x10]  }
0x123: {  	v23 =	vld [tilespmem:s12+$0x20]  }
0x124: {  	v24 =	vld [tilespmem:s12+$0x30]  }
0x125: {  	s10 =	sadd.s32 $0x100, s10;
	v25 =	vld [tilespmem:s12+$0x40]  }
0x126: {  	v26 =	vld [tilespmem:s12+$0x50];
	[tilespmem:s10+$0x70] =	vst v19  }
0x127: {  	v19 =	vld [tilespmem:s12+$0x60]  }
0x128: {  	v27 =	vld [tilespmem:s12+$0xFFFFFF80]  }
0x129: {  	v13 =	vld.idx.msk [tilespmem:v13+s5+$0x0], $0xffff  }
0x12a: {  	v14 =	vld.idx.msk [tilespmem:v14+s5+$0x0], $0xffff  }
0x12b: {  	v15 =	vld.idx.msk [tilespmem:v15+s5+$0x0], $0xffff  }
0x12c: {  	v16 =	vld.idx.msk [tilespmem:v16+s5+$0x0], $0xffff  }
0x12d: {  	v17 =	vld.idx.msk [tilespmem:v17+s5+$0x0], $0xffff  }
0x12e: {  	v18 =	vld.idx.msk [tilespmem:v18+s5+$0x0], $0xffff  }
0x12f: {  	[tilespmem:s10+$0xFFFFFF90] =	vst v13;
	v20 =	vld.idx.msk [tilespmem:v20+s5+$0x0], $0xffff  }
0x130: {  	v27 =	vld.idx.msk [tilespmem:v27+s5+$0x0], $0xffff;
	[tilespmem:s10+$0xFFFFFFA0] =	vst v14  }
0x131: {  	[tilespmem:s10+$0xFFFFFFB0] =	vst v15;
	v21 =	vld.idx.msk [tilespmem:v21+s5+$0x0], $0xffff  }
0x132: {  	[tilespmem:s10+$0xFFFFFFC0] =	vst v16;
	v13 =	vld.idx.msk [tilespmem:v22+s5+$0x0], $0xffff  }
.Ltmp4:
0x133: {  	[tilespmem:s10+$0xFFFFFFD0] =	vst v17;
	v14 =	vld.idx.msk [tilespmem:v23+s5+$0x0], $0xffff;
	(pc) =	sbr.rel @p2 .LBB2_10-.Ltmp4, $4  }
0x134: {  	[tilespmem:s10+$0xFFFFFFE0] =	vst v18;
	v15 =	vld.idx.msk [tilespmem:v24+s5+$0x0], $0xffff  }
0x135: {  	[tilespmem:s10+$0xFFFFFFF0] =	vst v20;
	v16 =	vld.idx.msk [tilespmem:v25+s5+$0x0], $0xffff  }
0x136: {  	[tilespmem:s10+$0xFFFFFF80] =	vst v27;
	v17 =	vld.idx.msk [tilespmem:v26+s5+$0x0], $0xffff  }
0x137: {  	s12 =	sadd.s32 $0x100, s12;
	[tilespmem:s10+$0x0] =	vst v21;
	v18 =	vld.idx.msk [tilespmem:v19+s5+$0x0], $0xffff  }
0x138: {  	[tilespmem:s10+$0x10] =	vst v13  }
0x139: {  	[tilespmem:s10+$0x20] =	vst v14  }
0x13a: {  	[tilespmem:s10+$0x30] =	vst v15  }
0x13b: {  	[tilespmem:s10+$0x40] =	vst v16  }
0x13c: {  	[tilespmem:s10+$0x50] =	vst v17  }
0x13d: {  	[tilespmem:s10+$0x60] =	vst v18  }
0x13e: {  	_ =	swait.ge [sflag:s21], $0x1000  }
0x13f: {  	[sflag:s21] =	ssyncset.done $0x0  }
0x140: {  	s12 =	simm.s32 $0x1D780;
	[sflag:s21] =	ssyncadd.s32 $0xFFFFF000  }
0x141: {  	[tilespmem:s9], [sflag:$0x3] =	stream.strided.gather [hbm4b:s25+s7], $0x1000, s8, s7, $0x38;
	[tilespmem:$0x1FB00] =	vst v63  }
0x142: {  	v13 =	vld [tilespmem:s12+$0x70]  }
0x143: {  	v14 =	vld [tilespmem:s12+$0xFFFFFF90]  }
0x144: {  	v15 =	vld [tilespmem:s12+$0xFFFFFFA0]  }
0x145: {  	v16 =	vld [tilespmem:s12+$0xFFFFFFB0]  }
0x146: {  	v17 =	vld [tilespmem:s12+$0xFFFFFFC0]  }
0x147: {  	v18 =	vld [tilespmem:s12+$0xFFFFFFD0]  }
0x148: {  	v19 =	vld [tilespmem:s12+$0xFFFFFFE0]  }
0x149: {  	v20 =	vld [tilespmem:s12+$0xFFFFFFF0]  }
0x14a: {  	v21 =	vld [tilespmem:s12+$0x0]  }
0x14b: {  	v22 =	vld [tilespmem:s12+$0x10]  }
0x14c: {  	v23 =	vld [tilespmem:s12+$0x20]  }
0x14d: {  	v24 =	vld [tilespmem:s12+$0x30]  }
0x14e: {  	v25 =	vld [tilespmem:s12+$0x40]  }
0x14f: {  	v26 =	vld [tilespmem:s12+$0x50]  }
0x150: {  	v27 =	vld [tilespmem:s12+$0x60]  }
0x151: {  	v28 =	vld [tilespmem:s12+$0xFFFFFF80]  }
0x152: {  	v13 =	vld.idx.msk [tilespmem:v13+s5+$0x0], $0xffff  }
0x153: {  	v14 =	vld.idx.msk [tilespmem:v14+s5+$0x0], $0xffff  }
0x154: {  	v15 =	vld.idx.msk [tilespmem:v15+s5+$0x0], $0xffff  }
0x155: {  	v16 =	vld.idx.msk [tilespmem:v16+s5+$0x0], $0xffff  }
0x156: {  	v17 =	vld.idx.msk [tilespmem:v17+s5+$0x0], $0xffff  }
0x157: {  	s10 =	simm.s32 $0x197F0;
	v18 =	vld.idx.msk [tilespmem:v18+s5+$0x0], $0xffff  }
0x158: {  	v19 =	vld.idx.msk [tilespmem:v19+s5+$0x0], $0xffff;
	[tilespmem:s10+$0x0] =	vst v13  }
0x159: {  	v20 =	vld.idx.msk [tilespmem:v20+s5+$0x0], $0xffff;
	[tilespmem:s10+$0xFFFFFF20] =	vst v14  }
0x15a: {  	v28 =	vld.idx.msk [tilespmem:v28+s5+$0x0], $0xffff;
	[tilespmem:s10+$0xFFFFFF30] =	vst v15  }
0x15b: {  	v21 =	vld.idx.msk [tilespmem:v21+s5+$0x0], $0xffff;
	[tilespmem:s10+$0xFFFFFF40] =	vst v16  }
0x15c: {  	[tilespmem:s10+$0xFFFFFF50] =	vst v17;
	v13 =	vld.idx.msk [tilespmem:v22+s5+$0x0], $0xffff  }
0x15d: {  	[tilespmem:s10+$0xFFFFFF60] =	vst v18;
	v14 =	vld.idx.msk [tilespmem:v23+s5+$0x0], $0xffff  }
0x15e: {  	[tilespmem:s10+$0xFFFFFF70] =	vst v19;
	v15 =	vld.idx.msk [tilespmem:v24+s5+$0x0], $0xffff  }
0x15f: {  	[tilespmem:s10+$0xFFFFFF80] =	vst v20;
	v16 =	vld.idx.msk [tilespmem:v25+s5+$0x0], $0xffff  }
0x160: {  	[tilespmem:s10+$0xFFFFFF10] =	vst v28;
	v17 =	vld.idx.msk [tilespmem:v26+s5+$0x0], $0xffff  }
0x161: {  	s11 =	simm.s32 $0x0;
	s12 =	simm.s32 $0x1D880;
	[tilespmem:s10+$0xFFFFFF90] =	vst v21;
	v18 =	vld.idx.msk [tilespmem:v27+s5+$0x0], $0xffff  }
.LBB2_12:
0x162: {  	v19 =	vld [tilespmem:s12+$0x70];
	s11 =	sadd.s32 $0x100, s11;
	[tilespmem:s10+$0xFFFFFFA0] =	vst v13  }
0x163: {  	v13 =	vld [tilespmem:s12+$0xFFFFFF90];
	p2 =	slt.u32 s11, $0xF00;
	[tilespmem:s10+$0xFFFFFFB0] =	vst v14  }
0x164: {  	v14 =	vld [tilespmem:s12+$0xFFFFFFA0];
	[tilespmem:s10+$0xFFFFFFC0] =	vst v15  }
0x165: {  	v15 =	vld [tilespmem:s12+$0xFFFFFFB0];
	[tilespmem:s10+$0xFFFFFFD0] =	vst v16  }
0x166: {  	v16 =	vld [tilespmem:s12+$0xFFFFFFC0];
	[tilespmem:s10+$0xFFFFFFE0] =	vst v17  }
0x167: {  	v17 =	vld [tilespmem:s12+$0xFFFFFFD0];
	[tilespmem:s10+$0xFFFFFFF0] =	vst v18  }
0x168: {  	v18 =	vld [tilespmem:s12+$0xFFFFFFE0]  }
0x169: {  	v20 =	vld [tilespmem:s12+$0xFFFFFFF0]  }
0x16a: {  	v19 =	vld.idx.msk [tilespmem:v19+s5+$0x0], $0xffff  }
0x16b: {  	v21 =	vld [tilespmem:s12+$0x0]  }
0x16c: {  	v22 =	vld [tilespmem:s12+$0x10]  }
0x16d: {  	v23 =	vld [tilespmem:s12+$0x20]  }
0x16e: {  	v24 =	vld [tilespmem:s12+$0x30]  }
0x16f: {  	s10 =	sadd.s32 $0x100, s10;
	v25 =	vld [tilespmem:s12+$0x40]  }
0x170: {  	v26 =	vld [tilespmem:s12+$0x50];
	[tilespmem:s10+$0x0] =	vst v19  }
0x171: {  	v19 =	vld [tilespmem:s12+$0x60]  }
0x172: {  	v27 =	vld [tilespmem:s12+$0xFFFFFF80]  }
0x173: {  	v13 =	vld.idx.msk [tilespmem:v13+s5+$0x0], $0xffff  }
0x174: {  	v14 =	vld.idx.msk [tilespmem:v14+s5+$0x0], $0xffff  }
0x175: {  	v15 =	vld.idx.msk [tilespmem:v15+s5+$0x0], $0xffff  }
0x176: {  	v16 =	vld.idx.msk [tilespmem:v16+s5+$0x0], $0xffff  }
0x177: {  	v17 =	vld.idx.msk [tilespmem:v17+s5+$0x0], $0xffff  }
0x178: {  	v18 =	vld.idx.msk [tilespmem:v18+s5+$0x0], $0xffff  }
0x179: {  	[tilespmem:s10+$0xFFFFFF20] =	vst v13;
	v20 =	vld.idx.msk [tilespmem:v20+s5+$0x0], $0xffff  }
0x17a: {  	v27 =	vld.idx.msk [tilespmem:v27+s5+$0x0], $0xffff;
	[tilespmem:s10+$0xFFFFFF30] =	vst v14  }
0x17b: {  	[tilespmem:s10+$0xFFFFFF40] =	vst v15;
	v21 =	vld.idx.msk [tilespmem:v21+s5+$0x0], $0xffff  }
0x17c: {  	[tilespmem:s10+$0xFFFFFF50] =	vst v16;
	v13 =	vld.idx.msk [tilespmem:v22+s5+$0x0], $0xffff  }
.Ltmp5:
0x17d: {  	[tilespmem:s10+$0xFFFFFF60] =	vst v17;
	v14 =	vld.idx.msk [tilespmem:v23+s5+$0x0], $0xffff;
	(pc) =	sbr.rel @p2 .LBB2_12-.Ltmp5, $4  }
0x17e: {  	[tilespmem:s10+$0xFFFFFF70] =	vst v18;
	v15 =	vld.idx.msk [tilespmem:v24+s5+$0x0], $0xffff  }
0x17f: {  	[tilespmem:s10+$0xFFFFFF80] =	vst v20;
	v16 =	vld.idx.msk [tilespmem:v25+s5+$0x0], $0xffff  }
0x180: {  	[tilespmem:s10+$0xFFFFFF10] =	vst v27;
	v17 =	vld.idx.msk [tilespmem:v26+s5+$0x0], $0xffff  }
0x181: {  	s12 =	sadd.s32 $0x100, s12;
	[tilespmem:s10+$0xFFFFFF90] =	vst v21;
	v18 =	vld.idx.msk [tilespmem:v19+s5+$0x0], $0xffff  }
0x182: {  	[tilespmem:s10+$0xFFFFFFA0] =	vst v13  }
0x183: {  	[tilespmem:s10+$0xFFFFFFB0] =	vst v14  }
0x184: {  	[tilespmem:s10+$0xFFFFFFC0] =	vst v15  }
0x185: {  	[tilespmem:s10+$0xFFFFFFD0] =	vst v16  }
0x186: {  	[tilespmem:s10+$0xFFFFFFE0] =	vst v17  }
0x187: {  	[tilespmem:s10+$0xFFFFFFF0] =	vst v18  }
0x188: {  	_ =	swait.ge [sflag:s21], $0x1000  }
0x189: {  	[sflag:s21] =	ssyncset.done $0x0  }
0x18a: {  	s12 =	simm.s32 $0x1C780;
	[sflag:s21] =	ssyncadd.s32 $0xFFFFF000  }
0x18b: {  	[tilespmem:s6], [sflag:$0x3] =	stream.strided.gather [hbm4b:s26+s7], $0x1000, s8, s7, $0x38;
	[tilespmem:$0x1FB00] =	vst v63  }
0x18c: {  	v13 =	vld [tilespmem:s12+$0x70]  }
0x18d: {  	v14 =	vld [tilespmem:s12+$0xFFFFFF90]  }
0x18e: {  	v15 =	vld [tilespmem:s12+$0xFFFFFFA0]  }
0x18f: {  	v16 =	vld [tilespmem:s12+$0xFFFFFFB0]  }
0x190: {  	v17 =	vld [tilespmem:s12+$0xFFFFFFC0]  }
0x191: {  	v18 =	vld [tilespmem:s12+$0xFFFFFFD0]  }
0x192: {  	v19 =	vld [tilespmem:s12+$0xFFFFFFE0]  }
0x193: {  	v20 =	vld [tilespmem:s12+$0xFFFFFFF0]  }
0x194: {  	v21 =	vld [tilespmem:s12+$0x0]  }
0x195: {  	v22 =	vld [tilespmem:s12+$0x10]  }
0x196: {  	v23 =	vld [tilespmem:s12+$0x20]  }
0x197: {  	v24 =	vld [tilespmem:s12+$0x30]  }
0x198: {  	v25 =	vld [tilespmem:s12+$0x40]  }
0x199: {  	v26 =	vld [tilespmem:s12+$0x50]  }
0x19a: {  	v27 =	vld [tilespmem:s12+$0x60]  }
0x19b: {  	v28 =	vld [tilespmem:s12+$0xFFFFFF80]  }
0x19c: {  	v13 =	vld.idx.msk [tilespmem:v13+s5+$0x0], $0xffff  }
0x19d: {  	v14 =	vld.idx.msk [tilespmem:v14+s5+$0x0], $0xffff  }
0x19e: {  	v15 =	vld.idx.msk [tilespmem:v15+s5+$0x0], $0xffff  }
0x19f: {  	v16 =	vld.idx.msk [tilespmem:v16+s5+$0x0], $0xffff  }
0x1a0: {  	v17 =	vld.idx.msk [tilespmem:v17+s5+$0x0], $0xffff  }
0x1a1: {  	s10 =	simm.s32 $0x1A7F0;
	v18 =	vld.idx.msk [tilespmem:v18+s5+$0x0], $0xffff  }
0x1a2: {  	v19 =	vld.idx.msk [tilespmem:v19+s5+$0x0], $0xffff;
	[tilespmem:s10+$0x0] =	vst v13  }
0x1a3: {  	v20 =	vld.idx.msk [tilespmem:v20+s5+$0x0], $0xffff;
	[tilespmem:s10+$0xFFFFFF20] =	vst v14  }
0x1a4: {  	v28 =	vld.idx.msk [tilespmem:v28+s5+$0x0], $0xffff;
	[tilespmem:s10+$0xFFFFFF30] =	vst v15  }
0x1a5: {  	v21 =	vld.idx.msk [tilespmem:v21+s5+$0x0], $0xffff;
	[tilespmem:s10+$0xFFFFFF40] =	vst v16  }
0x1a6: {  	[tilespmem:s10+$0xFFFFFF50] =	vst v17;
	v13 =	vld.idx.msk [tilespmem:v22+s5+$0x0], $0xffff  }
0x1a7: {  	[tilespmem:s10+$0xFFFFFF60] =	vst v18;
	v14 =	vld.idx.msk [tilespmem:v23+s5+$0x0], $0xffff  }
0x1a8: {  	[tilespmem:s10+$0xFFFFFF70] =	vst v19;
	v15 =	vld.idx.msk [tilespmem:v24+s5+$0x0], $0xffff  }
0x1a9: {  	[tilespmem:s10+$0xFFFFFF80] =	vst v20;
	v16 =	vld.idx.msk [tilespmem:v25+s5+$0x0], $0xffff  }
0x1aa: {  	[tilespmem:s10+$0xFFFFFF10] =	vst v28;
	v17 =	vld.idx.msk [tilespmem:v26+s5+$0x0], $0xffff  }
0x1ab: {  	s11 =	simm.s32 $0x0;
	s12 =	simm.s32 $0x1C880;
	[tilespmem:s10+$0xFFFFFF90] =	vst v21;
	v18 =	vld.idx.msk [tilespmem:v27+s5+$0x0], $0xffff  }
.LBB2_14:
0x1ac: {  	v19 =	vld [tilespmem:s12+$0x70];
	s11 =	sadd.s32 $0x100, s11;
	[tilespmem:s10+$0xFFFFFFA0] =	vst v13  }
0x1ad: {  	v13 =	vld [tilespmem:s12+$0xFFFFFF90];
	p2 =	slt.u32 s11, $0xF00;
	[tilespmem:s10+$0xFFFFFFB0] =	vst v14  }
0x1ae: {  	v14 =	vld [tilespmem:s12+$0xFFFFFFA0];
	[tilespmem:s10+$0xFFFFFFC0] =	vst v15  }
0x1af: {  	v15 =	vld [tilespmem:s12+$0xFFFFFFB0];
	[tilespmem:s10+$0xFFFFFFD0] =	vst v16  }
0x1b0: {  	v16 =	vld [tilespmem:s12+$0xFFFFFFC0];
	[tilespmem:s10+$0xFFFFFFE0] =	vst v17  }
0x1b1: {  	v17 =	vld [tilespmem:s12+$0xFFFFFFD0];
	[tilespmem:s10+$0xFFFFFFF0] =	vst v18  }
0x1b2: {  	v18 =	vld [tilespmem:s12+$0xFFFFFFE0]  }
0x1b3: {  	v20 =	vld [tilespmem:s12+$0xFFFFFFF0]  }
0x1b4: {  	v19 =	vld.idx.msk [tilespmem:v19+s5+$0x0], $0xffff  }
0x1b5: {  	v21 =	vld [tilespmem:s12+$0x0]  }
0x1b6: {  	v22 =	vld [tilespmem:s12+$0x10]  }
0x1b7: {  	v23 =	vld [tilespmem:s12+$0x20]  }
0x1b8: {  	v24 =	vld [tilespmem:s12+$0x30]  }
0x1b9: {  	s10 =	sadd.s32 $0x100, s10;
	v25 =	vld [tilespmem:s12+$0x40]  }
0x1ba: {  	v26 =	vld [tilespmem:s12+$0x50];
	[tilespmem:s10+$0x0] =	vst v19  }
0x1bb: {  	v19 =	vld [tilespmem:s12+$0x60]  }
0x1bc: {  	v27 =	vld [tilespmem:s12+$0xFFFFFF80]  }
0x1bd: {  	v13 =	vld.idx.msk [tilespmem:v13+s5+$0x0], $0xffff  }
0x1be: {  	v14 =	vld.idx.msk [tilespmem:v14+s5+$0x0], $0xffff  }
0x1bf: {  	v15 =	vld.idx.msk [tilespmem:v15+s5+$0x0], $0xffff  }
0x1c0: {  	v16 =	vld.idx.msk [tilespmem:v16+s5+$0x0], $0xffff  }
0x1c1: {  	v17 =	vld.idx.msk [tilespmem:v17+s5+$0x0], $0xffff  }
0x1c2: {  	v18 =	vld.idx.msk [tilespmem:v18+s5+$0x0], $0xffff  }
0x1c3: {  	[tilespmem:s10+$0xFFFFFF20] =	vst v13;
	v20 =	vld.idx.msk [tilespmem:v20+s5+$0x0], $0xffff  }
0x1c4: {  	v27 =	vld.idx.msk [tilespmem:v27+s5+$0x0], $0xffff;
	[tilespmem:s10+$0xFFFFFF30] =	vst v14  }
0x1c5: {  	[tilespmem:s10+$0xFFFFFF40] =	vst v15;
	v21 =	vld.idx.msk [tilespmem:v21+s5+$0x0], $0xffff  }
0x1c6: {  	[tilespmem:s10+$0xFFFFFF50] =	vst v16;
	v13 =	vld.idx.msk [tilespmem:v22+s5+$0x0], $0xffff  }
.Ltmp6:
0x1c7: {  	[tilespmem:s10+$0xFFFFFF60] =	vst v17;
	v14 =	vld.idx.msk [tilespmem:v23+s5+$0x0], $0xffff;
	(pc) =	sbr.rel @p2 .LBB2_14-.Ltmp6, $4  }
0x1c8: {  	[tilespmem:s10+$0xFFFFFF70] =	vst v18;
	v15 =	vld.idx.msk [tilespmem:v24+s5+$0x0], $0xffff  }
0x1c9: {  	[tilespmem:s10+$0xFFFFFF80] =	vst v20;
	v16 =	vld.idx.msk [tilespmem:v25+s5+$0x0], $0xffff  }
0x1ca: {  	[tilespmem:s10+$0xFFFFFF10] =	vst v27;
	v17 =	vld.idx.msk [tilespmem:v26+s5+$0x0], $0xffff  }
0x1cb: {  	s12 =	sadd.s32 $0x100, s12;
	[tilespmem:s10+$0xFFFFFF90] =	vst v21;
	v18 =	vld.idx.msk [tilespmem:v19+s5+$0x0], $0xffff  }
0x1cc: {  	[tilespmem:s10+$0xFFFFFFA0] =	vst v13  }
0x1cd: {  	[tilespmem:s10+$0xFFFFFFB0] =	vst v14  }
0x1ce: {  	[tilespmem:s10+$0xFFFFFFC0] =	vst v15  }
0x1cf: {  	[tilespmem:s10+$0xFFFFFFD0] =	vst v16  }
0x1d0: {  	[tilespmem:s10+$0xFFFFFFE0] =	vst v17  }
0x1d1: {  	[tilespmem:s10+$0xFFFFFFF0] =	vst v18  }
0x1d2: {  	_ =	swait.ge [sflag:s21], $0x1000  }
0x1d3: {  	[sflag:s21] =	ssyncset.done $0x0  }
0x1d4: {  	s12 =	simm.s32 $0x1D780;
	[sflag:s21] =	ssyncadd.s32 $0xFFFFF000  }
0x1d5: {  	v13 =	vld [tilespmem:s12+$0x70]  }
0x1d6: {  	v14 =	vld [tilespmem:s12+$0xFFFFFF90]  }
0x1d7: {  	v15 =	vld [tilespmem:s12+$0xFFFFFFA0]  }
0x1d8: {  	v16 =	vld [tilespmem:s12+$0xFFFFFFB0]  }
0x1d9: {  	v17 =	vld [tilespmem:s12+$0xFFFFFFC0]  }
0x1da: {  	v18 =	vld [tilespmem:s12+$0xFFFFFFD0]  }
0x1db: {  	v19 =	vld [tilespmem:s12+$0xFFFFFFE0]  }
0x1dc: {  	v20 =	vld [tilespmem:s12+$0xFFFFFFF0]  }
0x1dd: {  	v21 =	vld [tilespmem:s12+$0x0]  }
0x1de: {  	v22 =	vld [tilespmem:s12+$0x10]  }
0x1df: {  	v23 =	vld [tilespmem:s12+$0x20]  }
0x1e0: {  	v24 =	vld [tilespmem:s12+$0x30]  }
0x1e1: {  	v25 =	vld [tilespmem:s12+$0x40]  }
0x1e2: {  	v26 =	vld [tilespmem:s12+$0x50]  }
0x1e3: {  	v27 =	vld [tilespmem:s12+$0x60]  }
0x1e4: {  	v28 =	vld [tilespmem:s12+$0xFFFFFF80]  }
0x1e5: {  	v13 =	vld.idx.msk [tilespmem:v13+s5+$0x0], $0xffff  }
0x1e6: {  	v14 =	vld.idx.msk [tilespmem:v14+s5+$0x0], $0xffff  }
0x1e7: {  	v15 =	vld.idx.msk [tilespmem:v15+s5+$0x0], $0xffff  }
0x1e8: {  	v16 =	vld.idx.msk [tilespmem:v16+s5+$0x0], $0xffff  }
0x1e9: {  	v17 =	vld.idx.msk [tilespmem:v17+s5+$0x0], $0xffff  }
0x1ea: {  	s10 =	simm.s32 $0x1B7F0;
	v18 =	vld.idx.msk [tilespmem:v18+s5+$0x0], $0xffff  }
0x1eb: {  	v19 =	vld.idx.msk [tilespmem:v19+s5+$0x0], $0xffff;
	[tilespmem:s10+$0x0] =	vst v13  }
0x1ec: {  	v20 =	vld.idx.msk [tilespmem:v20+s5+$0x0], $0xffff;
	[tilespmem:s10+$0xFFFFFF20] =	vst v14  }
0x1ed: {  	v28 =	vld.idx.msk [tilespmem:v28+s5+$0x0], $0xffff;
	[tilespmem:s10+$0xFFFFFF30] =	vst v15  }
0x1ee: {  	v21 =	vld.idx.msk [tilespmem:v21+s5+$0x0], $0xffff;
	[tilespmem:s10+$0xFFFFFF40] =	vst v16  }
0x1ef: {  	[tilespmem:s10+$0xFFFFFF50] =	vst v17;
	v13 =	vld.idx.msk [tilespmem:v22+s5+$0x0], $0xffff  }
0x1f0: {  	[tilespmem:s10+$0xFFFFFF60] =	vst v18;
	v14 =	vld.idx.msk [tilespmem:v23+s5+$0x0], $0xffff  }
0x1f1: {  	[tilespmem:s10+$0xFFFFFF70] =	vst v19;
	v15 =	vld.idx.msk [tilespmem:v24+s5+$0x0], $0xffff  }
0x1f2: {  	[tilespmem:s10+$0xFFFFFF80] =	vst v20;
	v16 =	vld.idx.msk [tilespmem:v25+s5+$0x0], $0xffff  }
0x1f3: {  	[tilespmem:s10+$0xFFFFFF10] =	vst v28;
	v17 =	vld.idx.msk [tilespmem:v26+s5+$0x0], $0xffff  }
0x1f4: {  	s11 =	simm.s32 $0x0;
	s12 =	simm.s32 $0x1D880;
	[tilespmem:s10+$0xFFFFFF90] =	vst v21;
	v18 =	vld.idx.msk [tilespmem:v27+s5+$0x0], $0xffff  }
.LBB2_16:
0x1f5: {  	v19 =	vld [tilespmem:s12+$0x70];
	s11 =	sadd.s32 $0x100, s11;
	[tilespmem:s10+$0xFFFFFFA0] =	vst v13  }
0x1f6: {  	v13 =	vld [tilespmem:s12+$0xFFFFFF90];
	p2 =	slt.u32 s11, $0xF00;
	[tilespmem:s10+$0xFFFFFFB0] =	vst v14  }
0x1f7: {  	v14 =	vld [tilespmem:s12+$0xFFFFFFA0];
	[tilespmem:s10+$0xFFFFFFC0] =	vst v15  }
0x1f8: {  	v15 =	vld [tilespmem:s12+$0xFFFFFFB0];
	[tilespmem:s10+$0xFFFFFFD0] =	vst v16  }
0x1f9: {  	v16 =	vld [tilespmem:s12+$0xFFFFFFC0];
	[tilespmem:s10+$0xFFFFFFE0] =	vst v17  }
0x1fa: {  	v17 =	vld [tilespmem:s12+$0xFFFFFFD0];
	[tilespmem:s10+$0xFFFFFFF0] =	vst v18  }
0x1fb: {  	v18 =	vld [tilespmem:s12+$0xFFFFFFE0]  }
0x1fc: {  	v20 =	vld [tilespmem:s12+$0xFFFFFFF0]  }
0x1fd: {  	v19 =	vld.idx.msk [tilespmem:v19+s5+$0x0], $0xffff  }
0x1fe: {  	v21 =	vld [tilespmem:s12+$0x0]  }
0x1ff: {  	v22 =	vld [tilespmem:s12+$0x10]  }
0x200: {  	v23 =	vld [tilespmem:s12+$0x20]  }
0x201: {  	v24 =	vld [tilespmem:s12+$0x30]  }
0x202: {  	s10 =	sadd.s32 $0x100, s10;
	v25 =	vld [tilespmem:s12+$0x40]  }
0x203: {  	v26 =	vld [tilespmem:s12+$0x50];
	[tilespmem:s10+$0x0] =	vst v19  }
0x204: {  	v19 =	vld [tilespmem:s12+$0x60]  }
0x205: {  	v27 =	vld [tilespmem:s12+$0xFFFFFF80]  }
0x206: {  	v13 =	vld.idx.msk [tilespmem:v13+s5+$0x0], $0xffff  }
0x207: {  	v14 =	vld.idx.msk [tilespmem:v14+s5+$0x0], $0xffff  }
0x208: {  	v15 =	vld.idx.msk [tilespmem:v15+s5+$0x0], $0xffff  }
0x209: {  	v16 =	vld.idx.msk [tilespmem:v16+s5+$0x0], $0xffff  }
0x20a: {  	v17 =	vld.idx.msk [tilespmem:v17+s5+$0x0], $0xffff  }
0x20b: {  	v18 =	vld.idx.msk [tilespmem:v18+s5+$0x0], $0xffff  }
0x20c: {  	[tilespmem:s10+$0xFFFFFF20] =	vst v13;
	v20 =	vld.idx.msk [tilespmem:v20+s5+$0x0], $0xffff  }
0x20d: {  	v27 =	vld.idx.msk [tilespmem:v27+s5+$0x0], $0xffff;
	[tilespmem:s10+$0xFFFFFF30] =	vst v14  }
0x20e: {  	[tilespmem:s10+$0xFFFFFF40] =	vst v15;
	v21 =	vld.idx.msk [tilespmem:v21+s5+$0x0], $0xffff  }
0x20f: {  	[tilespmem:s10+$0xFFFFFF50] =	vst v16;
	v13 =	vld.idx.msk [tilespmem:v22+s5+$0x0], $0xffff  }
.Ltmp7:
0x210: {  	[tilespmem:s10+$0xFFFFFF60] =	vst v17;
	v14 =	vld.idx.msk [tilespmem:v23+s5+$0x0], $0xffff;
	(pc) =	sbr.rel @p2 .LBB2_16-.Ltmp7, $4  }
0x211: {  	[tilespmem:s10+$0xFFFFFF70] =	vst v18;
	v15 =	vld.idx.msk [tilespmem:v24+s5+$0x0], $0xffff  }
0x212: {  	[tilespmem:s10+$0xFFFFFF80] =	vst v20;
	v16 =	vld.idx.msk [tilespmem:v25+s5+$0x0], $0xffff  }
0x213: {  	[tilespmem:s10+$0xFFFFFF10] =	vst v27;
	v17 =	vld.idx.msk [tilespmem:v26+s5+$0x0], $0xffff  }
0x214: {  	s12 =	sadd.s32 $0x100, s12;
	[tilespmem:s10+$0xFFFFFF90] =	vst v21;
	v18 =	vld.idx.msk [tilespmem:v19+s5+$0x0], $0xffff  }
0x215: {  	[tilespmem:s10+$0xFFFFFFA0] =	vst v13  }
0x216: {  	[tilespmem:s10+$0xFFFFFFB0] =	vst v14  }
0x217: {  	[tilespmem:s10+$0xFFFFFFC0] =	vst v15  }
0x218: {  	[tilespmem:s10+$0xFFFFFFD0] =	vst v16  }
0x219: {  	[tilespmem:s10+$0xFFFFFFE0] =	vst v17  }
0x21a: {  	[tilespmem:s10+$0xFFFFFFF0] =	vst v18  }
0x21b: {  	s10 =	rddreg [dreg:$0xe]  }
0x21c: {  	[tilespmem:s5], [sflag:$0x1] =	stream.strided.gather [hbm4b:s10+s7], $0xC380, s20, s7, $0x38;
	[tilespmem:$0x1FB00] =	vst v63  }
0x21d: {  	_ = 	snop  }
0x21e: {  	[tilespmem:s1], [sflag:$0x2] =	stream.strided.gather [hbm4b:s13+s7], $0xC300, s20, s7, $0x38;
	[tilespmem:$0x1FB00] =	vst v63  }
0x21f: {  	_ =	swait.ge [sflag:s2], $0xC380  }
0x220: {  	[sflag:s2] =	ssyncset.done $0x0  }
0x221: {  	[sflag:s2] =	ssyncadd.s32 $0xFFFF3C80  }
0x222: {  	_ =	swait.ge [sflag:s3], $0xC300  }
0x223: {  	[sflag:s3] =	ssyncset.done $0x0  }
0x224: {  	[sflag:s3] =	ssyncadd.s32 $0xFFFF3D00  }
0x225: {  	v13 =	vld.idx.msk [tilespmem:v2+s31+$0x0], $0xffff;
	_ =	sdelay $0x4  }
0x226: {  	[tilespmem:$0x18680] =	vst v13  }
0x227: {  	v13 =	vld.idx.msk [tilespmem:v3+s31+$0x0], $0xffff;
	_ =	sdelay $0x4  }
0x228: {  	[tilespmem:$0x18690] =	vst v13  }
0x229: {  	[tilespmem:s9], [sflag:$0x3] =	stream.strided.gather [hbm4b:s18+s7], $0x1000, s8, s7, $0x38;
	[tilespmem:$0x1FB00] =	vst v63  }
0x22a: {  	_ =	swait.ge [sflag:s21], $0x1000  }
0x22b: {  	[sflag:s21] =	ssyncset.done $0x0  }
0x22c: {  	s12 =	simm.s32 $0x18780;
	[sflag:s21] =	ssyncadd.s32 $0xFFFFF000  }
0x22d: {  	[tilespmem:s6], [sflag:$0x3] =	stream.strided.gather [hbm4b:s28+s7], $0x1000, s8, s7, $0x38;
	[tilespmem:$0x1FB00] =	vst v63  }
0x22e: {  	v17 =	vld [tilespmem:s12+$0x60]  }
0x22f: {  	v18 =	vld [tilespmem:s12+$0x40]  }
0x230: {  	v16 =	vld [tilespmem:s12+$0x50]  }
0x231: {  	v13 =	vld [tilespmem:s12+$0x20]  }
0x232: {  	v20 =	vld [tilespmem:s12+$0x30]  }
0x233: {  	v14 =	vld [tilespmem:s12+$0x0]  }
0x234: {  	v15 =	vld [tilespmem:s12+$0x10]  }
0x235: {  	v19 =	vld [tilespmem:s12+$0xFFFFFFE0]  }
0x236: {  	s10 =	simm.s32 $0x1C780;
	v22 =	vld [tilespmem:s12+$0xFFFFFFF0]  }
0x237: {  	v24 =	vld [tilespmem:s10+$0x60]  }
0x238: {  	v26 =	vld [tilespmem:s10+$0x70]  }
0x239: {  	v21 =	vld [tilespmem:s12+$0xFFFFFFC0]  }
0x23a: {  	v23 =	vld [tilespmem:s12+$0xFFFFFFD0]  }
0x23b: {  	v25 =	vld [tilespmem:s10+$0x40]  }
0x23c: {  	v27 =	vld [tilespmem:s10+$0x50]  }
0x23d: {  	v28 =	vld [tilespmem:s12+$0xFFFFFFA0]  }
0x23e: {  	v29 =	vld [tilespmem:s12+$0xFFFFFFB0]  }
0x23f: {  	v30 =	vld [tilespmem:s10+$0x20]  }
0x240: {  	v31 =	vld [tilespmem:s10+$0x30]  }
0x241: {  	v32 =	vld [tilespmem:s12+$0xFFFFFF80]  }
0x242: {  	v33 =	vld [tilespmem:s12+$0xFFFFFF90]  }
0x243: {  	v34 =	vld [tilespmem:s10+$0x0]  }
0x244: {  	v35 =	vld [tilespmem:s10+$0x10]  }
0x245: {  	v36 =	vld [tilespmem:s10+$0xFFFFFF80]  }
0x246: {  	v37 =	vld [tilespmem:s10+$0xFFFFFF90]  }
0x247: {  	v38 =	vld [tilespmem:s10+$0xFFFFFFA0]  }
0x248: {  	v39 =	vld [tilespmem:s10+$0xFFFFFFB0]  }
0x249: {  	v40 =	vld [tilespmem:s10+$0xFFFFFFC0]  }
0x24a: {  	v41 =	vld [tilespmem:s10+$0xFFFFFFD0]  }
0x24b: {  	v42 =	vld [tilespmem:s10+$0xFFFFFFE0]  }
0x24c: {  	v43 =	vld [tilespmem:s10+$0xFFFFFFF0]  }
0x24d: {  	v36 =	vld.idx.msk [tilespmem:v36+s5+$0x0], $0xffff  }
0x24e: {  	v37 =	vld.idx.msk [tilespmem:v37+s5+$0x0], $0xffff  }
0x24f: {  	v38 =	vld.idx.msk [tilespmem:v38+s5+$0x0], $0xffff  }
0x250: {  	v39 =	vld.idx.msk [tilespmem:v39+s5+$0x0], $0xffff  }
0x251: {  	v40 =	vld.idx.msk [tilespmem:v40+s5+$0x0], $0xffff  }
0x252: {  	v41 =	vld.idx.msk [tilespmem:v41+s5+$0x0], $0xffff  }
0x253: {  	v42 =	vld.idx.msk [tilespmem:v42+s5+$0x0], $0xffff  }
0x254: {  	v61 =	vld.idx.msk [tilespmem:v43+s5+$0x0], $0xffff;
	v32 =	vmul.f32 v32, v36;
	v33 =	vmul.f32 v33, v37  }
0x255: {  	v62 =	vimm.f32 $0.0e+00;
	v34 =	vld.idx.msk [tilespmem:v34+s5+$0x0], $0xffff;
	v28 =	vmul.f32 v28, v38  }
0x256: {  	v35 =	vld.idx.msk [tilespmem:v35+s5+$0x0], $0xffff;
	v29 =	vmul.f32 v29, v39;
	v32 =	vadd.f32 v32, v62;
	v33 =	vadd.f32 v33, v62  }
0x257: {  	v63 =	vld.idx.msk [tilespmem:v30+s5+$0x0], $0xffff;
	v30 =	vmul.f32 v21, v40  }
0x258: {  	v21 =	vld.idx.msk [tilespmem:v31+s5+$0x0], $0xffff;
	v31 =	vmul.f32 v23, v41;
	v28 =	vadd.f32 v28, v32;
	v29 =	vadd.f32 v29, v33  }
0x259: {  	v25 =	vld.idx.msk [tilespmem:v25+s5+$0x0], $0xffff;
	v19 =	vmul.f32 v19, v42  }
0x25a: {  	v24 =	vld.idx.msk [tilespmem:v24+s5+$0x0], $0xffff;
	v28 =	vadd.f32 v30, v28;
	v30 =	vadd.f32 v31, v29;
	v31 =	vmul.f32 v22, v61  }
0x25b: {  	v23 =	vld.idx.msk [tilespmem:v27+s5+$0x0], $0xffff;
	v27 =	vmul.f32 v14, v34  }
0x25c: {  	v22 =	vld.idx.msk [tilespmem:v26+s5+$0x0], $0xffff;
	v29 =	vadd.f32 v19, v28;
	v30 =	vadd.f32 v31, v30;
	v31 =	vmul.f32 v15, v35  }
0x25d: {  	s11 =	simm.s32 $0x0;
	v26 =	vld [tilespmem:s12+$0x70];
	s12 =	simm.s32 $0x18880;
	v28 =	vmul.f32 v13, v63  }
.LBB2_18:
0x25e: {  	v13 =	vld [tilespmem:s12+$0x60];
	v14 =	vadd.f32 v27, v29;
	v15 =	vadd.f32 v31, v30;
	v19 =	vmul.f32 v20, v21  }
0x25f: {  	v21 =	vmul.f32 v18, v25;
	v18 =	vld [tilespmem:s12+$0x40]  }
0x260: {  	v14 =	vadd.f32 v28, v14;
	v15 =	vadd.f32 v19, v15;
	v19 =	vmul.f32 v16, v23;
	v16 =	vld [tilespmem:s12+$0x50]  }
0x261: {  	v23 =	vmul.f32 v17, v24;
	v28 =	vld [tilespmem:s12+$0x20]  }
0x262: {  	v20 =	vld [tilespmem:s12+$0x30];
	v14 =	vadd.f32 v21, v14;
	v15 =	vadd.f32 v19, v15;
	v19 =	vmul.f32 v26, v22  }
0x263: {  	v22 =	vld [tilespmem:s12+$0x0];
	v17 =	vmov v13  }
0x264: {  	v13 =	vld [tilespmem:s12+$0x10];
	v14 =	vadd.f32 v23, v14;
	v15 =	vadd.f32 v19, v15  }
0x265: {  	v19 =	vld [tilespmem:s12+$0xFFFFFFE0]  }
0x266: {  	s10 =	sadd.s32 $0x100, s10;
	v23 =	vld [tilespmem:s12+$0xFFFFFFF0]  }
0x267: {  	v24 =	vld [tilespmem:s10+$0x60]  }
0x268: {  	v26 =	vld [tilespmem:s10+$0x70]  }
0x269: {  	v21 =	vld [tilespmem:s12+$0xFFFFFFC0]  }
0x26a: {  	v25 =	vld [tilespmem:s12+$0xFFFFFFD0]  }
0x26b: {  	v27 =	vld [tilespmem:s10+$0x40]  }
0x26c: {  	v29 =	vld [tilespmem:s10+$0x50]  }
0x26d: {  	v30 =	vld [tilespmem:s12+$0xFFFFFFA0]  }
0x26e: {  	v31 =	vld [tilespmem:s12+$0xFFFFFFB0]  }
0x26f: {  	v32 =	vld [tilespmem:s10+$0x20]  }
0x270: {  	v33 =	vld [tilespmem:s10+$0x30]  }
0x271: {  	v34 =	vld [tilespmem:s12+$0xFFFFFF80]  }
0x272: {  	v35 =	vld [tilespmem:s12+$0xFFFFFF90]  }
0x273: {  	v36 =	vld [tilespmem:s10+$0x0]  }
0x274: {  	v37 =	vld [tilespmem:s10+$0x10]  }
0x275: {  	v38 =	vld [tilespmem:s10+$0xFFFFFF80]  }
0x276: {  	s11 =	sadd.s32 $0x100, s11;
	v39 =	vld [tilespmem:s10+$0xFFFFFF90]  }
0x277: {  	p2 =	slt.u32 s11, $0xF00;
	v40 =	vld [tilespmem:s10+$0xFFFFFFA0]  }
0x278: {  	v41 =	vld [tilespmem:s10+$0xFFFFFFB0]  }
0x279: {  	v42 =	vld [tilespmem:s10+$0xFFFFFFC0]  }
0x27a: {  	v43 =	vld [tilespmem:s10+$0xFFFFFFD0]  }
0x27b: {  	v44 =	vld [tilespmem:s10+$0xFFFFFFE0]  }
0x27c: {  	v45 =	vld [tilespmem:s10+$0xFFFFFFF0]  }
0x27d: {  	v38 =	vld.idx.msk [tilespmem:v38+s5+$0x0], $0xffff  }
0x27e: {  	v39 =	vld.idx.msk [tilespmem:v39+s5+$0x0], $0xffff  }
0x27f: {  	v40 =	vld.idx.msk [tilespmem:v40+s5+$0x0], $0xffff  }
0x280: {  	v41 =	vld.idx.msk [tilespmem:v41+s5+$0x0], $0xffff  }
0x281: {  	v42 =	vld.idx.msk [tilespmem:v42+s5+$0x0], $0xffff  }
0x282: {  	v43 =	vld.idx.msk [tilespmem:v43+s5+$0x0], $0xffff  }
0x283: {  	v44 =	vld.idx.msk [tilespmem:v44+s5+$0x0], $0xffff  }
0x284: {  	v34 =	vmul.f32 v34, v38;
	v35 =	vmul.f32 v35, v39;
	v38 =	vld.idx.msk [tilespmem:v45+s5+$0x0], $0xffff  }
0x285: {  	v30 =	vmul.f32 v30, v40;
	v36 =	vld.idx.msk [tilespmem:v36+s5+$0x0], $0xffff  }
0x286: {  	v14 =	vadd.f32 v34, v14;
	v15 =	vadd.f32 v35, v15;
	v31 =	vmul.f32 v31, v41;
	v34 =	vld.idx.msk [tilespmem:v37+s5+$0x0], $0xffff  }
0x287: {  	v35 =	vmul.f32 v21, v42;
	v32 =	vld.idx.msk [tilespmem:v32+s5+$0x0], $0xffff  }
0x288: {  	v14 =	vadd.f32 v30, v14;
	v15 =	vadd.f32 v31, v15;
	v30 =	vmul.f32 v25, v43;
	v21 =	vld.idx.msk [tilespmem:v33+s5+$0x0], $0xffff  }
.Ltmp8:
0x289: {  	v19 =	vmul.f32 v19, v44;
	v25 =	vld.idx.msk [tilespmem:v27+s5+$0x0], $0xffff;
	(pc) =	sbr.rel @p2 .LBB2_18-.Ltmp8, $4  }
0x28a: {  	v14 =	vadd.f32 v35, v14;
	v15 =	vadd.f32 v30, v15;
	v30 =	vmul.f32 v23, v38;
	v23 =	vld.idx.msk [tilespmem:v29+s5+$0x0], $0xffff  }
0x28b: {  	v27 =	vmul.f32 v22, v36;
	v24 =	vld.idx.msk [tilespmem:v24+s5+$0x0], $0xffff  }
0x28c: {  	v29 =	vadd.f32 v19, v14;
	v30 =	vadd.f32 v30, v15;
	v31 =	vmul.f32 v13, v34;
	v22 =	vld.idx.msk [tilespmem:v26+s5+$0x0], $0xffff  }
0x28d: {  	v28 =	vmul.f32 v28, v32;
	v26 =	vld [tilespmem:s12+$0x70];
	s12 =	sadd.s32 $0x100, s12  }
0x28e: {  	_ =	swait.ge [sflag:s21], $0x1000  }
0x28f: {  	[sflag:s21] =	ssyncset.done $0x0  }
0x290: {  	s12 =	simm.s32 $0x197F0;
	[sflag:s21] =	ssyncadd.s32 $0xFFFFF000  }
0x291: {  	[tilespmem:s9], [sflag:$0x3] =	stream.strided.gather [hbm4b:s29+s7], $0x1000, s8, s7, $0x38;
	[tilespmem:$0x1FB00] =	vst v63  }
0x292: {  	v14 =	vld [tilespmem:s12+$0xFFFFFFF0]  }
0x293: {  	v15 =	vld [tilespmem:s12+$0xFFFFFFD0]  }
0x294: {  	v13 =	vld [tilespmem:s12+$0xFFFFFFE0]  }
0x295: {  	v32 =	vld [tilespmem:s12+$0xFFFFFFB0]  }
0x296: {  	v19 =	vld [tilespmem:s12+$0xFFFFFFC0]  }
0x297: {  	v33 =	vld [tilespmem:s12+$0xFFFFFF90]  }
0x298: {  	v34 =	vld [tilespmem:s12+$0xFFFFFFA0]  }
0x299: {  	v35 =	vld [tilespmem:s12+$0xFFFFFF70]  }
0x29a: {  	s10 =	simm.s32 $0x1D780;
	v36 =	vld [tilespmem:s12+$0xFFFFFF80]  }
0x29b: {  	v37 =	vld [tilespmem:s10+$0x60]  }
0x29c: {  	v38 =	vld [tilespmem:s10+$0x70]  }
0x29d: {  	v39 =	vld [tilespmem:s12+$0xFFFFFF50]  }
0x29e: {  	v40 =	vld [tilespmem:s12+$0xFFFFFF60]  }
0x29f: {  	v41 =	vld [tilespmem:s10+$0x40]  }
0x2a0: {  	v42 =	vld [tilespmem:s10+$0x50]  }
0x2a1: {  	v43 =	vld [tilespmem:s12+$0xFFFFFF30]  }
0x2a2: {  	v44 =	vld [tilespmem:s12+$0xFFFFFF40]  }
0x2a3: {  	v45 =	vld [tilespmem:s10+$0x20]  }
0x2a4: {  	v46 =	vld [tilespmem:s10+$0x30]  }
0x2a5: {  	v47 =	vld [tilespmem:s12+$0xFFFFFF10]  }
0x2a6: {  	v48 =	vld [tilespmem:s12+$0xFFFFFF20]  }
0x2a7: {  	v49 =	vld [tilespmem:s10+$0x0]  }
0x2a8: {  	v50 =	vld [tilespmem:s10+$0x10]  }
0x2a9: {  	v51 =	vld [tilespmem:s10+$0xFFFFFF80]  }
0x2aa: {  	v52 =	vld [tilespmem:s10+$0xFFFFFF90]  }
0x2ab: {  	v53 =	vld [tilespmem:s10+$0xFFFFFFA0]  }
0x2ac: {  	v54 =	vld [tilespmem:s10+$0xFFFFFFB0]  }
0x2ad: {  	v55 =	vld [tilespmem:s10+$0xFFFFFFC0]  }
0x2ae: {  	v56 =	vld [tilespmem:s10+$0xFFFFFFD0]  }
0x2af: {  	v57 =	vld [tilespmem:s10+$0xFFFFFFE0]  }
0x2b0: {  	v58 =	vld [tilespmem:s10+$0xFFFFFFF0]  }
0x2b1: {  	v27 =	vadd.f32 v27, v29;
	v51 =	vld.idx.msk [tilespmem:v51+s5+$0x0], $0xffff  }
0x2b2: {  	v30 =	vadd.f32 v31, v30;
	v20 =	vmul.f32 v20, v21;
	v29 =	vld.idx.msk [tilespmem:v52+s5+$0x0], $0xffff  }
0x2b3: {  	v18 =	vmul.f32 v18, v25;
	v25 =	vadd.f32 v28, v27;
	v21 =	vld.idx.msk [tilespmem:v53+s5+$0x0], $0xffff  }
0x2b4: {  	v16 =	vmul.f32 v16, v23;
	v20 =	vadd.f32 v20, v30;
	v27 =	vld.idx.msk [tilespmem:v54+s5+$0x0], $0xffff  }
0x2b5: {  	v17 =	vmul.f32 v17, v24;
	v18 =	vadd.f32 v18, v25;
	v23 =	vld.idx.msk [tilespmem:v55+s5+$0x0], $0xffff  }
0x2b6: {  	v16 =	vadd.f32 v16, v20;
	v20 =	vmul.f32 v26, v22;
	v24 =	vld.idx.msk [tilespmem:v56+s5+$0x0], $0xffff  }
0x2b7: {  	v17 =	vadd.f32 v17, v18;
	v22 =	vld.idx.msk [tilespmem:v57+s5+$0x0], $0xffff  }
0x2b8: {  	v16 =	vadd.f32 v20, v16;
	v26 =	vld.idx.msk [tilespmem:v58+s5+$0x0], $0xffff;
	v18 =	vmul.f32 v47, v51;
	v20 =	vmul.f32 v48, v29  }
0x2b9: {  	v28 =	vld.idx.msk [tilespmem:v49+s5+$0x0], $0xffff;
	v21 =	vmul.f32 v43, v21  }
0x2ba: {  	v63 =	vld.idx.msk [tilespmem:v45+s5+$0x0], $0xffff;
	v17 =	vadd.f32 v18, v17;
	v16 =	vadd.f32 v20, v16;
	v20 =	vmul.f32 v44, v27  }
0x2bb: {  	v23 =	vmul.f32 v39, v23;
	v18 =	vld.idx.msk [tilespmem:v50+s5+$0x0], $0xffff  }
0x2bc: {  	v25 =	vld.idx.msk [tilespmem:v41+s5+$0x0], $0xffff;
	v17 =	vadd.f32 v21, v17;
	v16 =	vadd.f32 v20, v16;
	v20 =	vmul.f32 v40, v24  }
0x2bd: {  	v22 =	vmul.f32 v35, v22;
	v21 =	vld.idx.msk [tilespmem:v46+s5+$0x0], $0xffff  }
0x2be: {  	v24 =	vld.idx.msk [tilespmem:v37+s5+$0x0], $0xffff;
	v17 =	vadd.f32 v23, v17;
	v16 =	vadd.f32 v20, v16;
	v20 =	vmul.f32 v36, v26  }
0x2bf: {  	v27 =	vmul.f32 v33, v28;
	v23 =	vld.idx.msk [tilespmem:v42+s5+$0x0], $0xffff  }
0x2c0: {  	v26 =	vld [tilespmem:s12+$0x0];
	v31 =	vmul.f32 v34, v18;
	v29 =	vadd.f32 v22, v17;
	v30 =	vadd.f32 v20, v16  }
0x2c1: {  	s11 =	simm.s32 $0x0;
	v28 =	vmul.f32 v32, v63;
	s12 =	simm.s32 $0x198F0;
	v22 =	vld.idx.msk [tilespmem:v38+s5+$0x0], $0xffff  }
.LBB2_20:
0x2c2: {  	v16 =	vld [tilespmem:s12+$0xFFFFFFF0];
	v17 =	vadd.f32 v27, v29;
	v18 =	vadd.f32 v31, v30;
	v19 =	vmul.f32 v19, v21  }
0x2c3: {  	v20 =	vmul.f32 v15, v25;
	v15 =	vld [tilespmem:s12+$0xFFFFFFD0]  }
0x2c4: {  	v21 =	vmul.f32 v13, v23;
	v17 =	vadd.f32 v28, v17;
	v18 =	vadd.f32 v19, v18;
	v13 =	vld [tilespmem:s12+$0xFFFFFFE0]  }
0x2c5: {  	v23 =	vmul.f32 v14, v24;
	v28 =	vld [tilespmem:s12+$0xFFFFFFB0]  }
0x2c6: {  	v19 =	vld [tilespmem:s12+$0xFFFFFFC0];
	v17 =	vadd.f32 v20, v17;
	v18 =	vadd.f32 v21, v18;
	v20 =	vmul.f32 v26, v22  }
0x2c7: {  	v22 =	vld [tilespmem:s12+$0xFFFFFF90];
	v14 =	vmov v16  }
0x2c8: {  	v16 =	vld [tilespmem:s12+$0xFFFFFFA0];
	v17 =	vadd.f32 v23, v17;
	v18 =	vadd.f32 v20, v18  }
0x2c9: {  	v20 =	vld [tilespmem:s12+$0xFFFFFF70]  }
0x2ca: {  	s10 =	sadd.s32 $0x100, s10;
	v23 =	vld [tilespmem:s12+$0xFFFFFF80]  }
0x2cb: {  	v24 =	vld [tilespmem:s10+$0x60]  }
0x2cc: {  	v26 =	vld [tilespmem:s10+$0x70]  }
0x2cd: {  	v21 =	vld [tilespmem:s12+$0xFFFFFF50]  }
0x2ce: {  	v25 =	vld [tilespmem:s12+$0xFFFFFF60]  }
0x2cf: {  	v27 =	vld [tilespmem:s10+$0x40]  }
0x2d0: {  	v29 =	vld [tilespmem:s10+$0x50]  }
0x2d1: {  	v30 =	vld [tilespmem:s12+$0xFFFFFF30]  }
0x2d2: {  	v31 =	vld [tilespmem:s12+$0xFFFFFF40]  }
0x2d3: {  	v32 =	vld [tilespmem:s10+$0x20]  }
0x2d4: {  	v33 =	vld [tilespmem:s10+$0x30]  }
0x2d5: {  	v34 =	vld [tilespmem:s12+$0xFFFFFF10]  }
0x2d6: {  	v35 =	vld [tilespmem:s12+$0xFFFFFF20]  }
0x2d7: {  	v36 =	vld [tilespmem:s10+$0x0]  }
0x2d8: {  	v37 =	vld [tilespmem:s10+$0x10]  }
0x2d9: {  	v38 =	vld [tilespmem:s10+$0xFFFFFF80]  }
0x2da: {  	s11 =	sadd.s32 $0x100, s11;
	v39 =	vld [tilespmem:s10+$0xFFFFFF90]  }
0x2db: {  	p2 =	slt.u32 s11, $0xF00;
	v40 =	vld [tilespmem:s10+$0xFFFFFFA0]  }
0x2dc: {  	v41 =	vld [tilespmem:s10+$0xFFFFFFB0]  }
0x2dd: {  	v42 =	vld [tilespmem:s10+$0xFFFFFFC0]  }
0x2de: {  	v43 =	vld [tilespmem:s10+$0xFFFFFFD0]  }
0x2df: {  	v44 =	vld [tilespmem:s10+$0xFFFFFFE0]  }
0x2e0: {  	v45 =	vld [tilespmem:s10+$0xFFFFFFF0]  }
0x2e1: {  	v38 =	vld.idx.msk [tilespmem:v38+s5+$0x0], $0xffff  }
0x2e2: {  	v39 =	vld.idx.msk [tilespmem:v39+s5+$0x0], $0xffff  }
0x2e3: {  	v40 =	vld.idx.msk [tilespmem:v40+s5+$0x0], $0xffff  }
0x2e4: {  	v41 =	vld.idx.msk [tilespmem:v41+s5+$0x0], $0xffff  }
0x2e5: {  	v42 =	vld.idx.msk [tilespmem:v42+s5+$0x0], $0xffff  }
0x2e6: {  	v43 =	vld.idx.msk [tilespmem:v43+s5+$0x0], $0xffff  }
0x2e7: {  	v44 =	vld.idx.msk [tilespmem:v44+s5+$0x0], $0xffff  }
0x2e8: {  	v34 =	vmul.f32 v34, v38;
	v35 =	vmul.f32 v35, v39;
	v38 =	vld.idx.msk [tilespmem:v45+s5+$0x0], $0xffff  }
0x2e9: {  	v30 =	vmul.f32 v30, v40;
	v36 =	vld.idx.msk [tilespmem:v36+s5+$0x0], $0xffff  }
0x2ea: {  	v17 =	vadd.f32 v34, v17;
	v18 =	vadd.f32 v35, v18;
	v31 =	vmul.f32 v31, v41;
	v34 =	vld.idx.msk [tilespmem:v37+s5+$0x0], $0xffff  }
0x2eb: {  	v35 =	vmul.f32 v21, v42;
	v32 =	vld.idx.msk [tilespmem:v32+s5+$0x0], $0xffff  }
0x2ec: {  	v17 =	vadd.f32 v30, v17;
	v18 =	vadd.f32 v31, v18;
	v30 =	vmul.f32 v25, v43;
	v21 =	vld.idx.msk [tilespmem:v33+s5+$0x0], $0xffff  }
.Ltmp9:
0x2ed: {  	v20 =	vmul.f32 v20, v44;
	v25 =	vld.idx.msk [tilespmem:v27+s5+$0x0], $0xffff;
	(pc) =	sbr.rel @p2 .LBB2_20-.Ltmp9, $4  }
0x2ee: {  	v17 =	vadd.f32 v35, v17;
	v18 =	vadd.f32 v30, v18;
	v30 =	vmul.f32 v23, v38;
	v23 =	vld.idx.msk [tilespmem:v29+s5+$0x0], $0xffff  }
0x2ef: {  	v27 =	vmul.f32 v22, v36;
	v24 =	vld.idx.msk [tilespmem:v24+s5+$0x0], $0xffff  }
0x2f0: {  	v29 =	vadd.f32 v20, v17;
	v30 =	vadd.f32 v30, v18;
	v31 =	vmul.f32 v16, v34;
	v22 =	vld.idx.msk [tilespmem:v26+s5+$0x0], $0xffff  }
0x2f1: {  	v28 =	vmul.f32 v28, v32;
	v26 =	vld [tilespmem:s12+$0x0];
	s12 =	sadd.s32 $0x100, s12  }
0x2f2: {  	_ =	swait.ge [sflag:s21], $0x1000  }
0x2f3: {  	[sflag:s21] =	ssyncset.done $0x0  }
0x2f4: {  	s12 =	simm.s32 $0x1A7F0;
	[sflag:s21] =	ssyncadd.s32 $0xFFFFF000  }
0x2f5: {  	[tilespmem:s6], [sflag:$0x3] =	stream.strided.gather [hbm4b:s30+s7], $0x1000, s8, s7, $0x38;
	[tilespmem:$0x1FB00] =	vst v63  }
0x2f6: {  	v17 =	vld [tilespmem:s12+$0xFFFFFFF0]  }
0x2f7: {  	v18 =	vld [tilespmem:s12+$0xFFFFFFD0]  }
0x2f8: {  	v16 =	vld [tilespmem:s12+$0xFFFFFFE0]  }
0x2f9: {  	v32 =	vld [tilespmem:s12+$0xFFFFFFB0]  }
0x2fa: {  	v20 =	vld [tilespmem:s12+$0xFFFFFFC0]  }
0x2fb: {  	v33 =	vld [tilespmem:s12+$0xFFFFFF90]  }
0x2fc: {  	v34 =	vld [tilespmem:s12+$0xFFFFFFA0]  }
0x2fd: {  	v35 =	vld [tilespmem:s12+$0xFFFFFF70]  }
0x2fe: {  	s10 =	simm.s32 $0x1C780;
	v36 =	vld [tilespmem:s12+$0xFFFFFF80]  }
0x2ff: {  	v37 =	vld [tilespmem:s10+$0x60]  }
0x300: {  	v38 =	vld [tilespmem:s10+$0x70]  }
0x301: {  	v39 =	vld [tilespmem:s12+$0xFFFFFF50]  }
0x302: {  	v40 =	vld [tilespmem:s12+$0xFFFFFF60]  }
0x303: {  	v41 =	vld [tilespmem:s10+$0x40]  }
0x304: {  	v42 =	vld [tilespmem:s10+$0x50]  }
0x305: {  	v43 =	vld [tilespmem:s12+$0xFFFFFF30]  }
0x306: {  	v44 =	vld [tilespmem:s12+$0xFFFFFF40]  }
0x307: {  	v45 =	vld [tilespmem:s10+$0x20]  }
0x308: {  	v46 =	vld [tilespmem:s10+$0x30]  }
0x309: {  	v47 =	vld [tilespmem:s12+$0xFFFFFF10]  }
0x30a: {  	v48 =	vld [tilespmem:s12+$0xFFFFFF20]  }
0x30b: {  	v49 =	vld [tilespmem:s10+$0x0]  }
0x30c: {  	v50 =	vld [tilespmem:s10+$0x10]  }
0x30d: {  	v51 =	vld [tilespmem:s10+$0xFFFFFF80]  }
0x30e: {  	v52 =	vld [tilespmem:s10+$0xFFFFFF90]  }
0x30f: {  	v53 =	vld [tilespmem:s10+$0xFFFFFFA0]  }
0x310: {  	v54 =	vld [tilespmem:s10+$0xFFFFFFB0]  }
0x311: {  	v55 =	vld [tilespmem:s10+$0xFFFFFFC0]  }
0x312: {  	v56 =	vld [tilespmem:s10+$0xFFFFFFD0]  }
0x313: {  	v57 =	vld [tilespmem:s10+$0xFFFFFFE0]  }
0x314: {  	v58 =	vld [tilespmem:s10+$0xFFFFFFF0]  }
0x315: {  	v27 =	vadd.f32 v27, v29;
	v51 =	vld.idx.msk [tilespmem:v51+s5+$0x0], $0xffff  }
0x316: {  	v30 =	vadd.f32 v31, v30;
	v19 =	vmul.f32 v19, v21;
	v29 =	vld.idx.msk [tilespmem:v52+s5+$0x0], $0xffff  }
0x317: {  	v15 =	vmul.f32 v15, v25;
	v25 =	vadd.f32 v28, v27;
	v21 =	vld.idx.msk [tilespmem:v53+s5+$0x0], $0xffff  }
0x318: {  	v13 =	vmul.f32 v13, v23;
	v19 =	vadd.f32 v19, v30;
	v27 =	vld.idx.msk [tilespmem:v54+s5+$0x0], $0xffff  }
0x319: {  	v14 =	vmul.f32 v14, v24;
	v15 =	vadd.f32 v15, v25;
	v23 =	vld.idx.msk [tilespmem:v55+s5+$0x0], $0xffff  }
0x31a: {  	v13 =	vadd.f32 v13, v19;
	v19 =	vmul.f32 v26, v22;
	v24 =	vld.idx.msk [tilespmem:v56+s5+$0x0], $0xffff  }
0x31b: {  	v14 =	vadd.f32 v14, v15;
	v22 =	vld.idx.msk [tilespmem:v57+s5+$0x0], $0xffff  }
0x31c: {  	v13 =	vadd.f32 v19, v13;
	v26 =	vld.idx.msk [tilespmem:v58+s5+$0x0], $0xffff;
	v15 =	vmul.f32 v47, v51;
	v19 =	vmul.f32 v48, v29  }
0x31d: {  	v28 =	vld.idx.msk [tilespmem:v49+s5+$0x0], $0xffff;
	v21 =	vmul.f32 v43, v21  }
0x31e: {  	v63 =	vld.idx.msk [tilespmem:v45+s5+$0x0], $0xffff;
	v14 =	vadd.f32 v15, v14;
	v13 =	vadd.f32 v19, v13;
	v19 =	vmul.f32 v44, v27  }
0x31f: {  	v23 =	vmul.f32 v39, v23;
	v15 =	vld.idx.msk [tilespmem:v50+s5+$0x0], $0xffff  }
0x320: {  	v25 =	vld.idx.msk [tilespmem:v41+s5+$0x0], $0xffff;
	v14 =	vadd.f32 v21, v14;
	v13 =	vadd.f32 v19, v13;
	v19 =	vmul.f32 v40, v24  }
0x321: {  	v22 =	vmul.f32 v35, v22;
	v21 =	vld.idx.msk [tilespmem:v46+s5+$0x0], $0xffff  }
0x322: {  	v24 =	vld.idx.msk [tilespmem:v37+s5+$0x0], $0xffff;
	v14 =	vadd.f32 v23, v14;
	v13 =	vadd.f32 v19, v13;
	v19 =	vmul.f32 v36, v26  }
0x323: {  	v27 =	vmul.f32 v33, v28;
	v23 =	vld.idx.msk [tilespmem:v42+s5+$0x0], $0xffff  }
0x324: {  	v26 =	vld [tilespmem:s12+$0x0];
	v31 =	vmul.f32 v34, v15;
	v29 =	vadd.f32 v22, v14;
	v30 =	vadd.f32 v19, v13  }
0x325: {  	s11 =	simm.s32 $0x0;
	v28 =	vmul.f32 v32, v63;
	s12 =	simm.s32 $0x1A8F0;
	v22 =	vld.idx.msk [tilespmem:v38+s5+$0x0], $0xffff  }
.LBB2_22:
0x326: {  	v13 =	vld [tilespmem:s12+$0xFFFFFFF0];
	v14 =	vadd.f32 v27, v29;
	v15 =	vadd.f32 v31, v30;
	v19 =	vmul.f32 v20, v21  }
0x327: {  	v21 =	vmul.f32 v18, v25;
	v18 =	vld [tilespmem:s12+$0xFFFFFFD0]  }
0x328: {  	v14 =	vadd.f32 v28, v14;
	v15 =	vadd.f32 v19, v15;
	v19 =	vmul.f32 v16, v23;
	v16 =	vld [tilespmem:s12+$0xFFFFFFE0]  }
0x329: {  	v23 =	vmul.f32 v17, v24;
	v28 =	vld [tilespmem:s12+$0xFFFFFFB0]  }
0x32a: {  	v20 =	vld [tilespmem:s12+$0xFFFFFFC0];
	v14 =	vadd.f32 v21, v14;
	v15 =	vadd.f32 v19, v15;
	v19 =	vmul.f32 v26, v22  }
0x32b: {  	v22 =	vld [tilespmem:s12+$0xFFFFFF90];
	v17 =	vmov v13  }
0x32c: {  	v13 =	vld [tilespmem:s12+$0xFFFFFFA0];
	v14 =	vadd.f32 v23, v14;
	v15 =	vadd.f32 v19, v15  }
0x32d: {  	v19 =	vld [tilespmem:s12+$0xFFFFFF70]  }
0x32e: {  	s10 =	sadd.s32 $0x100, s10;
	v23 =	vld [tilespmem:s12+$0xFFFFFF80]  }
0x32f: {  	v24 =	vld [tilespmem:s10+$0x60]  }
0x330: {  	v26 =	vld [tilespmem:s10+$0x70]  }
0x331: {  	v21 =	vld [tilespmem:s12+$0xFFFFFF50]  }
0x332: {  	v25 =	vld [tilespmem:s12+$0xFFFFFF60]  }
0x333: {  	v27 =	vld [tilespmem:s10+$0x40]  }
0x334: {  	v29 =	vld [tilespmem:s10+$0x50]  }
0x335: {  	v30 =	vld [tilespmem:s12+$0xFFFFFF30]  }
0x336: {  	v31 =	vld [tilespmem:s12+$0xFFFFFF40]  }
0x337: {  	v32 =	vld [tilespmem:s10+$0x20]  }
0x338: {  	v33 =	vld [tilespmem:s10+$0x30]  }
0x339: {  	v34 =	vld [tilespmem:s12+$0xFFFFFF10]  }
0x33a: {  	v35 =	vld [tilespmem:s12+$0xFFFFFF20]  }
0x33b: {  	v36 =	vld [tilespmem:s10+$0x0]  }
0x33c: {  	v37 =	vld [tilespmem:s10+$0x10]  }
0x33d: {  	v38 =	vld [tilespmem:s10+$0xFFFFFF80]  }
0x33e: {  	s11 =	sadd.s32 $0x100, s11;
	v39 =	vld [tilespmem:s10+$0xFFFFFF90]  }
0x33f: {  	p2 =	slt.u32 s11, $0xF00;
	v40 =	vld [tilespmem:s10+$0xFFFFFFA0]  }
0x340: {  	v41 =	vld [tilespmem:s10+$0xFFFFFFB0]  }
0x341: {  	v42 =	vld [tilespmem:s10+$0xFFFFFFC0]  }
0x342: {  	v43 =	vld [tilespmem:s10+$0xFFFFFFD0]  }
0x343: {  	v44 =	vld [tilespmem:s10+$0xFFFFFFE0]  }
0x344: {  	v45 =	vld [tilespmem:s10+$0xFFFFFFF0]  }
0x345: {  	v38 =	vld.idx.msk [tilespmem:v38+s5+$0x0], $0xffff  }
0x346: {  	v39 =	vld.idx.msk [tilespmem:v39+s5+$0x0], $0xffff  }
0x347: {  	v40 =	vld.idx.msk [tilespmem:v40+s5+$0x0], $0xffff  }
0x348: {  	v41 =	vld.idx.msk [tilespmem:v41+s5+$0x0], $0xffff  }
0x349: {  	v42 =	vld.idx.msk [tilespmem:v42+s5+$0x0], $0xffff  }
0x34a: {  	v43 =	vld.idx.msk [tilespmem:v43+s5+$0x0], $0xffff  }
0x34b: {  	v44 =	vld.idx.msk [tilespmem:v44+s5+$0x0], $0xffff  }
0x34c: {  	v34 =	vmul.f32 v34, v38;
	v35 =	vmul.f32 v35, v39;
	v38 =	vld.idx.msk [tilespmem:v45+s5+$0x0], $0xffff  }
0x34d: {  	v30 =	vmul.f32 v30, v40;
	v36 =	vld.idx.msk [tilespmem:v36+s5+$0x0], $0xffff  }
0x34e: {  	v14 =	vadd.f32 v34, v14;
	v15 =	vadd.f32 v35, v15;
	v31 =	vmul.f32 v31, v41;
	v34 =	vld.idx.msk [tilespmem:v37+s5+$0x0], $0xffff  }
0x34f: {  	v35 =	vmul.f32 v21, v42;
	v32 =	vld.idx.msk [tilespmem:v32+s5+$0x0], $0xffff  }
0x350: {  	v14 =	vadd.f32 v30, v14;
	v15 =	vadd.f32 v31, v15;
	v30 =	vmul.f32 v25, v43;
	v21 =	vld.idx.msk [tilespmem:v33+s5+$0x0], $0xffff  }
.Ltmp10:
0x351: {  	v19 =	vmul.f32 v19, v44;
	v25 =	vld.idx.msk [tilespmem:v27+s5+$0x0], $0xffff;
	(pc) =	sbr.rel @p2 .LBB2_22-.Ltmp10, $4  }
0x352: {  	v14 =	vadd.f32 v35, v14;
	v15 =	vadd.f32 v30, v15;
	v30 =	vmul.f32 v23, v38;
	v23 =	vld.idx.msk [tilespmem:v29+s5+$0x0], $0xffff  }
0x353: {  	v27 =	vmul.f32 v22, v36;
	v24 =	vld.idx.msk [tilespmem:v24+s5+$0x0], $0xffff  }
0x354: {  	v29 =	vadd.f32 v19, v14;
	v30 =	vadd.f32 v30, v15;
	v31 =	vmul.f32 v13, v34;
	v22 =	vld.idx.msk [tilespmem:v26+s5+$0x0], $0xffff  }
0x355: {  	v28 =	vmul.f32 v28, v32;
	v26 =	vld [tilespmem:s12+$0x0];
	s12 =	sadd.s32 $0x100, s12  }
0x356: {  	_ =	swait.ge [sflag:s21], $0x1000  }
0x357: {  	[sflag:s21] =	ssyncset.done $0x0  }
0x358: {  	s12 =	simm.s32 $0x1B7F0;
	[sflag:s21] =	ssyncadd.s32 $0xFFFFF000  }
0x359: {  	v14 =	vld [tilespmem:s12+$0xFFFFFFF0]  }
0x35a: {  	v15 =	vld [tilespmem:s12+$0xFFFFFFD0]  }
0x35b: {  	v13 =	vld [tilespmem:s12+$0xFFFFFFE0]  }
0x35c: {  	v32 =	vld [tilespmem:s12+$0xFFFFFFB0]  }
0x35d: {  	v19 =	vld [tilespmem:s12+$0xFFFFFFC0]  }
0x35e: {  	v33 =	vld [tilespmem:s12+$0xFFFFFF90]  }
0x35f: {  	v34 =	vld [tilespmem:s12+$0xFFFFFFA0]  }
0x360: {  	v35 =	vld [tilespmem:s12+$0xFFFFFF70]  }
0x361: {  	s10 =	simm.s32 $0x1D780;
	v36 =	vld [tilespmem:s12+$0xFFFFFF80]  }
0x362: {  	v37 =	vld [tilespmem:s10+$0x60]  }
0x363: {  	v38 =	vld [tilespmem:s10+$0x70]  }
0x364: {  	v39 =	vld [tilespmem:s12+$0xFFFFFF50]  }
0x365: {  	v40 =	vld [tilespmem:s12+$0xFFFFFF60]  }
0x366: {  	v41 =	vld [tilespmem:s10+$0x40]  }
0x367: {  	v42 =	vld [tilespmem:s10+$0x50]  }
0x368: {  	v43 =	vld [tilespmem:s12+$0xFFFFFF30]  }
0x369: {  	v44 =	vld [tilespmem:s12+$0xFFFFFF40]  }
0x36a: {  	v45 =	vld [tilespmem:s10+$0x20]  }
0x36b: {  	v46 =	vld [tilespmem:s10+$0x30]  }
0x36c: {  	v47 =	vld [tilespmem:s12+$0xFFFFFF10]  }
0x36d: {  	v48 =	vld [tilespmem:s12+$0xFFFFFF20]  }
0x36e: {  	v49 =	vld [tilespmem:s10+$0x0]  }
0x36f: {  	v50 =	vld [tilespmem:s10+$0x10]  }
0x370: {  	v51 =	vld [tilespmem:s10+$0xFFFFFF80]  }
0x371: {  	v52 =	vld [tilespmem:s10+$0xFFFFFF90]  }
0x372: {  	v53 =	vld [tilespmem:s10+$0xFFFFFFA0]  }
0x373: {  	v54 =	vld [tilespmem:s10+$0xFFFFFFB0]  }
0x374: {  	v55 =	vld [tilespmem:s10+$0xFFFFFFC0]  }
0x375: {  	v56 =	vld [tilespmem:s10+$0xFFFFFFD0]  }
0x376: {  	v57 =	vld [tilespmem:s10+$0xFFFFFFE0]  }
0x377: {  	v58 =	vld [tilespmem:s10+$0xFFFFFFF0]  }
0x378: {  	v27 =	vadd.f32 v27, v29;
	v51 =	vld.idx.msk [tilespmem:v51+s5+$0x0], $0xffff  }
0x379: {  	v30 =	vadd.f32 v31, v30;
	v20 =	vmul.f32 v20, v21;
	v29 =	vld.idx.msk [tilespmem:v52+s5+$0x0], $0xffff  }
0x37a: {  	v18 =	vmul.f32 v18, v25;
	v25 =	vadd.f32 v28, v27;
	v21 =	vld.idx.msk [tilespmem:v53+s5+$0x0], $0xffff  }
0x37b: {  	v16 =	vmul.f32 v16, v23;
	v20 =	vadd.f32 v20, v30;
	v27 =	vld.idx.msk [tilespmem:v54+s5+$0x0], $0xffff  }
0x37c: {  	v17 =	vmul.f32 v17, v24;
	v18 =	vadd.f32 v18, v25;
	v23 =	vld.idx.msk [tilespmem:v55+s5+$0x0], $0xffff  }
0x37d: {  	v16 =	vadd.f32 v16, v20;
	v20 =	vmul.f32 v26, v22;
	v24 =	vld.idx.msk [tilespmem:v56+s5+$0x0], $0xffff  }
0x37e: {  	v17 =	vadd.f32 v17, v18;
	v22 =	vld.idx.msk [tilespmem:v57+s5+$0x0], $0xffff  }
0x37f: {  	v16 =	vadd.f32 v20, v16;
	v25 =	vld.idx.msk [tilespmem:v58+s5+$0x0], $0xffff;
	v18 =	vmul.f32 v47, v51;
	v20 =	vmul.f32 v48, v29  }
0x380: {  	v26 =	vld.idx.msk [tilespmem:v49+s5+$0x0], $0xffff;
	v21 =	vmul.f32 v43, v21  }
0x381: {  	v28 =	vld.idx.msk [tilespmem:v50+s5+$0x0], $0xffff;
	v17 =	vadd.f32 v18, v17;
	v16 =	vadd.f32 v20, v16;
	v18 =	vmul.f32 v44, v27  }
0x382: {  	v29 =	vld.idx.msk [tilespmem:v45+s5+$0x0], $0xffff;
	v23 =	vmul.f32 v39, v23  }
0x383: {  	v24 =	vmul.f32 v40, v24;
	v20 =	vld.idx.msk [tilespmem:v46+s5+$0x0], $0xffff;
	v17 =	vadd.f32 v21, v17;
	v16 =	vadd.f32 v18, v16  }
0x384: {  	v22 =	vmul.f32 v35, v22;
	v21 =	vld.idx.msk [tilespmem:v41+s5+$0x0], $0xffff  }
0x385: {  	v63 =	vmul.f32 v36, v25;
	v18 =	vld.idx.msk [tilespmem:v42+s5+$0x0], $0xffff;
	v23 =	vadd.f32 v23, v17;
	v27 =	vadd.f32 v24, v16  }
0x386: {  	v17 =	vld.idx.msk [tilespmem:v37+s5+$0x0], $0xffff;
	v24 =	vmul.f32 v33, v26  }
0x387: {  	v16 =	vld.idx.msk [tilespmem:v38+s5+$0x0], $0xffff;
	v25 =	vadd.f32 v22, v23;
	v26 =	vadd.f32 v63, v27;
	v27 =	vmul.f32 v34, v28  }
0x388: {  	s11 =	simm.s32 $0x0;
	v23 =	vmul.f32 v32, v29;
	v22 =	vld [tilespmem:s12+$0x0];
	s12 =	simm.s32 $0x1B8F0  }
.LBB2_24:
0x389: {  	v28 =	vld [tilespmem:s12+$0xFFFFFFF0];
	v24 =	vadd.f32 v24, v25;
	v25 =	vadd.f32 v27, v26;
	v19 =	vmul.f32 v19, v20  }
0x38a: {  	v20 =	vmul.f32 v15, v21;
	v15 =	vld [tilespmem:s12+$0xFFFFFFD0]  }
0x38b: {  	v18 =	vmul.f32 v13, v18;
	v21 =	vadd.f32 v23, v24;
	v23 =	vadd.f32 v19, v25;
	v13 =	vld [tilespmem:s12+$0xFFFFFFE0]  }
0x38c: {  	v17 =	vmul.f32 v14, v17;
	v29 =	vld [tilespmem:s12+$0xFFFFFFB0]  }
0x38d: {  	v19 =	vld [tilespmem:s12+$0xFFFFFFC0];
	v20 =	vadd.f32 v20, v21;
	v18 =	vadd.f32 v18, v23;
	v16 =	vmul.f32 v22, v16  }
0x38e: {  	v22 =	vld [tilespmem:s12+$0xFFFFFF90];
	v14 =	vmov v28  }
0x38f: {  	v23 =	vld [tilespmem:s12+$0xFFFFFFA0];
	v17 =	vadd.f32 v17, v20;
	v16 =	vadd.f32 v16, v18  }
0x390: {  	v18 =	vld [tilespmem:s12+$0xFFFFFF70]  }
0x391: {  	s10 =	sadd.s32 $0x100, s10;
	v24 =	vld [tilespmem:s12+$0xFFFFFF80]  }
0x392: {  	v25 =	vld [tilespmem:s10+$0x60]  }
0x393: {  	v28 =	vld [tilespmem:s10+$0x70]  }
0x394: {  	v20 =	vld [tilespmem:s12+$0xFFFFFF50]  }
0x395: {  	v21 =	vld [tilespmem:s12+$0xFFFFFF60]  }
0x396: {  	v26 =	vld [tilespmem:s10+$0x40]  }
0x397: {  	v27 =	vld [tilespmem:s10+$0x50]  }
0x398: {  	v30 =	vld [tilespmem:s12+$0xFFFFFF30]  }
0x399: {  	v31 =	vld [tilespmem:s12+$0xFFFFFF40]  }
0x39a: {  	v32 =	vld [tilespmem:s10+$0x20]  }
0x39b: {  	v33 =	vld [tilespmem:s10+$0x30]  }
0x39c: {  	v34 =	vld [tilespmem:s12+$0xFFFFFF10]  }
0x39d: {  	v35 =	vld [tilespmem:s12+$0xFFFFFF20]  }
0x39e: {  	v36 =	vld [tilespmem:s10+$0x0]  }
0x39f: {  	v37 =	vld [tilespmem:s10+$0x10]  }
0x3a0: {  	v38 =	vld [tilespmem:s10+$0xFFFFFF80]  }
0x3a1: {  	s11 =	sadd.s32 $0x100, s11;
	v39 =	vld [tilespmem:s10+$0xFFFFFF90]  }
0x3a2: {  	p2 =	slt.u32 s11, $0xF00;
	v40 =	vld [tilespmem:s10+$0xFFFFFFA0]  }
0x3a3: {  	v41 =	vld [tilespmem:s10+$0xFFFFFFB0]  }
0x3a4: {  	v42 =	vld [tilespmem:s10+$0xFFFFFFC0]  }
0x3a5: {  	v43 =	vld [tilespmem:s10+$0xFFFFFFD0]  }
0x3a6: {  	v44 =	vld [tilespmem:s10+$0xFFFFFFE0]  }
0x3a7: {  	v45 =	vld [tilespmem:s10+$0xFFFFFFF0]  }
0x3a8: {  	v38 =	vld.idx.msk [tilespmem:v38+s5+$0x0], $0xffff  }
0x3a9: {  	v39 =	vld.idx.msk [tilespmem:v39+s5+$0x0], $0xffff  }
0x3aa: {  	v40 =	vld.idx.msk [tilespmem:v40+s5+$0x0], $0xffff  }
0x3ab: {  	v41 =	vld.idx.msk [tilespmem:v41+s5+$0x0], $0xffff  }
0x3ac: {  	v42 =	vld.idx.msk [tilespmem:v42+s5+$0x0], $0xffff  }
0x3ad: {  	v43 =	vld.idx.msk [tilespmem:v43+s5+$0x0], $0xffff  }
0x3ae: {  	v44 =	vld.idx.msk [tilespmem:v44+s5+$0x0], $0xffff  }
0x3af: {  	v34 =	vmul.f32 v34, v38;
	v35 =	vmul.f32 v35, v39;
	v38 =	vld.idx.msk [tilespmem:v45+s5+$0x0], $0xffff  }
0x3b0: {  	v30 =	vmul.f32 v30, v40;
	v36 =	vld.idx.msk [tilespmem:v36+s5+$0x0], $0xffff  }
0x3b1: {  	v17 =	vadd.f32 v34, v17;
	v16 =	vadd.f32 v35, v16;
	v31 =	vmul.f32 v31, v41;
	v34 =	vld.idx.msk [tilespmem:v37+s5+$0x0], $0xffff  }
0x3b2: {  	v35 =	vmul.f32 v20, v42;
	v32 =	vld.idx.msk [tilespmem:v32+s5+$0x0], $0xffff  }
0x3b3: {  	v17 =	vadd.f32 v30, v17;
	v16 =	vadd.f32 v31, v16;
	v30 =	vmul.f32 v21, v43;
	v20 =	vld.idx.msk [tilespmem:v33+s5+$0x0], $0xffff  }
.Ltmp11:
0x3b4: {  	v31 =	vmul.f32 v18, v44;
	v21 =	vld.idx.msk [tilespmem:v26+s5+$0x0], $0xffff;
	(pc) =	sbr.rel @p2 .LBB2_24-.Ltmp11, $4  }
0x3b5: {  	v26 =	vadd.f32 v35, v17;
	v16 =	vadd.f32 v30, v16;
	v30 =	vmul.f32 v24, v38;
	v18 =	vld.idx.msk [tilespmem:v27+s5+$0x0], $0xffff  }
0x3b6: {  	v24 =	vmul.f32 v22, v36;
	v17 =	vld.idx.msk [tilespmem:v25+s5+$0x0], $0xffff  }
0x3b7: {  	v25 =	vadd.f32 v31, v26;
	v26 =	vadd.f32 v30, v16;
	v27 =	vmul.f32 v23, v34;
	v16 =	vld.idx.msk [tilespmem:v28+s5+$0x0], $0xffff  }
0x3b8: {  	v23 =	vmul.f32 v29, v32;
	v22 =	vld [tilespmem:s12+$0x0];
	s12 =	sadd.s32 $0x100, s12  }
0x3b9: {  	[tilespmem:s5], [sflag:$0x1] =	stream.strided.gather [hbm4b:s14+s7], $0xC380, s20, s7, $0x38;
	[tilespmem:$0x1FB00] =	vst v63  }
0x3ba: {  	_ = 	snop  }
0x3bb: {  	[tilespmem:s1], [sflag:$0x2] =	stream.strided.gather [hbm4b:s15+s7], $0xC300, s20, s7, $0x38;
	[tilespmem:$0x1FB00] =	vst v63  }
0x3bc: {  	_ =	swait.ge [sflag:s2], $0xC380  }
0x3bd: {  	[sflag:s2] =	ssyncset.done $0x0  }
0x3be: {  	[sflag:s2] =	ssyncadd.s32 $0xFFFF3C80  }
0x3bf: {  	_ =	swait.ge [sflag:s3], $0xC300  }
0x3c0: {  	[sflag:s3] =	ssyncset.done $0x0  }
0x3c1: {  	[sflag:s3] =	ssyncadd.s32 $0xFFFF3D00  }
0x3c2: {  	v28 =	vld.idx.msk [tilespmem:v4+s31+$0x0], $0xffff;
	_ =	sdelay $0x4  }
0x3c3: {  	[tilespmem:$0x18680] =	vst v28  }
0x3c4: {  	v28 =	vld.idx.msk [tilespmem:v5+s31+$0x0], $0xffff;
	_ =	sdelay $0x4  }
0x3c5: {  	[tilespmem:$0x18690] =	vst v28  }
0x3c6: {  	[tilespmem:s9], [sflag:$0x3] =	stream.strided.gather [hbm4b:s0+s7], $0x1000, s8, s7, $0x38;
	[tilespmem:$0x1FB00] =	vst v63  }
0x3c7: {  	_ =	swait.ge [sflag:s21], $0x1000  }
0x3c8: {  	[sflag:s21] =	ssyncset.done $0x0  }
0x3c9: {  	s10 =	simm.s32 $0x1C780;
	[sflag:s21] =	ssyncadd.s32 $0xFFFFF000  }
0x3ca: {  	[tilespmem:s6], [sflag:$0x3] =	stream.strided.gather [hbm4b:s24+s7], $0x1000, s8, s7, $0x38;
	[tilespmem:$0x1FB00] =	vst v63  }
0x3cb: {  	v60 =	vld [tilespmem:s10+$0x70]  }
0x3cc: {  	v29 =	vld [tilespmem:s10+$0xFFFFFF90]  }
0x3cd: {  	v30 =	vld [tilespmem:s10+$0xFFFFFFA0]  }
0x3ce: {  	v31 =	vld [tilespmem:s10+$0xFFFFFFB0]  }
0x3cf: {  	v32 =	vld [tilespmem:s10+$0xFFFFFFC0]  }
0x3d0: {  	v33 =	vld [tilespmem:s10+$0xFFFFFFD0]  }
0x3d1: {  	v34 =	vld [tilespmem:s10+$0xFFFFFFE0]  }
0x3d2: {  	v35 =	vld [tilespmem:s10+$0xFFFFFFF0]  }
0x3d3: {  	v36 =	vld [tilespmem:s10+$0x0]  }
0x3d4: {  	v37 =	vld [tilespmem:s10+$0x10]  }
0x3d5: {  	v38 =	vld [tilespmem:s10+$0x20]  }
0x3d6: {  	v39 =	vld [tilespmem:s10+$0x30]  }
0x3d7: {  	v40 =	vld [tilespmem:s10+$0x40]  }
0x3d8: {  	v41 =	vld [tilespmem:s10+$0x50]  }
0x3d9: {  	v42 =	vld [tilespmem:s10+$0x60]  }
0x3da: {  	v43 =	vld [tilespmem:s10+$0xFFFFFF80]  }
0x3db: {  	v28 =	vld.idx.msk [tilespmem:v60+s5+$0x0], $0xffff  }
0x3dc: {  	v29 =	vld.idx.msk [tilespmem:v29+s5+$0x0], $0xffff  }
0x3dd: {  	v30 =	vld.idx.msk [tilespmem:v30+s5+$0x0], $0xffff  }
0x3de: {  	v31 =	vld.idx.msk [tilespmem:v31+s5+$0x0], $0xffff  }
0x3df: {  	v32 =	vld.idx.msk [tilespmem:v32+s5+$0x0], $0xffff  }
0x3e0: {  	s10 =	simm.s32 $0x18780;
	v33 =	vld.idx.msk [tilespmem:v33+s5+$0x0], $0xffff  }
0x3e1: {  	v61 =	vld.idx.msk [tilespmem:v34+s5+$0x0], $0xffff;
	[tilespmem:s10+$0x70] =	vst v28  }
0x3e2: {  	v62 =	vld.idx.msk [tilespmem:v35+s5+$0x0], $0xffff;
	[tilespmem:s10+$0xFFFFFF90] =	vst v29  }
0x3e3: {  	v24 =	vadd.f32 v24, v25;
	v63 =	vld.idx.msk [tilespmem:v43+s5+$0x0], $0xffff;
	[tilespmem:s10+$0xFFFFFFA0] =	vst v30  }
0x3e4: {  	v26 =	vadd.f32 v27, v26;
	v19 =	vmul.f32 v19, v20;
	v20 =	vld.idx.msk [tilespmem:v36+s5+$0x0], $0xffff;
	[tilespmem:s10+$0xFFFFFFB0] =	vst v31  }
0x3e5: {  	v21 =	vmul.f32 v15, v21;
	v23 =	vadd.f32 v23, v24;
	v15 =	vld.idx.msk [tilespmem:v37+s5+$0x0], $0xffff;
	[tilespmem:s10+$0xFFFFFFC0] =	vst v32  }
0x3e6: {  	v13 =	vmul.f32 v13, v18;
	v19 =	vadd.f32 v19, v26;
	v18 =	vld.idx.msk [tilespmem:v38+s5+$0x0], $0xffff;
	[tilespmem:s10+$0xFFFFFFD0] =	vst v33  }
0x3e7: {  	v14 =	vmul.f32 v14, v17;
	v21 =	vadd.f32 v21, v23;
	v17 =	vld.idx.msk [tilespmem:v39+s5+$0x0], $0xffff;
	[tilespmem:s10+$0xFFFFFFE0] =	vst v61  }
0x3e8: {  	v13 =	vadd.f32 v13, v19;
	v22 =	vmul.f32 v22, v16;
	v16 =	vld.idx.msk [tilespmem:v40+s5+$0x0], $0xffff;
	[tilespmem:s10+$0xFFFFFFF0] =	vst v62  }
0x3e9: {  	v19 =	vld.idx.msk [tilespmem:v41+s5+$0x0], $0xffff;
	[tilespmem:s10+$0xFFFFFF80] =	vst v63  }
0x3ea: {  	s11 =	simm.s32 $0x0;
	s12 =	simm.s32 $0x1C880;
	v14 =	vadd.f32 v14, v21;
	v13 =	vadd.f32 v22, v13;
	[tilespmem:s10+$0x0] =	vst v20;
	v20 =	vld.idx.msk [tilespmem:v42+s5+$0x0], $0xffff  }
.LBB2_26:
0x3eb: {  	v21 =	vld [tilespmem:s12+$0x70];
	s11 =	sadd.s32 $0x100, s11;
	[tilespmem:s10+$0x10] =	vst v15  }
0x3ec: {  	v15 =	vld [tilespmem:s12+$0xFFFFFF90];
	p2 =	slt.u32 s11, $0xF00;
	[tilespmem:s10+$0x20] =	vst v18  }
0x3ed: {  	v18 =	vld [tilespmem:s12+$0xFFFFFFA0];
	[tilespmem:s10+$0x30] =	vst v17  }
0x3ee: {  	v17 =	vld [tilespmem:s12+$0xFFFFFFB0];
	[tilespmem:s10+$0x40] =	vst v16  }
0x3ef: {  	v16 =	vld [tilespmem:s12+$0xFFFFFFC0];
	[tilespmem:s10+$0x50] =	vst v19  }
0x3f0: {  	v19 =	vld [tilespmem:s12+$0xFFFFFFD0];
	[tilespmem:s10+$0x60] =	vst v20  }
0x3f1: {  	v20 =	vld [tilespmem:s12+$0xFFFFFFE0]  }
0x3f2: {  	v22 =	vld [tilespmem:s12+$0xFFFFFFF0]  }
0x3f3: {  	v21 =	vld.idx.msk [tilespmem:v21+s5+$0x0], $0xffff  }
0x3f4: {  	v23 =	vld [tilespmem:s12+$0x0]  }
0x3f5: {  	v24 =	vld [tilespmem:s12+$0x10]  }
0x3f6: {  	v25 =	vld [tilespmem:s12+$0x20]  }
0x3f7: {  	v26 =	vld [tilespmem:s12+$0x30]  }
0x3f8: {  	s10 =	sadd.s32 $0x100, s10;
	v27 =	vld [tilespmem:s12+$0x40]  }
0x3f9: {  	v28 =	vld [tilespmem:s12+$0x50];
	[tilespmem:s10+$0x70] =	vst v21  }
0x3fa: {  	v21 =	vld [tilespmem:s12+$0x60]  }
0x3fb: {  	v29 =	vld [tilespmem:s12+$0xFFFFFF80]  }
0x3fc: {  	v15 =	vld.idx.msk [tilespmem:v15+s5+$0x0], $0xffff  }
0x3fd: {  	v18 =	vld.idx.msk [tilespmem:v18+s5+$0x0], $0xffff  }
0x3fe: {  	v17 =	vld.idx.msk [tilespmem:v17+s5+$0x0], $0xffff  }
0x3ff: {  	v16 =	vld.idx.msk [tilespmem:v16+s5+$0x0], $0xffff  }
0x400: {  	v19 =	vld.idx.msk [tilespmem:v19+s5+$0x0], $0xffff  }
0x401: {  	v20 =	vld.idx.msk [tilespmem:v20+s5+$0x0], $0xffff  }
0x402: {  	[tilespmem:s10+$0xFFFFFF90] =	vst v15;
	v22 =	vld.idx.msk [tilespmem:v22+s5+$0x0], $0xffff  }
0x403: {  	v29 =	vld.idx.msk [tilespmem:v29+s5+$0x0], $0xffff;
	[tilespmem:s10+$0xFFFFFFA0] =	vst v18  }
0x404: {  	[tilespmem:s10+$0xFFFFFFB0] =	vst v17;
	v23 =	vld.idx.msk [tilespmem:v23+s5+$0x0], $0xffff  }
0x405: {  	[tilespmem:s10+$0xFFFFFFC0] =	vst v16;
	v15 =	vld.idx.msk [tilespmem:v24+s5+$0x0], $0xffff  }
.Ltmp12:
0x406: {  	[tilespmem:s10+$0xFFFFFFD0] =	vst v19;
	v18 =	vld.idx.msk [tilespmem:v25+s5+$0x0], $0xffff;
	(pc) =	sbr.rel @p2 .LBB2_26-.Ltmp12, $4  }
0x407: {  	[tilespmem:s10+$0xFFFFFFE0] =	vst v20;
	v17 =	vld.idx.msk [tilespmem:v26+s5+$0x0], $0xffff  }
0x408: {  	[tilespmem:s10+$0xFFFFFFF0] =	vst v22;
	v16 =	vld.idx.msk [tilespmem:v27+s5+$0x0], $0xffff  }
0x409: {  	[tilespmem:s10+$0xFFFFFF80] =	vst v29;
	v19 =	vld.idx.msk [tilespmem:v28+s5+$0x0], $0xffff  }
0x40a: {  	s12 =	sadd.s32 $0x100, s12;
	[tilespmem:s10+$0x0] =	vst v23;
	v20 =	vld.idx.msk [tilespmem:v21+s5+$0x0], $0xffff  }
0x40b: {  	[tilespmem:s10+$0x10] =	vst v15  }
0x40c: {  	[tilespmem:s10+$0x20] =	vst v18  }
0x40d: {  	[tilespmem:s10+$0x30] =	vst v17  }
0x40e: {  	[tilespmem:s10+$0x40] =	vst v16  }
0x40f: {  	[tilespmem:s10+$0x50] =	vst v19  }
0x410: {  	[tilespmem:s10+$0x60] =	vst v20  }
0x411: {  	_ =	swait.ge [sflag:s21], $0x1000  }
0x412: {  	[sflag:s21] =	ssyncset.done $0x0  }
0x413: {  	s12 =	simm.s32 $0x1D780;
	[sflag:s21] =	ssyncadd.s32 $0xFFFFF000  }
0x414: {  	[tilespmem:s9], [sflag:$0x3] =	stream.strided.gather [hbm4b:s25+s7], $0x1000, s8, s7, $0x38;
	[tilespmem:$0x1FB00] =	vst v63  }
0x415: {  	v15 =	vld [tilespmem:s12+$0x70]  }
0x416: {  	v16 =	vld [tilespmem:s12+$0xFFFFFF90]  }
0x417: {  	v17 =	vld [tilespmem:s12+$0xFFFFFFA0]  }
0x418: {  	v18 =	vld [tilespmem:s12+$0xFFFFFFB0]  }
0x419: {  	v19 =	vld [tilespmem:s12+$0xFFFFFFC0]  }
0x41a: {  	v20 =	vld [tilespmem:s12+$0xFFFFFFD0]  }
0x41b: {  	v21 =	vld [tilespmem:s12+$0xFFFFFFE0]  }
0x41c: {  	v22 =	vld [tilespmem:s12+$0xFFFFFFF0]  }
0x41d: {  	v23 =	vld [tilespmem:s12+$0x0]  }
0x41e: {  	v24 =	vld [tilespmem:s12+$0x10]  }
0x41f: {  	v25 =	vld [tilespmem:s12+$0x20]  }
0x420: {  	v26 =	vld [tilespmem:s12+$0x30]  }
0x421: {  	v27 =	vld [tilespmem:s12+$0x40]  }
0x422: {  	v28 =	vld [tilespmem:s12+$0x50]  }
0x423: {  	v29 =	vld [tilespmem:s12+$0x60]  }
0x424: {  	v30 =	vld [tilespmem:s12+$0xFFFFFF80]  }
0x425: {  	v15 =	vld.idx.msk [tilespmem:v15+s5+$0x0], $0xffff  }
0x426: {  	v16 =	vld.idx.msk [tilespmem:v16+s5+$0x0], $0xffff  }
0x427: {  	v17 =	vld.idx.msk [tilespmem:v17+s5+$0x0], $0xffff  }
0x428: {  	v18 =	vld.idx.msk [tilespmem:v18+s5+$0x0], $0xffff  }
0x429: {  	v19 =	vld.idx.msk [tilespmem:v19+s5+$0x0], $0xffff  }
0x42a: {  	s10 =	simm.s32 $0x197F0;
	v20 =	vld.idx.msk [tilespmem:v20+s5+$0x0], $0xffff  }
0x42b: {  	v21 =	vld.idx.msk [tilespmem:v21+s5+$0x0], $0xffff;
	[tilespmem:s10+$0x0] =	vst v15  }
0x42c: {  	v22 =	vld.idx.msk [tilespmem:v22+s5+$0x0], $0xffff;
	[tilespmem:s10+$0xFFFFFF20] =	vst v16  }
0x42d: {  	v30 =	vld.idx.msk [tilespmem:v30+s5+$0x0], $0xffff;
	[tilespmem:s10+$0xFFFFFF30] =	vst v17  }
0x42e: {  	v23 =	vld.idx.msk [tilespmem:v23+s5+$0x0], $0xffff;
	[tilespmem:s10+$0xFFFFFF40] =	vst v18  }
0x42f: {  	[tilespmem:s10+$0xFFFFFF50] =	vst v19;
	v15 =	vld.idx.msk [tilespmem:v24+s5+$0x0], $0xffff  }
0x430: {  	[tilespmem:s10+$0xFFFFFF60] =	vst v20;
	v16 =	vld.idx.msk [tilespmem:v25+s5+$0x0], $0xffff  }
0x431: {  	[tilespmem:s10+$0xFFFFFF70] =	vst v21;
	v17 =	vld.idx.msk [tilespmem:v26+s5+$0x0], $0xffff  }
0x432: {  	[tilespmem:s10+$0xFFFFFF80] =	vst v22;
	v18 =	vld.idx.msk [tilespmem:v27+s5+$0x0], $0xffff  }
0x433: {  	[tilespmem:s10+$0xFFFFFF10] =	vst v30;
	v19 =	vld.idx.msk [tilespmem:v28+s5+$0x0], $0xffff  }
0x434: {  	s11 =	simm.s32 $0x0;
	s12 =	simm.s32 $0x1D880;
	[tilespmem:s10+$0xFFFFFF90] =	vst v23;
	v20 =	vld.idx.msk [tilespmem:v29+s5+$0x0], $0xffff  }
.LBB2_28:
0x435: {  	v21 =	vld [tilespmem:s12+$0x70];
	s11 =	sadd.s32 $0x100, s11;
	[tilespmem:s10+$0xFFFFFFA0] =	vst v15  }
0x436: {  	v15 =	vld [tilespmem:s12+$0xFFFFFF90];
	p2 =	slt.u32 s11, $0xF00;
	[tilespmem:s10+$0xFFFFFFB0] =	vst v16  }
0x437: {  	v16 =	vld [tilespmem:s12+$0xFFFFFFA0];
	[tilespmem:s10+$0xFFFFFFC0] =	vst v17  }
0x438: {  	v17 =	vld [tilespmem:s12+$0xFFFFFFB0];
	[tilespmem:s10+$0xFFFFFFD0] =	vst v18  }
0x439: {  	v18 =	vld [tilespmem:s12+$0xFFFFFFC0];
	[tilespmem:s10+$0xFFFFFFE0] =	vst v19  }
0x43a: {  	v19 =	vld [tilespmem:s12+$0xFFFFFFD0];
	[tilespmem:s10+$0xFFFFFFF0] =	vst v20  }
0x43b: {  	v20 =	vld [tilespmem:s12+$0xFFFFFFE0]  }
0x43c: {  	v22 =	vld [tilespmem:s12+$0xFFFFFFF0]  }
0x43d: {  	v21 =	vld.idx.msk [tilespmem:v21+s5+$0x0], $0xffff  }
0x43e: {  	v23 =	vld [tilespmem:s12+$0x0]  }
0x43f: {  	v24 =	vld [tilespmem:s12+$0x10]  }
0x440: {  	v25 =	vld [tilespmem:s12+$0x20]  }
0x441: {  	v26 =	vld [tilespmem:s12+$0x30]  }
0x442: {  	s10 =	sadd.s32 $0x100, s10;
	v27 =	vld [tilespmem:s12+$0x40]  }
0x443: {  	v28 =	vld [tilespmem:s12+$0x50];
	[tilespmem:s10+$0x0] =	vst v21  }
0x444: {  	v21 =	vld [tilespmem:s12+$0x60]  }
0x445: {  	v29 =	vld [tilespmem:s12+$0xFFFFFF80]  }
0x446: {  	v15 =	vld.idx.msk [tilespmem:v15+s5+$0x0], $0xffff  }
0x447: {  	v16 =	vld.idx.msk [tilespmem:v16+s5+$0x0], $0xffff  }
0x448: {  	v17 =	vld.idx.msk [tilespmem:v17+s5+$0x0], $0xffff  }
0x449: {  	v18 =	vld.idx.msk [tilespmem:v18+s5+$0x0], $0xffff  }
0x44a: {  	v19 =	vld.idx.msk [tilespmem:v19+s5+$0x0], $0xffff  }
0x44b: {  	v20 =	vld.idx.msk [tilespmem:v20+s5+$0x0], $0xffff  }
0x44c: {  	[tilespmem:s10+$0xFFFFFF20] =	vst v15;
	v22 =	vld.idx.msk [tilespmem:v22+s5+$0x0], $0xffff  }
0x44d: {  	v29 =	vld.idx.msk [tilespmem:v29+s5+$0x0], $0xffff;
	[tilespmem:s10+$0xFFFFFF30] =	vst v16  }
0x44e: {  	[tilespmem:s10+$0xFFFFFF40] =	vst v17;
	v23 =	vld.idx.msk [tilespmem:v23+s5+$0x0], $0xffff  }
0x44f: {  	[tilespmem:s10+$0xFFFFFF50] =	vst v18;
	v15 =	vld.idx.msk [tilespmem:v24+s5+$0x0], $0xffff  }
.Ltmp13:
0x450: {  	[tilespmem:s10+$0xFFFFFF60] =	vst v19;
	v16 =	vld.idx.msk [tilespmem:v25+s5+$0x0], $0xffff;
	(pc) =	sbr.rel @p2 .LBB2_28-.Ltmp13, $4  }
0x451: {  	[tilespmem:s10+$0xFFFFFF70] =	vst v20;
	v17 =	vld.idx.msk [tilespmem:v26+s5+$0x0], $0xffff  }
0x452: {  	[tilespmem:s10+$0xFFFFFF80] =	vst v22;
	v18 =	vld.idx.msk [tilespmem:v27+s5+$0x0], $0xffff  }
0x453: {  	[tilespmem:s10+$0xFFFFFF10] =	vst v29;
	v19 =	vld.idx.msk [tilespmem:v28+s5+$0x0], $0xffff  }
0x454: {  	s12 =	sadd.s32 $0x100, s12;
	[tilespmem:s10+$0xFFFFFF90] =	vst v23;
	v20 =	vld.idx.msk [tilespmem:v21+s5+$0x0], $0xffff  }
0x455: {  	[tilespmem:s10+$0xFFFFFFA0] =	vst v15  }
0x456: {  	[tilespmem:s10+$0xFFFFFFB0] =	vst v16  }
0x457: {  	[tilespmem:s10+$0xFFFFFFC0] =	vst v17  }
0x458: {  	[tilespmem:s10+$0xFFFFFFD0] =	vst v18  }
0x459: {  	[tilespmem:s10+$0xFFFFFFE0] =	vst v19  }
0x45a: {  	[tilespmem:s10+$0xFFFFFFF0] =	vst v20  }
0x45b: {  	_ =	swait.ge [sflag:s21], $0x1000  }
0x45c: {  	[sflag:s21] =	ssyncset.done $0x0  }
0x45d: {  	s12 =	simm.s32 $0x1C780;
	[sflag:s21] =	ssyncadd.s32 $0xFFFFF000  }
0x45e: {  	[tilespmem:s6], [sflag:$0x3] =	stream.strided.gather [hbm4b:s26+s7], $0x1000, s8, s7, $0x38;
	[tilespmem:$0x1FB00] =	vst v63  }
0x45f: {  	v15 =	vld [tilespmem:s12+$0x70]  }
0x460: {  	v16 =	vld [tilespmem:s12+$0xFFFFFF90]  }
0x461: {  	v17 =	vld [tilespmem:s12+$0xFFFFFFA0]  }
0x462: {  	v18 =	vld [tilespmem:s12+$0xFFFFFFB0]  }
0x463: {  	v19 =	vld [tilespmem:s12+$0xFFFFFFC0]  }
0x464: {  	v20 =	vld [tilespmem:s12+$0xFFFFFFD0]  }
0x465: {  	v21 =	vld [tilespmem:s12+$0xFFFFFFE0]  }
0x466: {  	v22 =	vld [tilespmem:s12+$0xFFFFFFF0]  }
0x467: {  	v23 =	vld [tilespmem:s12+$0x0]  }
0x468: {  	v24 =	vld [tilespmem:s12+$0x10]  }
0x469: {  	v25 =	vld [tilespmem:s12+$0x20]  }
0x46a: {  	v26 =	vld [tilespmem:s12+$0x30]  }
0x46b: {  	v27 =	vld [tilespmem:s12+$0x40]  }
0x46c: {  	v28 =	vld [tilespmem:s12+$0x50]  }
0x46d: {  	v29 =	vld [tilespmem:s12+$0x60]  }
0x46e: {  	v30 =	vld [tilespmem:s12+$0xFFFFFF80]  }
0x46f: {  	v15 =	vld.idx.msk [tilespmem:v15+s5+$0x0], $0xffff  }
0x470: {  	v16 =	vld.idx.msk [tilespmem:v16+s5+$0x0], $0xffff  }
0x471: {  	v17 =	vld.idx.msk [tilespmem:v17+s5+$0x0], $0xffff  }
0x472: {  	v18 =	vld.idx.msk [tilespmem:v18+s5+$0x0], $0xffff  }
0x473: {  	v19 =	vld.idx.msk [tilespmem:v19+s5+$0x0], $0xffff  }
0x474: {  	s10 =	simm.s32 $0x1A7F0;
	v20 =	vld.idx.msk [tilespmem:v20+s5+$0x0], $0xffff  }
0x475: {  	v21 =	vld.idx.msk [tilespmem:v21+s5+$0x0], $0xffff;
	[tilespmem:s10+$0x0] =	vst v15  }
0x476: {  	v22 =	vld.idx.msk [tilespmem:v22+s5+$0x0], $0xffff;
	[tilespmem:s10+$0xFFFFFF20] =	vst v16  }
0x477: {  	v30 =	vld.idx.msk [tilespmem:v30+s5+$0x0], $0xffff;
	[tilespmem:s10+$0xFFFFFF30] =	vst v17  }
0x478: {  	v23 =	vld.idx.msk [tilespmem:v23+s5+$0x0], $0xffff;
	[tilespmem:s10+$0xFFFFFF40] =	vst v18  }
0x479: {  	[tilespmem:s10+$0xFFFFFF50] =	vst v19;
	v15 =	vld.idx.msk [tilespmem:v24+s5+$0x0], $0xffff  }
0x47a: {  	[tilespmem:s10+$0xFFFFFF60] =	vst v20;
	v16 =	vld.idx.msk [tilespmem:v25+s5+$0x0], $0xffff  }
0x47b: {  	[tilespmem:s10+$0xFFFFFF70] =	vst v21;
	v17 =	vld.idx.msk [tilespmem:v26+s5+$0x0], $0xffff  }
0x47c: {  	[tilespmem:s10+$0xFFFFFF80] =	vst v22;
	v18 =	vld.idx.msk [tilespmem:v27+s5+$0x0], $0xffff  }
0x47d: {  	[tilespmem:s10+$0xFFFFFF10] =	vst v30;
	v19 =	vld.idx.msk [tilespmem:v28+s5+$0x0], $0xffff  }
0x47e: {  	s11 =	simm.s32 $0x0;
	s12 =	simm.s32 $0x1C880;
	[tilespmem:s10+$0xFFFFFF90] =	vst v23;
	v20 =	vld.idx.msk [tilespmem:v29+s5+$0x0], $0xffff  }
.LBB2_30:
0x47f: {  	v21 =	vld [tilespmem:s12+$0x70];
	s11 =	sadd.s32 $0x100, s11;
	[tilespmem:s10+$0xFFFFFFA0] =	vst v15  }
0x480: {  	v15 =	vld [tilespmem:s12+$0xFFFFFF90];
	p2 =	slt.u32 s11, $0xF00;
	[tilespmem:s10+$0xFFFFFFB0] =	vst v16  }
0x481: {  	v16 =	vld [tilespmem:s12+$0xFFFFFFA0];
	[tilespmem:s10+$0xFFFFFFC0] =	vst v17  }
0x482: {  	v17 =	vld [tilespmem:s12+$0xFFFFFFB0];
	[tilespmem:s10+$0xFFFFFFD0] =	vst v18  }
0x483: {  	v18 =	vld [tilespmem:s12+$0xFFFFFFC0];
	[tilespmem:s10+$0xFFFFFFE0] =	vst v19  }
0x484: {  	v19 =	vld [tilespmem:s12+$0xFFFFFFD0];
	[tilespmem:s10+$0xFFFFFFF0] =	vst v20  }
0x485: {  	v20 =	vld [tilespmem:s12+$0xFFFFFFE0]  }
0x486: {  	v22 =	vld [tilespmem:s12+$0xFFFFFFF0]  }
0x487: {  	v21 =	vld.idx.msk [tilespmem:v21+s5+$0x0], $0xffff  }
0x488: {  	v23 =	vld [tilespmem:s12+$0x0]  }
0x489: {  	v24 =	vld [tilespmem:s12+$0x10]  }
0x48a: {  	v25 =	vld [tilespmem:s12+$0x20]  }
0x48b: {  	v26 =	vld [tilespmem:s12+$0x30]  }
0x48c: {  	s10 =	sadd.s32 $0x100, s10;
	v27 =	vld [tilespmem:s12+$0x40]  }
0x48d: {  	v28 =	vld [tilespmem:s12+$0x50];
	[tilespmem:s10+$0x0] =	vst v21  }
0x48e: {  	v21 =	vld [tilespmem:s12+$0x60]  }
0x48f: {  	v29 =	vld [tilespmem:s12+$0xFFFFFF80]  }
0x490: {  	v15 =	vld.idx.msk [tilespmem:v15+s5+$0x0], $0xffff  }
0x491: {  	v16 =	vld.idx.msk [tilespmem:v16+s5+$0x0], $0xffff  }
0x492: {  	v17 =	vld.idx.msk [tilespmem:v17+s5+$0x0], $0xffff  }
0x493: {  	v18 =	vld.idx.msk [tilespmem:v18+s5+$0x0], $0xffff  }
0x494: {  	v19 =	vld.idx.msk [tilespmem:v19+s5+$0x0], $0xffff  }
0x495: {  	v20 =	vld.idx.msk [tilespmem:v20+s5+$0x0], $0xffff  }
0x496: {  	[tilespmem:s10+$0xFFFFFF20] =	vst v15;
	v22 =	vld.idx.msk [tilespmem:v22+s5+$0x0], $0xffff  }
0x497: {  	v29 =	vld.idx.msk [tilespmem:v29+s5+$0x0], $0xffff;
	[tilespmem:s10+$0xFFFFFF30] =	vst v16  }
0x498: {  	[tilespmem:s10+$0xFFFFFF40] =	vst v17;
	v23 =	vld.idx.msk [tilespmem:v23+s5+$0x0], $0xffff  }
0x499: {  	[tilespmem:s10+$0xFFFFFF50] =	vst v18;
	v15 =	vld.idx.msk [tilespmem:v24+s5+$0x0], $0xffff  }
.Ltmp14:
0x49a: {  	[tilespmem:s10+$0xFFFFFF60] =	vst v19;
	v16 =	vld.idx.msk [tilespmem:v25+s5+$0x0], $0xffff;
	(pc) =	sbr.rel @p2 .LBB2_30-.Ltmp14, $4  }
0x49b: {  	[tilespmem:s10+$0xFFFFFF70] =	vst v20;
	v17 =	vld.idx.msk [tilespmem:v26+s5+$0x0], $0xffff  }
0x49c: {  	[tilespmem:s10+$0xFFFFFF80] =	vst v22;
	v18 =	vld.idx.msk [tilespmem:v27+s5+$0x0], $0xffff  }
0x49d: {  	[tilespmem:s10+$0xFFFFFF10] =	vst v29;
	v19 =	vld.idx.msk [tilespmem:v28+s5+$0x0], $0xffff  }
0x49e: {  	s12 =	sadd.s32 $0x100, s12;
	[tilespmem:s10+$0xFFFFFF90] =	vst v23;
	v20 =	vld.idx.msk [tilespmem:v21+s5+$0x0], $0xffff  }
0x49f: {  	[tilespmem:s10+$0xFFFFFFA0] =	vst v15  }
0x4a0: {  	[tilespmem:s10+$0xFFFFFFB0] =	vst v16  }
0x4a1: {  	[tilespmem:s10+$0xFFFFFFC0] =	vst v17  }
0x4a2: {  	[tilespmem:s10+$0xFFFFFFD0] =	vst v18  }
0x4a3: {  	[tilespmem:s10+$0xFFFFFFE0] =	vst v19  }
0x4a4: {  	[tilespmem:s10+$0xFFFFFFF0] =	vst v20  }
0x4a5: {  	_ =	swait.ge [sflag:s21], $0x1000  }
0x4a6: {  	[sflag:s21] =	ssyncset.done $0x0  }
0x4a7: {  	s12 =	simm.s32 $0x1D780;
	[sflag:s21] =	ssyncadd.s32 $0xFFFFF000  }
0x4a8: {  	v15 =	vld [tilespmem:s12+$0x70]  }
0x4a9: {  	v16 =	vld [tilespmem:s12+$0xFFFFFF90]  }
0x4aa: {  	v17 =	vld [tilespmem:s12+$0xFFFFFFA0]  }
0x4ab: {  	v18 =	vld [tilespmem:s12+$0xFFFFFFB0]  }
0x4ac: {  	v19 =	vld [tilespmem:s12+$0xFFFFFFC0]  }
0x4ad: {  	v20 =	vld [tilespmem:s12+$0xFFFFFFD0]  }
0x4ae: {  	v21 =	vld [tilespmem:s12+$0xFFFFFFE0]  }
0x4af: {  	v22 =	vld [tilespmem:s12+$0xFFFFFFF0]  }
0x4b0: {  	v23 =	vld [tilespmem:s12+$0x0]  }
0x4b1: {  	v24 =	vld [tilespmem:s12+$0x10]  }
0x4b2: {  	v25 =	vld [tilespmem:s12+$0x20]  }
0x4b3: {  	v26 =	vld [tilespmem:s12+$0x30]  }
0x4b4: {  	v27 =	vld [tilespmem:s12+$0x40]  }
0x4b5: {  	v28 =	vld [tilespmem:s12+$0x50]  }
0x4b6: {  	v29 =	vld [tilespmem:s12+$0x60]  }
0x4b7: {  	v30 =	vld [tilespmem:s12+$0xFFFFFF80]  }
0x4b8: {  	v15 =	vld.idx.msk [tilespmem:v15+s5+$0x0], $0xffff  }
0x4b9: {  	v16 =	vld.idx.msk [tilespmem:v16+s5+$0x0], $0xffff  }
0x4ba: {  	v17 =	vld.idx.msk [tilespmem:v17+s5+$0x0], $0xffff  }
0x4bb: {  	v18 =	vld.idx.msk [tilespmem:v18+s5+$0x0], $0xffff  }
0x4bc: {  	v19 =	vld.idx.msk [tilespmem:v19+s5+$0x0], $0xffff  }
0x4bd: {  	s10 =	simm.s32 $0x1B7F0;
	v20 =	vld.idx.msk [tilespmem:v20+s5+$0x0], $0xffff  }
0x4be: {  	v21 =	vld.idx.msk [tilespmem:v21+s5+$0x0], $0xffff;
	[tilespmem:s10+$0x0] =	vst v15  }
0x4bf: {  	v22 =	vld.idx.msk [tilespmem:v22+s5+$0x0], $0xffff;
	[tilespmem:s10+$0xFFFFFF20] =	vst v16  }
0x4c0: {  	v30 =	vld.idx.msk [tilespmem:v30+s5+$0x0], $0xffff;
	[tilespmem:s10+$0xFFFFFF30] =	vst v17  }
0x4c1: {  	v23 =	vld.idx.msk [tilespmem:v23+s5+$0x0], $0xffff;
	[tilespmem:s10+$0xFFFFFF40] =	vst v18  }
0x4c2: {  	[tilespmem:s10+$0xFFFFFF50] =	vst v19;
	v15 =	vld.idx.msk [tilespmem:v24+s5+$0x0], $0xffff  }
0x4c3: {  	[tilespmem:s10+$0xFFFFFF60] =	vst v20;
	v16 =	vld.idx.msk [tilespmem:v25+s5+$0x0], $0xffff  }
0x4c4: {  	[tilespmem:s10+$0xFFFFFF70] =	vst v21;
	v17 =	vld.idx.msk [tilespmem:v26+s5+$0x0], $0xffff  }
0x4c5: {  	[tilespmem:s10+$0xFFFFFF80] =	vst v22;
	v18 =	vld.idx.msk [tilespmem:v27+s5+$0x0], $0xffff  }
0x4c6: {  	[tilespmem:s10+$0xFFFFFF10] =	vst v30;
	v19 =	vld.idx.msk [tilespmem:v28+s5+$0x0], $0xffff  }
0x4c7: {  	s11 =	simm.s32 $0x0;
	s12 =	simm.s32 $0x1D880;
	[tilespmem:s10+$0xFFFFFF90] =	vst v23;
	v20 =	vld.idx.msk [tilespmem:v29+s5+$0x0], $0xffff  }
.LBB2_32:
0x4c8: {  	v21 =	vld [tilespmem:s12+$0x70];
	s11 =	sadd.s32 $0x100, s11;
	[tilespmem:s10+$0xFFFFFFA0] =	vst v15  }
0x4c9: {  	v15 =	vld [tilespmem:s12+$0xFFFFFF90];
	p2 =	slt.u32 s11, $0xF00;
	[tilespmem:s10+$0xFFFFFFB0] =	vst v16  }
0x4ca: {  	v16 =	vld [tilespmem:s12+$0xFFFFFFA0];
	[tilespmem:s10+$0xFFFFFFC0] =	vst v17  }
0x4cb: {  	v17 =	vld [tilespmem:s12+$0xFFFFFFB0];
	[tilespmem:s10+$0xFFFFFFD0] =	vst v18  }
0x4cc: {  	v18 =	vld [tilespmem:s12+$0xFFFFFFC0];
	[tilespmem:s10+$0xFFFFFFE0] =	vst v19  }
0x4cd: {  	v19 =	vld [tilespmem:s12+$0xFFFFFFD0];
	[tilespmem:s10+$0xFFFFFFF0] =	vst v20  }
0x4ce: {  	v20 =	vld [tilespmem:s12+$0xFFFFFFE0]  }
0x4cf: {  	v22 =	vld [tilespmem:s12+$0xFFFFFFF0]  }
0x4d0: {  	v21 =	vld.idx.msk [tilespmem:v21+s5+$0x0], $0xffff  }
0x4d1: {  	v23 =	vld [tilespmem:s12+$0x0]  }
0x4d2: {  	v24 =	vld [tilespmem:s12+$0x10]  }
0x4d3: {  	v25 =	vld [tilespmem:s12+$0x20]  }
0x4d4: {  	v26 =	vld [tilespmem:s12+$0x30]  }
0x4d5: {  	s10 =	sadd.s32 $0x100, s10;
	v27 =	vld [tilespmem:s12+$0x40]  }
0x4d6: {  	v28 =	vld [tilespmem:s12+$0x50];
	[tilespmem:s10+$0x0] =	vst v21  }
0x4d7: {  	v21 =	vld [tilespmem:s12+$0x60]  }
0x4d8: {  	v29 =	vld [tilespmem:s12+$0xFFFFFF80]  }
0x4d9: {  	v15 =	vld.idx.msk [tilespmem:v15+s5+$0x0], $0xffff  }
0x4da: {  	v16 =	vld.idx.msk [tilespmem:v16+s5+$0x0], $0xffff  }
0x4db: {  	v17 =	vld.idx.msk [tilespmem:v17+s5+$0x0], $0xffff  }
0x4dc: {  	v18 =	vld.idx.msk [tilespmem:v18+s5+$0x0], $0xffff  }
0x4dd: {  	v19 =	vld.idx.msk [tilespmem:v19+s5+$0x0], $0xffff  }
0x4de: {  	v20 =	vld.idx.msk [tilespmem:v20+s5+$0x0], $0xffff  }
0x4df: {  	[tilespmem:s10+$0xFFFFFF20] =	vst v15;
	v22 =	vld.idx.msk [tilespmem:v22+s5+$0x0], $0xffff  }
0x4e0: {  	v29 =	vld.idx.msk [tilespmem:v29+s5+$0x0], $0xffff;
	[tilespmem:s10+$0xFFFFFF30] =	vst v16  }
0x4e1: {  	[tilespmem:s10+$0xFFFFFF40] =	vst v17;
	v23 =	vld.idx.msk [tilespmem:v23+s5+$0x0], $0xffff  }
0x4e2: {  	[tilespmem:s10+$0xFFFFFF50] =	vst v18;
	v15 =	vld.idx.msk [tilespmem:v24+s5+$0x0], $0xffff  }
.Ltmp15:
0x4e3: {  	[tilespmem:s10+$0xFFFFFF60] =	vst v19;
	v16 =	vld.idx.msk [tilespmem:v25+s5+$0x0], $0xffff;
	(pc) =	sbr.rel @p2 .LBB2_32-.Ltmp15, $4  }
0x4e4: {  	[tilespmem:s10+$0xFFFFFF70] =	vst v20;
	v17 =	vld.idx.msk [tilespmem:v26+s5+$0x0], $0xffff  }
0x4e5: {  	[tilespmem:s10+$0xFFFFFF80] =	vst v22;
	v18 =	vld.idx.msk [tilespmem:v27+s5+$0x0], $0xffff  }
0x4e6: {  	[tilespmem:s10+$0xFFFFFF10] =	vst v29;
	v19 =	vld.idx.msk [tilespmem:v28+s5+$0x0], $0xffff  }
0x4e7: {  	s12 =	sadd.s32 $0x100, s12;
	[tilespmem:s10+$0xFFFFFF90] =	vst v23;
	v20 =	vld.idx.msk [tilespmem:v21+s5+$0x0], $0xffff  }
0x4e8: {  	[tilespmem:s10+$0xFFFFFFA0] =	vst v15  }
0x4e9: {  	[tilespmem:s10+$0xFFFFFFB0] =	vst v16  }
0x4ea: {  	[tilespmem:s10+$0xFFFFFFC0] =	vst v17  }
0x4eb: {  	[tilespmem:s10+$0xFFFFFFD0] =	vst v18  }
0x4ec: {  	[tilespmem:s10+$0xFFFFFFE0] =	vst v19  }
0x4ed: {  	[tilespmem:s10+$0xFFFFFFF0] =	vst v20  }
0x4ee: {  	[tilespmem:s5], [sflag:$0x1] =	stream.strided.gather [hbm4b:s16+s7], $0xC380, s20, s7, $0x38;
	[tilespmem:$0x1FB00] =	vst v63  }
0x4ef: {  	_ = 	snop  }
0x4f0: {  	[tilespmem:s1], [sflag:$0x2] =	stream.strided.gather [hbm4b:s17+s7], $0xC300, s20, s7, $0x38;
	[tilespmem:$0x1FB00] =	vst v63  }
0x4f1: {  	_ =	swait.ge [sflag:s2], $0xC380  }
0x4f2: {  	[sflag:s2] =	ssyncset.done $0x0  }
0x4f3: {  	[sflag:s2] =	ssyncadd.s32 $0xFFFF3C80  }
0x4f4: {  	_ =	swait.ge [sflag:s3], $0xC300  }
0x4f5: {  	[sflag:s3] =	ssyncset.done $0x0  }
0x4f6: {  	[sflag:s3] =	ssyncadd.s32 $0xFFFF3D00  }
0x4f7: {  	v15 =	vld.idx.msk [tilespmem:v6+s31+$0x0], $0xffff;
	_ =	sdelay $0x4  }
0x4f8: {  	[tilespmem:$0x18680] =	vst v15  }
0x4f9: {  	v15 =	vld.idx.msk [tilespmem:v7+s31+$0x0], $0xffff;
	_ =	sdelay $0x4  }
0x4fa: {  	[tilespmem:$0x18690] =	vst v15  }
0x4fb: {  	[tilespmem:s9], [sflag:$0x3] =	stream.strided.gather [hbm4b:s18+s7], $0x1000, s8, s7, $0x38;
	[tilespmem:$0x1FB00] =	vst v63  }
0x4fc: {  	_ =	swait.ge [sflag:s21], $0x1000  }
0x4fd: {  	[sflag:s21] =	ssyncset.done $0x0  }
0x4fe: {  	s12 =	simm.s32 $0x18780;
	[sflag:s21] =	ssyncadd.s32 $0xFFFFF000  }
0x4ff: {  	[tilespmem:s6], [sflag:$0x3] =	stream.strided.gather [hbm4b:s28+s7], $0x1000, s8, s7, $0x38;
	[tilespmem:$0x1FB00] =	vst v63  }
0x500: {  	v18 =	vld [tilespmem:s12+$0x60]  }
0x501: {  	v19 =	vld [tilespmem:s12+$0x40]  }
0x502: {  	v17 =	vld [tilespmem:s12+$0x50]  }
0x503: {  	v15 =	vld [tilespmem:s12+$0x20]  }
0x504: {  	v21 =	vld [tilespmem:s12+$0x30]  }
0x505: {  	v16 =	vld [tilespmem:s12+$0x0]  }
0x506: {  	v20 =	vld [tilespmem:s12+$0x10]  }
0x507: {  	v22 =	vld [tilespmem:s12+$0xFFFFFFE0]  }
0x508: {  	s10 =	simm.s32 $0x1C780;
	v24 =	vld [tilespmem:s12+$0xFFFFFFF0]  }
0x509: {  	v26 =	vld [tilespmem:s10+$0x60]  }
0x50a: {  	v28 =	vld [tilespmem:s10+$0x70]  }
0x50b: {  	v23 =	vld [tilespmem:s12+$0xFFFFFFC0]  }
0x50c: {  	v25 =	vld [tilespmem:s12+$0xFFFFFFD0]  }
0x50d: {  	v27 =	vld [tilespmem:s10+$0x40]  }
0x50e: {  	v29 =	vld [tilespmem:s10+$0x50]  }
0x50f: {  	v30 =	vld [tilespmem:s12+$0xFFFFFFA0]  }
0x510: {  	v31 =	vld [tilespmem:s12+$0xFFFFFFB0]  }
0x511: {  	v32 =	vld [tilespmem:s10+$0x20]  }
0x512: {  	v33 =	vld [tilespmem:s10+$0x30]  }
0x513: {  	v34 =	vld [tilespmem:s12+$0xFFFFFF80]  }
0x514: {  	v35 =	vld [tilespmem:s12+$0xFFFFFF90]  }
0x515: {  	v36 =	vld [tilespmem:s10+$0x0]  }
0x516: {  	v37 =	vld [tilespmem:s10+$0x10]  }
0x517: {  	v38 =	vld [tilespmem:s10+$0xFFFFFF80]  }
0x518: {  	v39 =	vld [tilespmem:s10+$0xFFFFFF90]  }
0x519: {  	v40 =	vld [tilespmem:s10+$0xFFFFFFA0]  }
0x51a: {  	v41 =	vld [tilespmem:s10+$0xFFFFFFB0]  }
0x51b: {  	v42 =	vld [tilespmem:s10+$0xFFFFFFC0]  }
0x51c: {  	v43 =	vld [tilespmem:s10+$0xFFFFFFD0]  }
0x51d: {  	v44 =	vld [tilespmem:s10+$0xFFFFFFE0]  }
0x51e: {  	v45 =	vld [tilespmem:s10+$0xFFFFFFF0]  }
0x51f: {  	v38 =	vld.idx.msk [tilespmem:v38+s5+$0x0], $0xffff  }
0x520: {  	v39 =	vld.idx.msk [tilespmem:v39+s5+$0x0], $0xffff  }
0x521: {  	v40 =	vld.idx.msk [tilespmem:v40+s5+$0x0], $0xffff  }
0x522: {  	v41 =	vld.idx.msk [tilespmem:v41+s5+$0x0], $0xffff  }
0x523: {  	v42 =	vld.idx.msk [tilespmem:v42+s5+$0x0], $0xffff  }
0x524: {  	v43 =	vld.idx.msk [tilespmem:v43+s5+$0x0], $0xffff  }
0x525: {  	v44 =	vld.idx.msk [tilespmem:v44+s5+$0x0], $0xffff  }
0x526: {  	v62 =	vld.idx.msk [tilespmem:v45+s5+$0x0], $0xffff;
	v34 =	vmul.f32 v34, v38;
	v35 =	vmul.f32 v35, v39  }
0x527: {  	v36 =	vld.idx.msk [tilespmem:v36+s5+$0x0], $0xffff;
	v30 =	vmul.f32 v30, v40  }
0x528: {  	v63 =	vld.idx.msk [tilespmem:v37+s5+$0x0], $0xffff;
	v31 =	vmul.f32 v31, v41;
	v14 =	vadd.f32 v34, v14;
	v13 =	vadd.f32 v35, v13  }
0x529: {  	v32 =	vld.idx.msk [tilespmem:v32+s5+$0x0], $0xffff;
	v23 =	vmul.f32 v23, v42  }
0x52a: {  	v30 =	vadd.f32 v30, v14;
	v14 =	vld.idx.msk [tilespmem:v33+s5+$0x0], $0xffff;
	v13 =	vadd.f32 v31, v13;
	v31 =	vmul.f32 v25, v43  }
0x52b: {  	v22 =	vmul.f32 v22, v44;
	v25 =	vld.idx.msk [tilespmem:v27+s5+$0x0], $0xffff  }
0x52c: {  	v30 =	vadd.f32 v23, v30;
	v23 =	vld.idx.msk [tilespmem:v29+s5+$0x0], $0xffff;
	v13 =	vadd.f32 v31, v13;
	v31 =	vmul.f32 v24, v62  }
0x52d: {  	v27 =	vmul.f32 v16, v36;
	v24 =	vld.idx.msk [tilespmem:v26+s5+$0x0], $0xffff  }
0x52e: {  	v26 =	vld [tilespmem:s12+$0x70];
	v29 =	vadd.f32 v22, v30;
	v30 =	vadd.f32 v31, v13;
	v31 =	vmul.f32 v20, v63  }
0x52f: {  	s11 =	simm.s32 $0x0;
	s12 =	simm.s32 $0x18880;
	v22 =	vld.idx.msk [tilespmem:v28+s5+$0x0], $0xffff;
	v28 =	vmul.f32 v15, v32  }
.LBB2_34:
0x530: {  	v13 =	vld [tilespmem:s12+$0x60];
	v15 =	vadd.f32 v27, v29;
	v16 =	vadd.f32 v31, v30;
	v14 =	vmul.f32 v21, v14  }
0x531: {  	v20 =	vmul.f32 v19, v25;
	v19 =	vld [tilespmem:s12+$0x40]  }
0x532: {  	v15 =	vadd.f32 v28, v15;
	v14 =	vadd.f32 v14, v16;
	v16 =	vmul.f32 v17, v23;
	v17 =	vld [tilespmem:s12+$0x50]  }
0x533: {  	v23 =	vmul.f32 v18, v24;
	v28 =	vld [tilespmem:s12+$0x20]  }
0x534: {  	v21 =	vld [tilespmem:s12+$0x30];
	v15 =	vadd.f32 v20, v15;
	v14 =	vadd.f32 v16, v14;
	v16 =	vmul.f32 v26, v22  }
0x535: {  	v20 =	vld [tilespmem:s12+$0x0];
	v18 =	vmov v13  }
0x536: {  	v13 =	vld [tilespmem:s12+$0x10];
	v15 =	vadd.f32 v23, v15;
	v14 =	vadd.f32 v16, v14  }
0x537: {  	v16 =	vld [tilespmem:s12+$0xFFFFFFE0]  }
0x538: {  	s10 =	sadd.s32 $0x100, s10;
	v22 =	vld [tilespmem:s12+$0xFFFFFFF0]  }
0x539: {  	v24 =	vld [tilespmem:s10+$0x60]  }
0x53a: {  	v26 =	vld [tilespmem:s10+$0x70]  }
0x53b: {  	v23 =	vld [tilespmem:s12+$0xFFFFFFC0]  }
0x53c: {  	v25 =	vld [tilespmem:s12+$0xFFFFFFD0]  }
0x53d: {  	v27 =	vld [tilespmem:s10+$0x40]  }
0x53e: {  	v29 =	vld [tilespmem:s10+$0x50]  }
0x53f: {  	v30 =	vld [tilespmem:s12+$0xFFFFFFA0]  }
0x540: {  	v31 =	vld [tilespmem:s12+$0xFFFFFFB0]  }
0x541: {  	v32 =	vld [tilespmem:s10+$0x20]  }
0x542: {  	v33 =	vld [tilespmem:s10+$0x30]  }
0x543: {  	v34 =	vld [tilespmem:s12+$0xFFFFFF80]  }
0x544: {  	v35 =	vld [tilespmem:s12+$0xFFFFFF90]  }
0x545: {  	v36 =	vld [tilespmem:s10+$0x0]  }
0x546: {  	v37 =	vld [tilespmem:s10+$0x10]  }
0x547: {  	v38 =	vld [tilespmem:s10+$0xFFFFFF80]  }
0x548: {  	s11 =	sadd.s32 $0x100, s11;
	v39 =	vld [tilespmem:s10+$0xFFFFFF90]  }
0x549: {  	p2 =	slt.u32 s11, $0xF00;
	v40 =	vld [tilespmem:s10+$0xFFFFFFA0]  }
0x54a: {  	v41 =	vld [tilespmem:s10+$0xFFFFFFB0]  }
0x54b: {  	v42 =	vld [tilespmem:s10+$0xFFFFFFC0]  }
0x54c: {  	v43 =	vld [tilespmem:s10+$0xFFFFFFD0]  }
0x54d: {  	v44 =	vld [tilespmem:s10+$0xFFFFFFE0]  }
0x54e: {  	v45 =	vld [tilespmem:s10+$0xFFFFFFF0]  }
0x54f: {  	v38 =	vld.idx.msk [tilespmem:v38+s5+$0x0], $0xffff  }
0x550: {  	v39 =	vld.idx.msk [tilespmem:v39+s5+$0x0], $0xffff  }
0x551: {  	v40 =	vld.idx.msk [tilespmem:v40+s5+$0x0], $0xffff  }
0x552: {  	v41 =	vld.idx.msk [tilespmem:v41+s5+$0x0], $0xffff  }
0x553: {  	v42 =	vld.idx.msk [tilespmem:v42+s5+$0x0], $0xffff  }
0x554: {  	v43 =	vld.idx.msk [tilespmem:v43+s5+$0x0], $0xffff  }
0x555: {  	v44 =	vld.idx.msk [tilespmem:v44+s5+$0x0], $0xffff  }
0x556: {  	v34 =	vmul.f32 v34, v38;
	v35 =	vmul.f32 v35, v39;
	v38 =	vld.idx.msk [tilespmem:v45+s5+$0x0], $0xffff  }
0x557: {  	v30 =	vmul.f32 v30, v40;
	v36 =	vld.idx.msk [tilespmem:v36+s5+$0x0], $0xffff  }
0x558: {  	v15 =	vadd.f32 v34, v15;
	v14 =	vadd.f32 v35, v14;
	v31 =	vmul.f32 v31, v41;
	v34 =	vld.idx.msk [tilespmem:v37+s5+$0x0], $0xffff  }
0x559: {  	v23 =	vmul.f32 v23, v42;
	v32 =	vld.idx.msk [tilespmem:v32+s5+$0x0], $0xffff  }
0x55a: {  	v15 =	vadd.f32 v30, v15;
	v30 =	vadd.f32 v31, v14;
	v31 =	vmul.f32 v25, v43;
	v14 =	vld.idx.msk [tilespmem:v33+s5+$0x0], $0xffff  }
.Ltmp16:
0x55b: {  	v16 =	vmul.f32 v16, v44;
	v25 =	vld.idx.msk [tilespmem:v27+s5+$0x0], $0xffff;
	(pc) =	sbr.rel @p2 .LBB2_34-.Ltmp16, $4  }
0x55c: {  	v15 =	vadd.f32 v23, v15;
	v30 =	vadd.f32 v31, v30;
	v22 =	vmul.f32 v22, v38;
	v23 =	vld.idx.msk [tilespmem:v29+s5+$0x0], $0xffff  }
0x55d: {  	v27 =	vmul.f32 v20, v36;
	v24 =	vld.idx.msk [tilespmem:v24+s5+$0x0], $0xffff  }
0x55e: {  	v29 =	vadd.f32 v16, v15;
	v30 =	vadd.f32 v22, v30;
	v31 =	vmul.f32 v13, v34;
	v22 =	vld.idx.msk [tilespmem:v26+s5+$0x0], $0xffff  }
0x55f: {  	v28 =	vmul.f32 v28, v32;
	v26 =	vld [tilespmem:s12+$0x70];
	s12 =	sadd.s32 $0x100, s12  }
0x560: {  	_ =	swait.ge [sflag:s21], $0x1000  }
0x561: {  	[sflag:s21] =	ssyncset.done $0x0  }
0x562: {  	s12 =	simm.s32 $0x197F0;
	[sflag:s21] =	ssyncadd.s32 $0xFFFFF000  }
0x563: {  	[tilespmem:s9], [sflag:$0x3] =	stream.strided.gather [hbm4b:s29+s7], $0x1000, s8, s7, $0x38;
	[tilespmem:$0x1FB00] =	vst v63  }
0x564: {  	v15 =	vld [tilespmem:s12+$0xFFFFFFF0]  }
0x565: {  	v16 =	vld [tilespmem:s12+$0xFFFFFFD0]  }
0x566: {  	v13 =	vld [tilespmem:s12+$0xFFFFFFE0]  }
0x567: {  	v32 =	vld [tilespmem:s12+$0xFFFFFFB0]  }
0x568: {  	v20 =	vld [tilespmem:s12+$0xFFFFFFC0]  }
0x569: {  	v33 =	vld [tilespmem:s12+$0xFFFFFF90]  }
0x56a: {  	v34 =	vld [tilespmem:s12+$0xFFFFFFA0]  }
0x56b: {  	v35 =	vld [tilespmem:s12+$0xFFFFFF70]  }
0x56c: {  	s10 =	simm.s32 $0x1D780;
	v36 =	vld [tilespmem:s12+$0xFFFFFF80]  }
0x56d: {  	v37 =	vld [tilespmem:s10+$0x60]  }
0x56e: {  	v38 =	vld [tilespmem:s10+$0x70]  }
0x56f: {  	v39 =	vld [tilespmem:s12+$0xFFFFFF50]  }
0x570: {  	v40 =	vld [tilespmem:s12+$0xFFFFFF60]  }
0x571: {  	v41 =	vld [tilespmem:s10+$0x40]  }
0x572: {  	v42 =	vld [tilespmem:s10+$0x50]  }
0x573: {  	v43 =	vld [tilespmem:s12+$0xFFFFFF30]  }
0x574: {  	v44 =	vld [tilespmem:s12+$0xFFFFFF40]  }
0x575: {  	v45 =	vld [tilespmem:s10+$0x20]  }
0x576: {  	v46 =	vld [tilespmem:s10+$0x30]  }
0x577: {  	v47 =	vld [tilespmem:s12+$0xFFFFFF10]  }
0x578: {  	v48 =	vld [tilespmem:s12+$0xFFFFFF20]  }
0x579: {  	v49 =	vld [tilespmem:s10+$0x0]  }
0x57a: {  	v50 =	vld [tilespmem:s10+$0x10]  }
0x57b: {  	v51 =	vld [tilespmem:s10+$0xFFFFFF80]  }
0x57c: {  	v52 =	vld [tilespmem:s10+$0xFFFFFF90]  }
0x57d: {  	v53 =	vld [tilespmem:s10+$0xFFFFFFA0]  }
0x57e: {  	v54 =	vld [tilespmem:s10+$0xFFFFFFB0]  }
0x57f: {  	v55 =	vld [tilespmem:s10+$0xFFFFFFC0]  }
0x580: {  	v56 =	vld [tilespmem:s10+$0xFFFFFFD0]  }
0x581: {  	v57 =	vld [tilespmem:s10+$0xFFFFFFE0]  }
0x582: {  	v58 =	vld [tilespmem:s10+$0xFFFFFFF0]  }
0x583: {  	v27 =	vadd.f32 v27, v29;
	v51 =	vld.idx.msk [tilespmem:v51+s5+$0x0], $0xffff  }
0x584: {  	v30 =	vadd.f32 v31, v30;
	v14 =	vmul.f32 v21, v14;
	v29 =	vld.idx.msk [tilespmem:v52+s5+$0x0], $0xffff  }
0x585: {  	v19 =	vmul.f32 v19, v25;
	v25 =	vadd.f32 v28, v27;
	v21 =	vld.idx.msk [tilespmem:v53+s5+$0x0], $0xffff  }
0x586: {  	v17 =	vmul.f32 v17, v23;
	v14 =	vadd.f32 v14, v30;
	v27 =	vld.idx.msk [tilespmem:v54+s5+$0x0], $0xffff  }
0x587: {  	v18 =	vmul.f32 v18, v24;
	v19 =	vadd.f32 v19, v25;
	v23 =	vld.idx.msk [tilespmem:v55+s5+$0x0], $0xffff  }
0x588: {  	v14 =	vadd.f32 v17, v14;
	v17 =	vmul.f32 v26, v22;
	v24 =	vld.idx.msk [tilespmem:v56+s5+$0x0], $0xffff  }
0x589: {  	v18 =	vadd.f32 v18, v19;
	v22 =	vld.idx.msk [tilespmem:v57+s5+$0x0], $0xffff  }
0x58a: {  	v14 =	vadd.f32 v17, v14;
	v26 =	vld.idx.msk [tilespmem:v58+s5+$0x0], $0xffff;
	v19 =	vmul.f32 v47, v51;
	v17 =	vmul.f32 v48, v29  }
0x58b: {  	v28 =	vld.idx.msk [tilespmem:v49+s5+$0x0], $0xffff;
	v21 =	vmul.f32 v43, v21  }
0x58c: {  	v63 =	vld.idx.msk [tilespmem:v45+s5+$0x0], $0xffff;
	v18 =	vadd.f32 v19, v18;
	v14 =	vadd.f32 v17, v14;
	v17 =	vmul.f32 v44, v27  }
0x58d: {  	v23 =	vmul.f32 v39, v23;
	v19 =	vld.idx.msk [tilespmem:v50+s5+$0x0], $0xffff  }
0x58e: {  	v25 =	vld.idx.msk [tilespmem:v41+s5+$0x0], $0xffff;
	v18 =	vadd.f32 v21, v18;
	v14 =	vadd.f32 v17, v14;
	v17 =	vmul.f32 v40, v24  }
0x58f: {  	v22 =	vmul.f32 v35, v22;
	v21 =	vld.idx.msk [tilespmem:v46+s5+$0x0], $0xffff  }
0x590: {  	v24 =	vld.idx.msk [tilespmem:v37+s5+$0x0], $0xffff;
	v18 =	vadd.f32 v23, v18;
	v14 =	vadd.f32 v17, v14;
	v17 =	vmul.f32 v36, v26  }
0x591: {  	v27 =	vmul.f32 v33, v28;
	v23 =	vld.idx.msk [tilespmem:v42+s5+$0x0], $0xffff  }
0x592: {  	v26 =	vld [tilespmem:s12+$0x0];
	v31 =	vmul.f32 v34, v19;
	v29 =	vadd.f32 v22, v18;
	v30 =	vadd.f32 v17, v14  }
0x593: {  	s11 =	simm.s32 $0x0;
	v28 =	vmul.f32 v32, v63;
	s12 =	simm.s32 $0x198F0;
	v22 =	vld.idx.msk [tilespmem:v38+s5+$0x0], $0xffff  }
.LBB2_36:
0x594: {  	v14 =	vld [tilespmem:s12+$0xFFFFFFF0];
	v17 =	vadd.f32 v27, v29;
	v18 =	vadd.f32 v31, v30;
	v19 =	vmul.f32 v20, v21  }
0x595: {  	v21 =	vmul.f32 v16, v25;
	v16 =	vld [tilespmem:s12+$0xFFFFFFD0]  }
0x596: {  	v17 =	vadd.f32 v28, v17;
	v18 =	vadd.f32 v19, v18;
	v19 =	vmul.f32 v13, v23;
	v13 =	vld [tilespmem:s12+$0xFFFFFFE0]  }
0x597: {  	v23 =	vmul.f32 v15, v24;
	v28 =	vld [tilespmem:s12+$0xFFFFFFB0]  }
0x598: {  	v20 =	vld [tilespmem:s12+$0xFFFFFFC0];
	v17 =	vadd.f32 v21, v17;
	v18 =	vadd.f32 v19, v18;
	v19 =	vmul.f32 v26, v22  }
0x599: {  	v22 =	vld [tilespmem:s12+$0xFFFFFF90];
	v15 =	vmov v14  }
0x59a: {  	v14 =	vld [tilespmem:s12+$0xFFFFFFA0];
	v17 =	vadd.f32 v23, v17;
	v18 =	vadd.f32 v19, v18  }
0x59b: {  	v19 =	vld [tilespmem:s12+$0xFFFFFF70]  }
0x59c: {  	s10 =	sadd.s32 $0x100, s10;
	v23 =	vld [tilespmem:s12+$0xFFFFFF80]  }
0x59d: {  	v24 =	vld [tilespmem:s10+$0x60]  }
0x59e: {  	v26 =	vld [tilespmem:s10+$0x70]  }
0x59f: {  	v21 =	vld [tilespmem:s12+$0xFFFFFF50]  }
0x5a0: {  	v25 =	vld [tilespmem:s12+$0xFFFFFF60]  }
0x5a1: {  	v27 =	vld [tilespmem:s10+$0x40]  }
0x5a2: {  	v29 =	vld [tilespmem:s10+$0x50]  }
0x5a3: {  	v30 =	vld [tilespmem:s12+$0xFFFFFF30]  }
0x5a4: {  	v31 =	vld [tilespmem:s12+$0xFFFFFF40]  }
0x5a5: {  	v32 =	vld [tilespmem:s10+$0x20]  }
0x5a6: {  	v33 =	vld [tilespmem:s10+$0x30]  }
0x5a7: {  	v34 =	vld [tilespmem:s12+$0xFFFFFF10]  }
0x5a8: {  	v35 =	vld [tilespmem:s12+$0xFFFFFF20]  }
0x5a9: {  	v36 =	vld [tilespmem:s10+$0x0]  }
0x5aa: {  	v37 =	vld [tilespmem:s10+$0x10]  }
0x5ab: {  	v38 =	vld [tilespmem:s10+$0xFFFFFF80]  }
0x5ac: {  	s11 =	sadd.s32 $0x100, s11;
	v39 =	vld [tilespmem:s10+$0xFFFFFF90]  }
0x5ad: {  	p2 =	slt.u32 s11, $0xF00;
	v40 =	vld [tilespmem:s10+$0xFFFFFFA0]  }
0x5ae: {  	v41 =	vld [tilespmem:s10+$0xFFFFFFB0]  }
0x5af: {  	v42 =	vld [tilespmem:s10+$0xFFFFFFC0]  }
0x5b0: {  	v43 =	vld [tilespmem:s10+$0xFFFFFFD0]  }
0x5b1: {  	v44 =	vld [tilespmem:s10+$0xFFFFFFE0]  }
0x5b2: {  	v45 =	vld [tilespmem:s10+$0xFFFFFFF0]  }
0x5b3: {  	v38 =	vld.idx.msk [tilespmem:v38+s5+$0x0], $0xffff  }
0x5b4: {  	v39 =	vld.idx.msk [tilespmem:v39+s5+$0x0], $0xffff  }
0x5b5: {  	v40 =	vld.idx.msk [tilespmem:v40+s5+$0x0], $0xffff  }
0x5b6: {  	v41 =	vld.idx.msk [tilespmem:v41+s5+$0x0], $0xffff  }
0x5b7: {  	v42 =	vld.idx.msk [tilespmem:v42+s5+$0x0], $0xffff  }
0x5b8: {  	v43 =	vld.idx.msk [tilespmem:v43+s5+$0x0], $0xffff  }
0x5b9: {  	v44 =	vld.idx.msk [tilespmem:v44+s5+$0x0], $0xffff  }
0x5ba: {  	v34 =	vmul.f32 v34, v38;
	v35 =	vmul.f32 v35, v39;
	v38 =	vld.idx.msk [tilespmem:v45+s5+$0x0], $0xffff  }
0x5bb: {  	v30 =	vmul.f32 v30, v40;
	v36 =	vld.idx.msk [tilespmem:v36+s5+$0x0], $0xffff  }
0x5bc: {  	v17 =	vadd.f32 v34, v17;
	v18 =	vadd.f32 v35, v18;
	v31 =	vmul.f32 v31, v41;
	v34 =	vld.idx.msk [tilespmem:v37+s5+$0x0], $0xffff  }
0x5bd: {  	v35 =	vmul.f32 v21, v42;
	v32 =	vld.idx.msk [tilespmem:v32+s5+$0x0], $0xffff  }
0x5be: {  	v17 =	vadd.f32 v30, v17;
	v18 =	vadd.f32 v31, v18;
	v30 =	vmul.f32 v25, v43;
	v21 =	vld.idx.msk [tilespmem:v33+s5+$0x0], $0xffff  }
.Ltmp17:
0x5bf: {  	v19 =	vmul.f32 v19, v44;
	v25 =	vld.idx.msk [tilespmem:v27+s5+$0x0], $0xffff;
	(pc) =	sbr.rel @p2 .LBB2_36-.Ltmp17, $4  }
0x5c0: {  	v17 =	vadd.f32 v35, v17;
	v18 =	vadd.f32 v30, v18;
	v30 =	vmul.f32 v23, v38;
	v23 =	vld.idx.msk [tilespmem:v29+s5+$0x0], $0xffff  }
0x5c1: {  	v27 =	vmul.f32 v22, v36;
	v24 =	vld.idx.msk [tilespmem:v24+s5+$0x0], $0xffff  }
0x5c2: {  	v29 =	vadd.f32 v19, v17;
	v30 =	vadd.f32 v30, v18;
	v31 =	vmul.f32 v14, v34;
	v22 =	vld.idx.msk [tilespmem:v26+s5+$0x0], $0xffff  }
0x5c3: {  	v28 =	vmul.f32 v28, v32;
	v26 =	vld [tilespmem:s12+$0x0];
	s12 =	sadd.s32 $0x100, s12  }
0x5c4: {  	_ =	swait.ge [sflag:s21], $0x1000  }
0x5c5: {  	[sflag:s21] =	ssyncset.done $0x0  }
0x5c6: {  	s12 =	simm.s32 $0x1A7F0;
	[sflag:s21] =	ssyncadd.s32 $0xFFFFF000  }
0x5c7: {  	[tilespmem:s6], [sflag:$0x3] =	stream.strided.gather [hbm4b:s30+s7], $0x1000, s8, s7, $0x38;
	[tilespmem:$0x1FB00] =	vst v63  }
0x5c8: {  	v17 =	vld [tilespmem:s12+$0xFFFFFFF0]  }
0x5c9: {  	v18 =	vld [tilespmem:s12+$0xFFFFFFD0]  }
0x5ca: {  	v14 =	vld [tilespmem:s12+$0xFFFFFFE0]  }
0x5cb: {  	v32 =	vld [tilespmem:s12+$0xFFFFFFB0]  }
0x5cc: {  	v19 =	vld [tilespmem:s12+$0xFFFFFFC0]  }
0x5cd: {  	v33 =	vld [tilespmem:s12+$0xFFFFFF90]  }
0x5ce: {  	v34 =	vld [tilespmem:s12+$0xFFFFFFA0]  }
0x5cf: {  	v35 =	vld [tilespmem:s12+$0xFFFFFF70]  }
0x5d0: {  	s10 =	simm.s32 $0x1C780;
	v36 =	vld [tilespmem:s12+$0xFFFFFF80]  }
0x5d1: {  	v37 =	vld [tilespmem:s10+$0x60]  }
0x5d2: {  	v38 =	vld [tilespmem:s10+$0x70]  }
0x5d3: {  	v39 =	vld [tilespmem:s12+$0xFFFFFF50]  }
0x5d4: {  	v40 =	vld [tilespmem:s12+$0xFFFFFF60]  }
0x5d5: {  	v41 =	vld [tilespmem:s10+$0x40]  }
0x5d6: {  	v42 =	vld [tilespmem:s10+$0x50]  }
0x5d7: {  	v43 =	vld [tilespmem:s12+$0xFFFFFF30]  }
0x5d8: {  	v44 =	vld [tilespmem:s12+$0xFFFFFF40]  }
0x5d9: {  	v45 =	vld [tilespmem:s10+$0x20]  }
0x5da: {  	v46 =	vld [tilespmem:s10+$0x30]  }
0x5db: {  	v47 =	vld [tilespmem:s12+$0xFFFFFF10]  }
0x5dc: {  	v48 =	vld [tilespmem:s12+$0xFFFFFF20]  }
0x5dd: {  	v49 =	vld [tilespmem:s10+$0x0]  }
0x5de: {  	v50 =	vld [tilespmem:s10+$0x10]  }
0x5df: {  	v51 =	vld [tilespmem:s10+$0xFFFFFF80]  }
0x5e0: {  	v52 =	vld [tilespmem:s10+$0xFFFFFF90]  }
0x5e1: {  	v53 =	vld [tilespmem:s10+$0xFFFFFFA0]  }
0x5e2: {  	v54 =	vld [tilespmem:s10+$0xFFFFFFB0]  }
0x5e3: {  	v55 =	vld [tilespmem:s10+$0xFFFFFFC0]  }
0x5e4: {  	v56 =	vld [tilespmem:s10+$0xFFFFFFD0]  }
0x5e5: {  	v57 =	vld [tilespmem:s10+$0xFFFFFFE0]  }
0x5e6: {  	v58 =	vld [tilespmem:s10+$0xFFFFFFF0]  }
0x5e7: {  	v27 =	vadd.f32 v27, v29;
	v51 =	vld.idx.msk [tilespmem:v51+s5+$0x0], $0xffff  }
0x5e8: {  	v30 =	vadd.f32 v31, v30;
	v20 =	vmul.f32 v20, v21;
	v29 =	vld.idx.msk [tilespmem:v52+s5+$0x0], $0xffff  }
0x5e9: {  	v16 =	vmul.f32 v16, v25;
	v25 =	vadd.f32 v28, v27;
	v21 =	vld.idx.msk [tilespmem:v53+s5+$0x0], $0xffff  }
0x5ea: {  	v13 =	vmul.f32 v13, v23;
	v20 =	vadd.f32 v20, v30;
	v27 =	vld.idx.msk [tilespmem:v54+s5+$0x0], $0xffff  }
0x5eb: {  	v15 =	vmul.f32 v15, v24;
	v16 =	vadd.f32 v16, v25;
	v23 =	vld.idx.msk [tilespmem:v55+s5+$0x0], $0xffff  }
0x5ec: {  	v13 =	vadd.f32 v13, v20;
	v20 =	vmul.f32 v26, v22;
	v24 =	vld.idx.msk [tilespmem:v56+s5+$0x0], $0xffff  }
0x5ed: {  	v15 =	vadd.f32 v15, v16;
	v22 =	vld.idx.msk [tilespmem:v57+s5+$0x0], $0xffff  }
0x5ee: {  	v13 =	vadd.f32 v20, v13;
	v26 =	vld.idx.msk [tilespmem:v58+s5+$0x0], $0xffff;
	v16 =	vmul.f32 v47, v51;
	v20 =	vmul.f32 v48, v29  }
0x5ef: {  	v28 =	vld.idx.msk [tilespmem:v49+s5+$0x0], $0xffff;
	v21 =	vmul.f32 v43, v21  }
0x5f0: {  	v63 =	vld.idx.msk [tilespmem:v45+s5+$0x0], $0xffff;
	v15 =	vadd.f32 v16, v15;
	v13 =	vadd.f32 v20, v13;
	v20 =	vmul.f32 v44, v27  }
0x5f1: {  	v23 =	vmul.f32 v39, v23;
	v16 =	vld.idx.msk [tilespmem:v50+s5+$0x0], $0xffff  }
0x5f2: {  	v25 =	vld.idx.msk [tilespmem:v41+s5+$0x0], $0xffff;
	v15 =	vadd.f32 v21, v15;
	v13 =	vadd.f32 v20, v13;
	v20 =	vmul.f32 v40, v24  }
0x5f3: {  	v22 =	vmul.f32 v35, v22;
	v21 =	vld.idx.msk [tilespmem:v46+s5+$0x0], $0xffff  }
0x5f4: {  	v24 =	vld.idx.msk [tilespmem:v37+s5+$0x0], $0xffff;
	v15 =	vadd.f32 v23, v15;
	v13 =	vadd.f32 v20, v13;
	v20 =	vmul.f32 v36, v26  }
0x5f5: {  	v27 =	vmul.f32 v33, v28;
	v23 =	vld.idx.msk [tilespmem:v42+s5+$0x0], $0xffff  }
0x5f6: {  	v26 =	vld [tilespmem:s12+$0x0];
	v31 =	vmul.f32 v34, v16;
	v29 =	vadd.f32 v22, v15;
	v30 =	vadd.f32 v20, v13  }
0x5f7: {  	s11 =	simm.s32 $0x0;
	v28 =	vmul.f32 v32, v63;
	s12 =	simm.s32 $0x1A8F0;
	v22 =	vld.idx.msk [tilespmem:v38+s5+$0x0], $0xffff  }
.LBB2_38:
0x5f8: {  	v13 =	vld [tilespmem:s12+$0xFFFFFFF0];
	v15 =	vadd.f32 v27, v29;
	v16 =	vadd.f32 v31, v30;
	v19 =	vmul.f32 v19, v21  }
0x5f9: {  	v20 =	vmul.f32 v18, v25;
	v18 =	vld [tilespmem:s12+$0xFFFFFFD0]  }
0x5fa: {  	v21 =	vmul.f32 v14, v23;
	v15 =	vadd.f32 v28, v15;
	v16 =	vadd.f32 v19, v16;
	v14 =	vld [tilespmem:s12+$0xFFFFFFE0]  }
0x5fb: {  	v23 =	vmul.f32 v17, v24;
	v28 =	vld [tilespmem:s12+$0xFFFFFFB0]  }
0x5fc: {  	v19 =	vld [tilespmem:s12+$0xFFFFFFC0];
	v15 =	vadd.f32 v20, v15;
	v16 =	vadd.f32 v21, v16;
	v20 =	vmul.f32 v26, v22  }
0x5fd: {  	v22 =	vld [tilespmem:s12+$0xFFFFFF90];
	v17 =	vmov v13  }
0x5fe: {  	v13 =	vld [tilespmem:s12+$0xFFFFFFA0];
	v15 =	vadd.f32 v23, v15;
	v16 =	vadd.f32 v20, v16  }
0x5ff: {  	v20 =	vld [tilespmem:s12+$0xFFFFFF70]  }
0x600: {  	s10 =	sadd.s32 $0x100, s10;
	v23 =	vld [tilespmem:s12+$0xFFFFFF80]  }
0x601: {  	v24 =	vld [tilespmem:s10+$0x60]  }
0x602: {  	v26 =	vld [tilespmem:s10+$0x70]  }
0x603: {  	v21 =	vld [tilespmem:s12+$0xFFFFFF50]  }
0x604: {  	v25 =	vld [tilespmem:s12+$0xFFFFFF60]  }
0x605: {  	v27 =	vld [tilespmem:s10+$0x40]  }
0x606: {  	v29 =	vld [tilespmem:s10+$0x50]  }
0x607: {  	v30 =	vld [tilespmem:s12+$0xFFFFFF30]  }
0x608: {  	v31 =	vld [tilespmem:s12+$0xFFFFFF40]  }
0x609: {  	v32 =	vld [tilespmem:s10+$0x20]  }
0x60a: {  	v33 =	vld [tilespmem:s10+$0x30]  }
0x60b: {  	v34 =	vld [tilespmem:s12+$0xFFFFFF10]  }
0x60c: {  	v35 =	vld [tilespmem:s12+$0xFFFFFF20]  }
0x60d: {  	v36 =	vld [tilespmem:s10+$0x0]  }
0x60e: {  	v37 =	vld [tilespmem:s10+$0x10]  }
0x60f: {  	v38 =	vld [tilespmem:s10+$0xFFFFFF80]  }
0x610: {  	s11 =	sadd.s32 $0x100, s11;
	v39 =	vld [tilespmem:s10+$0xFFFFFF90]  }
0x611: {  	p2 =	slt.u32 s11, $0xF00;
	v40 =	vld [tilespmem:s10+$0xFFFFFFA0]  }
0x612: {  	v41 =	vld [tilespmem:s10+$0xFFFFFFB0]  }
0x613: {  	v42 =	vld [tilespmem:s10+$0xFFFFFFC0]  }
0x614: {  	v43 =	vld [tilespmem:s10+$0xFFFFFFD0]  }
0x615: {  	v44 =	vld [tilespmem:s10+$0xFFFFFFE0]  }
0x616: {  	v45 =	vld [tilespmem:s10+$0xFFFFFFF0]  }
0x617: {  	v38 =	vld.idx.msk [tilespmem:v38+s5+$0x0], $0xffff  }
0x618: {  	v39 =	vld.idx.msk [tilespmem:v39+s5+$0x0], $0xffff  }
0x619: {  	v40 =	vld.idx.msk [tilespmem:v40+s5+$0x0], $0xffff  }
0x61a: {  	v41 =	vld.idx.msk [tilespmem:v41+s5+$0x0], $0xffff  }
0x61b: {  	v42 =	vld.idx.msk [tilespmem:v42+s5+$0x0], $0xffff  }
0x61c: {  	v43 =	vld.idx.msk [tilespmem:v43+s5+$0x0], $0xffff  }
0x61d: {  	v44 =	vld.idx.msk [tilespmem:v44+s5+$0x0], $0xffff  }
0x61e: {  	v34 =	vmul.f32 v34, v38;
	v35 =	vmul.f32 v35, v39;
	v38 =	vld.idx.msk [tilespmem:v45+s5+$0x0], $0xffff  }
0x61f: {  	v30 =	vmul.f32 v30, v40;
	v36 =	vld.idx.msk [tilespmem:v36+s5+$0x0], $0xffff  }
0x620: {  	v15 =	vadd.f32 v34, v15;
	v16 =	vadd.f32 v35, v16;
	v31 =	vmul.f32 v31, v41;
	v34 =	vld.idx.msk [tilespmem:v37+s5+$0x0], $0xffff  }
0x621: {  	v35 =	vmul.f32 v21, v42;
	v32 =	vld.idx.msk [tilespmem:v32+s5+$0x0], $0xffff  }
0x622: {  	v15 =	vadd.f32 v30, v15;
	v16 =	vadd.f32 v31, v16;
	v30 =	vmul.f32 v25, v43;
	v21 =	vld.idx.msk [tilespmem:v33+s5+$0x0], $0xffff  }
.Ltmp18:
0x623: {  	v20 =	vmul.f32 v20, v44;
	v25 =	vld.idx.msk [tilespmem:v27+s5+$0x0], $0xffff;
	(pc) =	sbr.rel @p2 .LBB2_38-.Ltmp18, $4  }
0x624: {  	v15 =	vadd.f32 v35, v15;
	v16 =	vadd.f32 v30, v16;
	v30 =	vmul.f32 v23, v38;
	v23 =	vld.idx.msk [tilespmem:v29+s5+$0x0], $0xffff  }
0x625: {  	v27 =	vmul.f32 v22, v36;
	v24 =	vld.idx.msk [tilespmem:v24+s5+$0x0], $0xffff  }
0x626: {  	v29 =	vadd.f32 v20, v15;
	v30 =	vadd.f32 v30, v16;
	v31 =	vmul.f32 v13, v34;
	v22 =	vld.idx.msk [tilespmem:v26+s5+$0x0], $0xffff  }
0x627: {  	v28 =	vmul.f32 v28, v32;
	v26 =	vld [tilespmem:s12+$0x0];
	s12 =	sadd.s32 $0x100, s12  }
0x628: {  	_ =	swait.ge [sflag:s21], $0x1000  }
0x629: {  	[sflag:s21] =	ssyncset.done $0x0  }
0x62a: {  	s12 =	simm.s32 $0x1B7F0;
	[sflag:s21] =	ssyncadd.s32 $0xFFFFF000  }
0x62b: {  	v16 =	vld [tilespmem:s12+$0xFFFFFFF0]  }
0x62c: {  	v15 =	vld [tilespmem:s12+$0xFFFFFFD0]  }
0x62d: {  	v13 =	vld [tilespmem:s12+$0xFFFFFFE0]  }
0x62e: {  	v32 =	vld [tilespmem:s12+$0xFFFFFFB0]  }
0x62f: {  	v20 =	vld [tilespmem:s12+$0xFFFFFFC0]  }
0x630: {  	v33 =	vld [tilespmem:s12+$0xFFFFFF90]  }
0x631: {  	v34 =	vld [tilespmem:s12+$0xFFFFFFA0]  }
0x632: {  	v35 =	vld [tilespmem:s12+$0xFFFFFF70]  }
0x633: {  	s10 =	simm.s32 $0x1D780;
	v36 =	vld [tilespmem:s12+$0xFFFFFF80]  }
0x634: {  	v37 =	vld [tilespmem:s10+$0x60]  }
0x635: {  	v38 =	vld [tilespmem:s10+$0x70]  }
0x636: {  	v39 =	vld [tilespmem:s12+$0xFFFFFF50]  }
0x637: {  	v40 =	vld [tilespmem:s12+$0xFFFFFF60]  }
0x638: {  	v41 =	vld [tilespmem:s10+$0x40]  }
0x639: {  	v42 =	vld [tilespmem:s10+$0x50]  }
0x63a: {  	v43 =	vld [tilespmem:s12+$0xFFFFFF30]  }
0x63b: {  	v44 =	vld [tilespmem:s12+$0xFFFFFF40]  }
0x63c: {  	v45 =	vld [tilespmem:s10+$0x20]  }
0x63d: {  	v46 =	vld [tilespmem:s10+$0x30]  }
0x63e: {  	v47 =	vld [tilespmem:s12+$0xFFFFFF10]  }
0x63f: {  	v48 =	vld [tilespmem:s12+$0xFFFFFF20]  }
0x640: {  	v49 =	vld [tilespmem:s10+$0x0]  }
0x641: {  	v50 =	vld [tilespmem:s10+$0x10]  }
0x642: {  	v51 =	vld [tilespmem:s10+$0xFFFFFF80]  }
0x643: {  	v52 =	vld [tilespmem:s10+$0xFFFFFF90]  }
0x644: {  	v53 =	vld [tilespmem:s10+$0xFFFFFFA0]  }
0x645: {  	v54 =	vld [tilespmem:s10+$0xFFFFFFB0]  }
0x646: {  	v55 =	vld [tilespmem:s10+$0xFFFFFFC0]  }
0x647: {  	v56 =	vld [tilespmem:s10+$0xFFFFFFD0]  }
0x648: {  	v57 =	vld [tilespmem:s10+$0xFFFFFFE0]  }
0x649: {  	v58 =	vld [tilespmem:s10+$0xFFFFFFF0]  }
0x64a: {  	v27 =	vadd.f32 v27, v29;
	v51 =	vld.idx.msk [tilespmem:v51+s5+$0x0], $0xffff  }
0x64b: {  	v30 =	vadd.f32 v31, v30;
	v19 =	vmul.f32 v19, v21;
	v29 =	vld.idx.msk [tilespmem:v52+s5+$0x0], $0xffff  }
0x64c: {  	v18 =	vmul.f32 v18, v25;
	v25 =	vadd.f32 v28, v27;
	v21 =	vld.idx.msk [tilespmem:v53+s5+$0x0], $0xffff  }
0x64d: {  	v14 =	vmul.f32 v14, v23;
	v19 =	vadd.f32 v19, v30;
	v27 =	vld.idx.msk [tilespmem:v54+s5+$0x0], $0xffff  }
0x64e: {  	v17 =	vmul.f32 v17, v24;
	v18 =	vadd.f32 v18, v25;
	v23 =	vld.idx.msk [tilespmem:v55+s5+$0x0], $0xffff  }
0x64f: {  	v14 =	vadd.f32 v14, v19;
	v19 =	vmul.f32 v26, v22;
	v24 =	vld.idx.msk [tilespmem:v56+s5+$0x0], $0xffff  }
0x650: {  	v17 =	vadd.f32 v17, v18;
	v22 =	vld.idx.msk [tilespmem:v57+s5+$0x0], $0xffff  }
0x651: {  	v14 =	vadd.f32 v19, v14;
	v25 =	vld.idx.msk [tilespmem:v58+s5+$0x0], $0xffff;
	v18 =	vmul.f32 v47, v51;
	v19 =	vmul.f32 v48, v29  }
0x652: {  	v26 =	vld.idx.msk [tilespmem:v49+s5+$0x0], $0xffff;
	v21 =	vmul.f32 v43, v21  }
0x653: {  	v28 =	vld.idx.msk [tilespmem:v50+s5+$0x0], $0xffff;
	v17 =	vadd.f32 v18, v17;
	v18 =	vadd.f32 v19, v14;
	v19 =	vmul.f32 v44, v27  }
0x654: {  	v29 =	vld.idx.msk [tilespmem:v45+s5+$0x0], $0xffff;
	v23 =	vmul.f32 v39, v23  }
0x655: {  	v24 =	vmul.f32 v40, v24;
	v14 =	vld.idx.msk [tilespmem:v46+s5+$0x0], $0xffff;
	v21 =	vadd.f32 v21, v17;
	v19 =	vadd.f32 v19, v18  }
0x656: {  	v22 =	vmul.f32 v35, v22;
	v17 =	vld.idx.msk [tilespmem:v41+s5+$0x0], $0xffff  }
0x657: {  	v27 =	vmul.f32 v36, v25;
	v18 =	vld.idx.msk [tilespmem:v42+s5+$0x0], $0xffff;
	v21 =	vadd.f32 v23, v21;
	v24 =	vadd.f32 v24, v19  }
0x658: {  	v19 =	vld.idx.msk [tilespmem:v37+s5+$0x0], $0xffff;
	v23 =	vmul.f32 v33, v26  }
0x659: {  	v25 =	vadd.f32 v22, v21;
	v21 =	vld.idx.msk [tilespmem:v38+s5+$0x0], $0xffff;
	v26 =	vadd.f32 v27, v24;
	v27 =	vmul.f32 v34, v28  }
0x65a: {  	s11 =	simm.s32 $0x0;
	v24 =	vmul.f32 v32, v29;
	v22 =	vld [tilespmem:s12+$0x0];
	s12 =	simm.s32 $0x1B8F0  }
.LBB2_40:
0x65b: {  	v28 =	vld [tilespmem:s12+$0xFFFFFFF0];
	v23 =	vadd.f32 v23, v25;
	v25 =	vadd.f32 v27, v26;
	v14 =	vmul.f32 v20, v14  }
0x65c: {  	v17 =	vmul.f32 v15, v17;
	v15 =	vld [tilespmem:s12+$0xFFFFFFD0]  }
0x65d: {  	v18 =	vmul.f32 v13, v18;
	v23 =	vadd.f32 v24, v23;
	v14 =	vadd.f32 v14, v25;
	v13 =	vld [tilespmem:s12+$0xFFFFFFE0]  }
0x65e: {  	v19 =	vmul.f32 v16, v19;
	v24 =	vld [tilespmem:s12+$0xFFFFFFB0]  }
0x65f: {  	v20 =	vld [tilespmem:s12+$0xFFFFFFC0];
	v17 =	vadd.f32 v17, v23;
	v14 =	vadd.f32 v18, v14;
	v18 =	vmul.f32 v22, v21  }
0x660: {  	v21 =	vld [tilespmem:s12+$0xFFFFFF90];
	v16 =	vmov v28  }
0x661: {  	v22 =	vld [tilespmem:s12+$0xFFFFFFA0];
	v17 =	vadd.f32 v19, v17;
	v14 =	vadd.f32 v18, v14  }
0x662: {  	v18 =	vld [tilespmem:s12+$0xFFFFFF70]  }
0x663: {  	s10 =	sadd.s32 $0x100, s10;
	v19 =	vld [tilespmem:s12+$0xFFFFFF80]  }
0x664: {  	v25 =	vld [tilespmem:s10+$0x60]  }
0x665: {  	v28 =	vld [tilespmem:s10+$0x70]  }
0x666: {  	v23 =	vld [tilespmem:s12+$0xFFFFFF50]  }
0x667: {  	v26 =	vld [tilespmem:s12+$0xFFFFFF60]  }
0x668: {  	v27 =	vld [tilespmem:s10+$0x40]  }
0x669: {  	v29 =	vld [tilespmem:s10+$0x50]  }
0x66a: {  	v30 =	vld [tilespmem:s12+$0xFFFFFF30]  }
0x66b: {  	v31 =	vld [tilespmem:s12+$0xFFFFFF40]  }
0x66c: {  	v32 =	vld [tilespmem:s10+$0x20]  }
0x66d: {  	v33 =	vld [tilespmem:s10+$0x30]  }
0x66e: {  	v34 =	vld [tilespmem:s12+$0xFFFFFF10]  }
0x66f: {  	v35 =	vld [tilespmem:s12+$0xFFFFFF20]  }
0x670: {  	v36 =	vld [tilespmem:s10+$0x0]  }
0x671: {  	v37 =	vld [tilespmem:s10+$0x10]  }
0x672: {  	v38 =	vld [tilespmem:s10+$0xFFFFFF80]  }
0x673: {  	s11 =	sadd.s32 $0x100, s11;
	v39 =	vld [tilespmem:s10+$0xFFFFFF90]  }
0x674: {  	p2 =	slt.u32 s11, $0xF00;
	v40 =	vld [tilespmem:s10+$0xFFFFFFA0]  }
0x675: {  	v41 =	vld [tilespmem:s10+$0xFFFFFFB0]  }
0x676: {  	v42 =	vld [tilespmem:s10+$0xFFFFFFC0]  }
0x677: {  	v43 =	vld [tilespmem:s10+$0xFFFFFFD0]  }
0x678: {  	v44 =	vld [tilespmem:s10+$0xFFFFFFE0]  }
0x679: {  	v45 =	vld [tilespmem:s10+$0xFFFFFFF0]  }
0x67a: {  	v38 =	vld.idx.msk [tilespmem:v38+s5+$0x0], $0xffff  }
0x67b: {  	v39 =	vld.idx.msk [tilespmem:v39+s5+$0x0], $0xffff  }
0x67c: {  	v40 =	vld.idx.msk [tilespmem:v40+s5+$0x0], $0xffff  }
0x67d: {  	v41 =	vld.idx.msk [tilespmem:v41+s5+$0x0], $0xffff  }
0x67e: {  	v42 =	vld.idx.msk [tilespmem:v42+s5+$0x0], $0xffff  }
0x67f: {  	v43 =	vld.idx.msk [tilespmem:v43+s5+$0x0], $0xffff  }
0x680: {  	v44 =	vld.idx.msk [tilespmem:v44+s5+$0x0], $0xffff  }
0x681: {  	v34 =	vmul.f32 v34, v38;
	v35 =	vmul.f32 v35, v39;
	v38 =	vld.idx.msk [tilespmem:v45+s5+$0x0], $0xffff  }
0x682: {  	v30 =	vmul.f32 v30, v40;
	v36 =	vld.idx.msk [tilespmem:v36+s5+$0x0], $0xffff  }
0x683: {  	v17 =	vadd.f32 v34, v17;
	v14 =	vadd.f32 v35, v14;
	v31 =	vmul.f32 v31, v41;
	v34 =	vld.idx.msk [tilespmem:v37+s5+$0x0], $0xffff  }
0x684: {  	v23 =	vmul.f32 v23, v42;
	v32 =	vld.idx.msk [tilespmem:v32+s5+$0x0], $0xffff  }
0x685: {  	v30 =	vadd.f32 v30, v17;
	v31 =	vadd.f32 v31, v14;
	v26 =	vmul.f32 v26, v43;
	v14 =	vld.idx.msk [tilespmem:v33+s5+$0x0], $0xffff  }
.Ltmp19:
0x686: {  	v33 =	vmul.f32 v18, v44;
	v17 =	vld.idx.msk [tilespmem:v27+s5+$0x0], $0xffff;
	(pc) =	sbr.rel @p2 .LBB2_40-.Ltmp19, $4  }
0x687: {  	v27 =	vadd.f32 v23, v30;
	v26 =	vadd.f32 v26, v31;
	v30 =	vmul.f32 v19, v38;
	v18 =	vld.idx.msk [tilespmem:v29+s5+$0x0], $0xffff  }
0x688: {  	v23 =	vmul.f32 v21, v36;
	v19 =	vld.idx.msk [tilespmem:v25+s5+$0x0], $0xffff  }
0x689: {  	v25 =	vadd.f32 v33, v27;
	v26 =	vadd.f32 v30, v26;
	v27 =	vmul.f32 v22, v34;
	v21 =	vld.idx.msk [tilespmem:v28+s5+$0x0], $0xffff  }
0x68a: {  	v24 =	vmul.f32 v24, v32;
	v22 =	vld [tilespmem:s12+$0x0];
	s12 =	sadd.s32 $0x100, s12  }
0x68b: {  	v23 =	vadd.f32 v23, v25;
	v62 =	vadd.f32 v27, v26;
	v14 =	vmul.f32 v20, v14  }
0x68c: {  	v15 =	vmul.f32 v15, v17  }
0x68d: {  	v13 =	vmul.f32 v13, v18;
	v63 =	vadd.f32 v24, v23;
	v14 =	vadd.f32 v14, v62  }
0x68e: {  	[tilespmem:$0x18710] =	vst v12;
	v16 =	vmul.f32 v16, v19  }
0x68f: {  	[tilespmem:$0x18720] =	vst v12;
	v15 =	vadd.f32 v15, v63;
	v13 =	vadd.f32 v13, v14;
	v14 =	vmul.f32 v22, v21  }
0x690: {  	[tilespmem:$0x18730] =	vst v12  }
0x691: {  	[tilespmem:$0x18740] =	vst v12;
	v15 =	vadd.f32 v16, v15;
	v13 =	vadd.f32 v14, v13  }
0x692: {  	[tilespmem:$0x18750] =	vst v12  }
0x693: {  	[tilespmem:$0x18760] =	vst v12;
	s19 =	sadd.s32 $0x1, s19;
	v13 =	vadd.f32 v13, v15  }
0x694: {  	[tilespmem:$0x18770] =	vst v12;
	p2 =	sne.s32 s19, s23  }
.Ltmp20:
0x695: {  	s10 =	simm.s32 $0x18700;
	[tilespmem:$0x18700] =	vst v13;
	(pc) =	sbr.rel @p2 .LBB2_1-.Ltmp20, $4  }
0x696: {  	[hbm4b:s22+s5] =	stream.linear.scatter [tilespmem:s10], [sflag:$0x4], $0x80, $0x38;
	[tilespmem:$0x1FB00] =	vst v63  }
0x697: {  	_ =	swait.ge [sflag:s4], $0x80  }
0x698: {  	[sflag:s4] =	ssyncset.done $0x0  }
0x699: {  	[sflag:s4] =	ssyncadd.s32 $0xFFFFFF80  }
0x69a: {  	_ =	sfence.sel $0x180000  }
0x69b: {  	[bflag:$0x0] =	sbarrier.arrive $0xFFFF  }
0x69c: {  	_ =	strace $0x90000047  }
0x69d: {  	s0 =	stileid.u32;
	[bflag:$0x2] =	sbarrier.arrive $0xFFFF  }
0x69e: {  	p0 =	sne.s32 s0, $0x0;
	s0 =	rddreg [dreg:$0x7]  }
0x69f: {  	s0 =	sadd.s32 @!p0 $0x100000, s0  }
0x6a0: {  	[sflag:s0] =	ssyncadd.tile.s32 @!p0 $0x1;
	_ =	shalt  }
.Lfunc_end2:
_tile_overlayer_lowered:
.L_overlay_start_2:
0x6a1: {  	(tag) =	ssettag $0x2  }
0x6a2: {  	s0 =	rddreg [dreg:$0x0];
	s2 =	stileid.u32  }
0x6a3: {  	s1 =	rddreg [dreg:$0x1];
	p0 =	sne.s32 s2, $0x0  }
0x6a4: {  	s3 =	rddreg [dreg:$0x2];
	[bflag:$0x3] =	sbarrier.arrive $0xFFFF;
	s2 =	simm.s32 @!p0 $0x1C04  }
0x6a5: {  	[timem:s3], [sflag:s2] =	dma.local @!p0 [hbm:s0], s1  }
0x6a6: {  	s0 =	simm.s32 @!p0 $0x4  }
0x6a7: {  	_ =	swait.ge @!p0 [sflag:s0], s1  }
0x6a8: {  	s1 =	ssub.s32 @!p0 $0x0, s1;
	[sflag:s0] =	ssyncset.done @!p0 $0x0  }
0x6a9: {  	[sflag:s0] =	ssyncadd.s32 @!p0 s1  }
0x6aa: {  	[bflag:$0x3] =	sbarrier.arrive $0xFFFF  }
0x6ab: {  	_ =	shalt  }

</sc_bundles>
